<compile_context>
chip_gen: v7x
topology: tpu7x:2x2x1
jax: 0.10.2.dev20260603
libtpu: 0.0.44.dev20260713+nightly
codegen_flags: <defaults>
</compile_context>

<pallas_src>
import functools

import jax
import jax.numpy as jnp
from jax import lax
from jax.experimental import pallas as pl
from jax.experimental.pallas import tpu as pltpu
from jax.experimental.pallas import tpu_sc as plsc

_B, _Q, _C = 16, 300, 91
_N = _Q * _C
_H = _N // 2
_G = 864
_HP = 16 * _G
_GC = _G // 16
_IT = _Q * 117
_ITW = 35104
_K = 50
_KP = 64
_NC = 128
_MINI32 = -2147483648
_AMAX = _B * _N - _HP


def _skey(u):
    m = lax.shift_right_logical(lax.shift_right_arithmetic(u, 31), 1)
    return lax.bitwise_xor(u, m)


def _ceil16(x):
    return lax.shift_left(lax.shift_right_logical(x + 15, 4), 4)



def _sc_body(lg_hbm, itm_hbm, bx_hbm,
             outk_hbm, outi_hbm, outb_hbm, outm_hbm, outa_hbm,
             data_v, cm_v, cm2_v, resk_v, resi_v, rowq_v,
             itm_v, bx_v, cb_v, crm_v, cra_v, sem1, sem2):
    c = lax.axis_index("c")
    s = lax.axis_index("s")
    wid = s * 2 + c
    b = lax.shift_right_logical(wid, 1)

    o = wid * _H
    lo = _ceil16(o)
    hi = _ceil16(o + _H)
    a = pl.multiple_of(jnp.minimum(lo, _AMAX), 16)

    io = b * _IT
    ia = pl.multiple_of(lax.shift_left(lax.shift_right_logical(io, 3), 3), 8)
    d = io - ia
    cp1 = pltpu.async_copy(itm_hbm.at[pl.ds(ia, _ITW)], itm_v, sem1)
    cp2 = pltpu.async_copy(bx_hbm.at[pl.ds(pl.multiple_of(b * _Q * 4, 8),
                                           _Q * 4)], bx_v, sem2)
    pltpu.sync_copy(lg_hbm.at[pl.ds(a, _HP)], data_v)

    iota16 = lax.iota(jnp.int32, 16)
    minv = jnp.full((16,), _MINI32, jnp.int32)
    rlo = lo - a
    rhi = hi - a

    def cm_chunk(ci, carry):
        off = pl.multiple_of(ci * 16, 16)
        acc = minv
        for r in range(16):
            raw = data_v[pl.ds(r * _G + off, 16)]
            sk = _skey(lax.bitcast_convert_type(raw, jnp.int32))
            p = r * _G + off + iota16
            sk = jnp.where((p >= rlo) & (p < rhi), sk, _MINI32)
            acc = jnp.maximum(acc, sk)
        cm_v[pl.ds(off, 16)] = acc
        return carry

    lax.fori_loop(0, _GC, cm_chunk, 0)

    for t in range(4):
        base = (t * 16 + iota16) * 16
        acc = minv
        for j in range(16):
            ok = (t * 16 + iota16) < _GC
            v = plsc.load_gather(cm_v, [jnp.where(ok, base + j, 0)])
            acc = jnp.maximum(acc, jnp.where(ok, v, _MINI32))
        cm2_v[pl.ds(t * 16, 16)] = acc

    for t in range(4):
        resk_v[pl.ds(t * 16, 16)] = minv
        resi_v[pl.ds(t * 16, 16)] = jnp.zeros((16,), jnp.int32)
        rowq_v[pl.ds(t * 16, 16)] = jnp.zeros((16,), jnp.int32)

    def step(k, carry):
        acc = minv
        for t in range(4):
            acc = jnp.maximum(acc, cm2_v[pl.ds(t * 16, 16)])
        gm = jnp.max(acc)
        best = jnp.full((16,), 9999, jnp.int32)
        for t in range(4):
            v = cm2_v[pl.ds(t * 16, 16)]
            m = v == gm
            cnt = plsc.all_reduce_population_count(m)
            ffs = plsc.all_reduce_ffs(m)
            best = jnp.minimum(best, jnp.where(cnt > 0, t * 16 + ffs, 9999))
        j2 = best
        cmv = plsc.load_gather(cm_v, [j2 * 16 + iota16])
        r1 = plsc.all_reduce_ffs(cmv == gm)
        g = j2 * 16 + r1
        didx = iota16 * _G + g
        raw = plsc.load_gather(data_v, [didx])
        sk = _skey(lax.bitcast_convert_type(raw, jnp.int32))
        sk = jnp.where((didx >= rlo) & (didx < rhi), sk, _MINI32)
        r2 = plsc.all_reduce_ffs(sk == gm)
        gi = a + r2 * _G + g - b * _N
        kk = jnp.full((16,), k, jnp.int32)
        lane0 = iota16 == 0
        plsc.store_scatter(resk_v, [kk], jnp.full((16,), gm, jnp.int32),
                           mask=lane0)
        plsc.store_scatter(resi_v, [kk], gi, mask=lane0)
        row = lax.shift_right_logical(gi * 11523, 20)
        plsc.store_scatter(rowq_v, [kk], row, mask=lane0)
        msel = iota16 == r2
        plsc.store_scatter(
            data_v, [didx],
            lax.bitcast_convert_type(jnp.full((16,), -1, jnp.int32),
                                     jnp.float32),
            mask=msel)
        ngm = jnp.max(jnp.where(msel, _MINI32, sk))
        plsc.store_scatter(cm_v, [g], jnp.full((16,), ngm, jnp.int32),
                           mask=lane0)
        ncm2 = jnp.max(jnp.where(iota16 == r1, ngm, cmv))
        plsc.store_scatter(cm2_v, [j2], jnp.full((16,), ncm2, jnp.int32),
                           mask=lane0)
        return carry

    lax.fori_loop(0, _K, step, 0)

    cp1.wait()
    cp2.wait()

    crows = [rowq_v[pl.ds(t * 16, 16)] for t in range(4)]
    bases = [d + cr * 117 for cr in crows]

    def col(j, carry):
        st = list(carry)
        out = []
        for t in range(4):
            cur, arg = st[2 * t], st[2 * t + 1]
            vals = plsc.load_gather(itm_v, [bases[t] + j])
            upd = vals > cur
            out.append(jnp.maximum(cur, vals))
            out.append(jnp.where(upd, j, arg))
        return tuple(out)

    cur0 = jnp.full((16,), -3.4e38, jnp.float32)
    arg0 = jnp.zeros((16,), jnp.int32)
    st = lax.fori_loop(0, 117, col, (cur0, arg0) * 4)
    for t in range(4):
        crm_v[pl.ds(t * 16, 16)] = st[2 * t]
        cra_v[pl.ds(t * 16, 16)] = st[2 * t + 1]

    for t in range(4):
        cr = crows[t]
        cx = plsc.load_gather(bx_v, [cr * 4])
        cy = plsc.load_gather(bx_v, [cr * 4 + 1])
        w = plsc.load_gather(bx_v, [cr * 4 + 2])
        hh = plsc.load_gather(bx_v, [cr * 4 + 3])
        cb_v[pl.ds(0 * _KP + t * 16, 16)] = cx - 0.5 * w
        cb_v[pl.ds(1 * _KP + t * 16, 16)] = cy - 0.5 * hh
        cb_v[pl.ds(2 * _KP + t * 16, 16)] = cx + 0.5 * w
        cb_v[pl.ds(3 * _KP + t * 16, 16)] = cy + 0.5 * hh

    pltpu.sync_copy(resk_v, outk_hbm.at[wid])
    pltpu.sync_copy(resi_v, outi_hbm.at[wid])
    pltpu.sync_copy(cb_v, outb_hbm.at[wid])
    pltpu.sync_copy(crm_v, outm_hbm.at[wid])
    pltpu.sync_copy(cra_v, outa_hbm.at[wid])


@functools.partial(
    pl.kernel,
    mesh=plsc.VectorSubcoreMesh(core_axis_name="c", subcore_axis_name="s"),
    compiler_params=pltpu.CompilerParams(needs_layout_passes=False),
    out_type=[
        jax.ShapeDtypeStruct((32, _KP), jnp.int32),
        jax.ShapeDtypeStruct((32, _KP), jnp.int32),
        jax.ShapeDtypeStruct((32, 4 * _KP), jnp.float32),
        jax.ShapeDtypeStruct((32, _KP), jnp.float32),
        jax.ShapeDtypeStruct((32, _KP), jnp.int32),
    ],
    scratch_types=[
        pltpu.VMEM((_HP,), jnp.float32),
        pltpu.VMEM((_G,), jnp.int32),
        pltpu.VMEM((64,), jnp.int32),
        pltpu.VMEM((_KP,), jnp.int32),
        pltpu.VMEM((_KP,), jnp.int32),
        pltpu.VMEM((_KP,), jnp.int32),
        pltpu.VMEM((_ITW,), jnp.float32),
        pltpu.VMEM((_Q * 4,), jnp.float32),
        pltpu.VMEM((4 * _KP,), jnp.float32),
        pltpu.VMEM((_KP,), jnp.float32),
        pltpu.VMEM((_KP,), jnp.int32),
        pltpu.SemaphoreType.DMA,
        pltpu.SemaphoreType.DMA,
    ],
)
def _sc_topk(lg_hbm, itm_hbm, bx_hbm, outk, outi, outb, outm, outa, *scratch):
    _sc_body(lg_hbm, itm_hbm, bx_hbm, outk, outi, outb, outm, outa, *scratch)



def _tc_body(ck_ref, ci_ref, cb_ref, crm_ref, cra_ref, pa_ref, ts_ref,
             scores_ref, labels_ref, boxeso_ref, si_ref, li_ref, la_ref,
             xk_ref):
    xk_ref[...] = ck_ref[...]
    ci = ci_ref[...]
    cb = cb_ref[...]
    crm = crm_ref[...]
    cra = cra_ref[...]

    lane_c = lax.broadcasted_iota(jnp.int32, (_B, _NC), 1)
    lane_k = lax.broadcasted_iota(jnp.int32, (_B, _KP), 1)

    def step(k, carry):
        a_key, a_idx, a_b0, a_b1, a_b2, a_b3, a_rm, a_ra = carry
        x = xk_ref[...]
        gm = jnp.max(x, axis=1, keepdims=True)
        eq = x == gm
        minci = jnp.min(jnp.where(eq, ci, jnp.int32(2 ** 30)), axis=1,
                        keepdims=True)
        sel = eq & (ci == minci)
        xk_ref[...] = jnp.where(sel, jnp.int32(_MINI32), x)
        ins = lane_k == k

        def pick(field):
            return jnp.sum(jnp.where(sel, field, 0), axis=1, keepdims=True)

        a_key = jnp.where(ins, gm, a_key)
        a_idx = jnp.where(ins, minci, a_idx)
        a_b0 = jnp.where(ins, pick(cb[:, 0, :]), a_b0)
        a_b1 = jnp.where(ins, pick(cb[:, 1, :]), a_b1)
        a_b2 = jnp.where(ins, pick(cb[:, 2, :]), a_b2)
        a_b3 = jnp.where(ins, pick(cb[:, 3, :]), a_b3)
        a_rm = jnp.where(ins, pick(crm), a_rm)
        a_ra = jnp.where(ins, pick(cra), a_ra)
        return a_key, a_idx, a_b0, a_b1, a_b2, a_b3, a_rm, a_ra

    zf = jnp.zeros((_B, _KP), jnp.float32)
    zi = jnp.zeros((_B, _KP), jnp.int32)
    init = (jnp.full((_B, _KP), jnp.int32(_MINI32), jnp.int32), zi,
            zf, zf, zf, zf, zf, zi)
    skeys, idx, b0, b1, b2, b3, rm, ra = lax.fori_loop(0, _K, step, init)

    logit = lax.bitcast_convert_type(_skey(skeys), jnp.float32)
    scores_ref[...] = jax.nn.sigmoid(logit)

    rows = lax.shift_right_logical(idx * 11523, 20)
    labels_ref[...] = idx - rows * _C

    ts = ts_ref[...]
    w_s = ts[:, 1:2]
    h_s = ts[:, 0:1]
    boxeso_ref[...] = jnp.concatenate(
        [(b0 * w_s)[:, :, None], (b1 * h_s)[:, :, None],
         (b2 * w_s)[:, :, None], (b3 * h_s)[:, :, None]], axis=-1)
    si_ref[...] = jax.nn.sigmoid(rm)
    li_ref[...] = ra

    pa = pa_ref[...]
    am = jnp.max(pa, axis=1, keepdims=True)
    i10 = lax.broadcasted_iota(jnp.int32, pa.shape, 1)
    la_ref[...] = jnp.min(jnp.where(pa == am, i10, jnp.int32(100)), axis=1,
                          keepdims=True)


@jax.jit
def kernel(pred_logits, pred_boxes, pred_vectors, pred_interms, pred_actions,
           target_sizes):
    del pred_vectors
    lg = pred_logits.reshape(_B * _N)
    itm = pred_interms.reshape(_B * _IT)
    bx = pred_boxes.reshape(_B * _Q * 4)

    candk, candi, candb, candm, canda = _sc_topk(lg, itm, bx)
    ck = candk.reshape(_B, _NC)
    ci = candi.reshape(_B, _NC)
    cb = candb.reshape(_B, 2, 4, _KP).transpose(0, 2, 1, 3).reshape(_B, 4, _NC)
    crm = candm.reshape(_B, _NC)
    cra = canda.reshape(_B, _NC)

    pa = pred_actions.reshape(_B, 10)
    ts = target_sizes.astype(jnp.float32)

    out_shape = [
        jax.ShapeDtypeStruct((_B, _KP), jnp.float32),
        jax.ShapeDtypeStruct((_B, _KP), jnp.int32),
        jax.ShapeDtypeStruct((_B, _KP, 4), jnp.float32),
        jax.ShapeDtypeStruct((_B, _KP), jnp.float32),
        jax.ShapeDtypeStruct((_B, _KP), jnp.int32),
        jax.ShapeDtypeStruct((_B, 1), jnp.int32),
    ]
    scores, labels, boxes, si, li, la = pl.pallas_call(
        _tc_body,
        out_shape=out_shape,
        scratch_shapes=[pltpu.VMEM((_B, _NC), jnp.int32)],
    )(ck, ci, cb, crm, cra, pa, ts)

    return (scores[:, :_K], labels[:, :_K], boxes[:, :_K, :],
            si[:, :_K], li[:, :_K], la[:, 0])

# --- scband reference (transcript-rebuilt; emitter-appended) ---
"""Pipeline reference for scband-post-process-66322884985406 (READ-ONLY COPY).

The authoritative reference and input builder live on the scoring server;
editing this copy changes nothing except your own understanding.
"""

import jax, jax.numpy as jnp
import numpy as np


def box_cxcywh_to_xyxy(b):
    cx, cy, w, h = jnp.split(b, 4, axis=-1)
    return jnp.concatenate([cx - 0.5 * w, cy - 0.5 * h, cx + 0.5 * w, cy + 0.5 * h], axis=-1)


def setup_inputs(seed: int = 0) -> dict:
    key = jax.random.key(seed)
    ks = jax.random.split(key, 6)
    B, Q, C = 16, 300, 91
    pred_logits = jax.random.normal(ks[0], (B, Q, C), dtype=jnp.float32)
    pred_boxes = jax.random.uniform(ks[1], (B, Q, 4), dtype=jnp.float32)
    pred_vectors = jax.random.normal(ks[2], (B, Q, 256), dtype=jnp.float32)
    pred_interms = jax.random.normal(ks[3], (B, Q, 117), dtype=jnp.float32)
    pred_actions = jax.random.normal(ks[4], (B, 1, 10), dtype=jnp.float32)
    target_sizes = jax.random.randint(ks[5], (B, 2), 1, 1333).astype(jnp.int32)
    return {
        'pred_logits': pred_logits,
        'pred_boxes': pred_boxes,
        'pred_vectors': pred_vectors,
        'pred_interms': pred_interms,
        'pred_actions': pred_actions,
        'target_sizes': target_sizes,
    }


def reference(pred_logits, pred_boxes, pred_vectors, pred_interms, pred_actions, target_sizes):
    # processor_dct is None -> no mask / vector-gather branch
    B, Q, C = pred_logits.shape
    prob = jax.nn.sigmoid(pred_logits)
    topk_values, topk_indexes = jax.lax.top_k(prob.reshape(B, -1), 50)
    scores = topk_values
    topk_boxes = topk_indexes // C
    labels = topk_indexes % C
    boxes = box_cxcywh_to_xyxy(pred_boxes)
    boxes = jnp.take_along_axis(boxes, topk_boxes[:, :, None], axis=1)
    prob_interms = jax.nn.sigmoid(pred_interms)
    scores_interms_all = jnp.take_along_axis(prob_interms, topk_boxes[:, :, None], axis=1)
    labels_interms = jnp.argmax(scores_interms_all, axis=2)
    scores_interms = jnp.max(scores_interms_all, axis=2)
    prob_actions = jax.nn.softmax(pred_actions.squeeze(1), axis=1)
    labels_action = jnp.argmax(prob_actions, axis=1)
    img_h = target_sizes[:, 0]
    img_w = target_sizes[:, 1]
    scale_fct = jnp.stack([img_w, img_h, img_w, img_h], axis=1).astype(boxes.dtype)
    boxes = boxes * scale_fct[:, None, :]
    return (scores, labels, boxes, scores_interms, labels_interms, labels_action)

if __name__ == "__main__":
    import jax
    _d = setup_inputs()
    print(jax.jit(kernel)(*tuple(_d.values())))

</pallas_src>

<mosaic_0001>
#map = affine_map<(d0, d1) -> (0)>
#map1 = affine_map<(d0, d1) -> (0, 0)>
module attributes {stable_mosaic.version = 14 : i64} {
  func.func @_sc_topk(%arg0: i32, %arg1: i32, %arg2: memref<436800xf32, #tpu.memory_space<hbm>>, %arg3: memref<561600xf32, #tpu.memory_space<hbm>>, %arg4: memref<19200xf32, #tpu.memory_space<hbm>>, %arg5: memref<32x64xi32, #tpu.memory_space<hbm>>, %arg6: memref<32x64xi32, #tpu.memory_space<hbm>>, %arg7: memref<32x256xf32, #tpu.memory_space<hbm>>, %arg8: memref<32x64xf32, #tpu.memory_space<hbm>>, %arg9: memref<32x64xi32, #tpu.memory_space<hbm>>, %arg10: memref<13824xf32, #tpu.memory_space<vmem>>, %arg11: memref<864xi32, #tpu.memory_space<vmem>>, %arg12: memref<64xi32, #tpu.memory_space<vmem>>, %arg13: memref<64xi32, #tpu.memory_space<vmem>>, %arg14: memref<64xi32, #tpu.memory_space<vmem>>, %arg15: memref<64xi32, #tpu.memory_space<vmem>>, %arg16: memref<35104xf32, #tpu.memory_space<vmem>>, %arg17: memref<1200xf32, #tpu.memory_space<vmem>>, %arg18: memref<256xf32, #tpu.memory_space<vmem>>, %arg19: memref<64xf32, #tpu.memory_space<vmem>>, %arg20: memref<64xi32, #tpu.memory_space<vmem>>, %arg21: memref<!tpu.dma_semaphore, #tpu.memory_space<semaphore_mem>>, %arg22: memref<!tpu.dma_semaphore, #tpu.memory_space<semaphore_mem>>) attributes {dimension_semantics = [#tpu.dimension_semantics<core_parallel>, #tpu.dimension_semantics<subcore_parallel>], iteration_bounds = array<i64: 2, 16>, scalar_prefetch = 0 : i64, scratch_operands = 13 : i64, tpu.core_type = #tpu.core_type<sc_vector_subcore>, window_params = [{transform_indices = #map}, {transform_indices = #map}, {transform_indices = #map}, {transform_indices = #map1}, {transform_indices = #map1}, {transform_indices = #map1}, {transform_indices = #map1}, {transform_indices = #map1}]} {
    %mul3A = arith.constant 2 : i32
    %mul3A_0 = arith.muli %arg1, %mul3A : i32
    %add3A = arith.addi %mul3A_0, %arg0 : i32
    %shift_right_logical3A = arith.constant 1 : i32
    %shift_right_logical3A_1 = arith.shrui %add3A, %shift_right_logical3A : i32
    %mul3A_2 = arith.constant 13650 : i32
    %mul3A_3 = arith.muli %add3A, %mul3A_2 : i32
    %add3A_4 = arith.constant 15 : i32
    %add3A_5 = arith.addi %mul3A_3, %add3A_4 : i32
    %shift_right_logical3A_6 = arith.constant 4 : i32
    %shift_right_logical3A_7 = arith.shrui %add3A_5, %shift_right_logical3A_6 : i32
    %shift_left3A = arith.constant 4 : i32
    %shift_left3A_8 = arith.shli %shift_right_logical3A_7, %shift_left3A : i32
    %add3A_9 = arith.constant 13650 : i32
    %add3A_10 = arith.addi %mul3A_3, %add3A_9 : i32
    %add3A_11 = arith.constant 15 : i32
    %add3A_12 = arith.addi %add3A_10, %add3A_11 : i32
    %shift_right_logical3A_13 = arith.constant 4 : i32
    %shift_right_logical3A_14 = arith.shrui %add3A_12, %shift_right_logical3A_13 : i32
    %shift_left3A_15 = arith.constant 4 : i32
    %shift_left3A_16 = arith.shli %shift_right_logical3A_14, %shift_left3A_15 : i32
    %min3A = arith.constant 422976 : i32
    %min3A_17 = arith.minsi %shift_left3A_8, %min3A : i32
    %multiple_of3A = tpu.assume_multiple %min3A_17, 16 : i32
    %mul3A_18 = arith.constant 35100 : i32
    %mul3A_19 = arith.muli %shift_right_logical3A_1, %mul3A_18 : i32
    %shift_right_logical3A_20 = arith.constant 3 : i32
    %shift_right_logical3A_21 = arith.shrui %mul3A_19, %shift_right_logical3A_20 : i32
    %shift_left3A_22 = arith.constant 3 : i32
    %shift_left3A_23 = arith.shli %shift_right_logical3A_21, %shift_left3A_22 : i32
    %multiple_of3A_24 = tpu.assume_multiple %shift_left3A_23, 8 : i32
    %sub3A = arith.subi %mul3A_19, %multiple_of3A_24 : i32
    %dma_start3A = tpu.memref_slice %arg3[%multiple_of3A_24] : memref<561600xf32, #tpu.memory_space<hbm>> -> memref<35104xf32, #tpu.memory_space<hbm>>
    %dma_start3A_25 = tpu.memref_slice %arg3[%multiple_of3A_24] : memref<561600xf32, #tpu.memory_space<hbm>> -> memref<35104xf32, #tpu.memory_space<hbm>>
    tpu.enqueue_dma source(%dma_start3A_25 : memref<35104xf32, #tpu.memory_space<hbm>>) target(%arg16 : memref<35104xf32, #tpu.memory_space<vmem>>) target_semaphore(%arg21 : memref<!tpu.dma_semaphore, #tpu.memory_space<semaphore_mem>>)
    %mul3A_26 = arith.constant 300 : i32
    %mul3A_27 = arith.muli %shift_right_logical3A_1, %mul3A_26 : i32
    %mul3A_28 = arith.constant 4 : i32
    %mul3A_29 = arith.muli %mul3A_27, %mul3A_28 : i32
    %multiple_of3A_30 = tpu.assume_multiple %mul3A_29, 8 : i32
    %dma_start3A_31 = tpu.memref_slice %arg4[%multiple_of3A_30] : memref<19200xf32, #tpu.memory_space<hbm>> -> memref<1200xf32, #tpu.memory_space<hbm>>
    %dma_start3A_32 = tpu.memref_slice %arg4[%multiple_of3A_30] : memref<19200xf32, #tpu.memory_space<hbm>> -> memref<1200xf32, #tpu.memory_space<hbm>>
    tpu.enqueue_dma source(%dma_start3A_32 : memref<1200xf32, #tpu.memory_space<hbm>>) target(%arg17 : memref<1200xf32, #tpu.memory_space<vmem>>) target_semaphore(%arg22 : memref<!tpu.dma_semaphore, #tpu.memory_space<semaphore_mem>>)
    "tpu.region"() ({
      %run_scoped3A = tpu.sem_alloc : memref<!tpu.dma_semaphore, #tpu.memory_space<semaphore_mem>>
      %dma_start3A_1453 = tpu.memref_slice %arg2[%multiple_of3A] : memref<436800xf32, #tpu.memory_space<hbm>> -> memref<13824xf32, #tpu.memory_space<hbm>>
      %dma_start3A_1454 = tpu.memref_slice %arg2[%multiple_of3A] : memref<436800xf32, #tpu.memory_space<hbm>> -> memref<13824xf32, #tpu.memory_space<hbm>>
      tpu.enqueue_dma source(%dma_start3A_1454 : memref<13824xf32, #tpu.memory_space<hbm>>) target(%arg10 : memref<13824xf32, #tpu.memory_space<vmem>>) target_semaphore(%run_scoped3A : memref<!tpu.dma_semaphore, #tpu.memory_space<semaphore_mem>>)
      %dma_wait3A_1455 = tpu.memref_slice %arg2[%multiple_of3A] : memref<436800xf32, #tpu.memory_space<hbm>> -> memref<13824xf32, #tpu.memory_space<hbm>>
      %dma_wait3A_1456 = tpu.memref_slice %arg2[%multiple_of3A] : memref<436800xf32, #tpu.memory_space<hbm>> -> memref<13824xf32, #tpu.memory_space<hbm>>
      tpu.wait_dma2 semaphore(%run_scoped3A : memref<!tpu.dma_semaphore, #tpu.memory_space<semaphore_mem>>) src(%dma_wait3A_1456 : memref<13824xf32, #tpu.memory_space<hbm>>) dst(%arg10 : memref<13824xf32, #tpu.memory_space<vmem>>)
      tpu.yield
    }) : () -> ()
    %iota3A = tpu.iota {dimensions = array<i32: 0>} : vector<16xi32>
    %broadcast_in_dim3A = arith.constant -2147483648 : i32
    %broadcast_in_dim3A_33 = vector.broadcast %broadcast_in_dim3A : i32 to vector<16xi32>
    %sub3A_34 = arith.subi %shift_left3A_8, %multiple_of3A : i32
    %sub3A_35 = arith.subi %shift_left3A_16, %multiple_of3A : i32
    %scan3A = arith.constant 0 : i32
    %scan3A_36 = arith.constant 0 : i32
    %scan3A_37 = arith.constant 54 : i32
    %scan3A_38 = arith.addi %scan3A_36, %scan3A_37 : i32
    %scan3A_39 = arith.constant 1 : i32
    scf.for %scan3A_1453 = %scan3A_36 to %scan3A_38 step %scan3A_39  : i32 {
      %mul3A_1454 = arith.constant 16 : i32
      %mul3A_1455 = arith.muli %scan3A_1453, %mul3A_1454 : i32
      %multiple_of3A_1456 = tpu.assume_multiple %mul3A_1455, 16 : i32
      %add3A_1457 = arith.constant 0 : i32
      %add3A_1458 = arith.addi %add3A_1457, %multiple_of3A_1456 : i32
      %get3A_1459 = arith.index_cast %add3A_1458 : i32 to index
      %get3A_1460 = tpu.vector_load %arg10[%get3A_1459] {strides = array<i32>} : memref<13824xf32, #tpu.memory_space<vmem>>, vector<16xf32>,
      %bitcast_convert_type3A = tpu.bitcast %get3A_1460 : vector<16xf32> -> vector<16xi32>
      %shift_right_arithmetic3A = arith.constant 31 : i32
      %shift_right_arithmetic3A_1461 = vector.broadcast %shift_right_arithmetic3A : i32 to vector<16xi32>
      %shift_right_arithmetic3A_1462 = arith.shrsi %bitcast_convert_type3A, %shift_right_arithmetic3A_1461 : vector<16xi32>
      %shift_right_logical3A_1463 = arith.constant 1 : i32
      %shift_right_logical3A_1464 = vector.broadcast %shift_right_logical3A_1463 : i32 to vector<16xi32>
      %shift_right_logical3A_1465 = arith.shrui %shift_right_arithmetic3A_1462, %shift_right_logical3A_1464 : vector<16xi32>
      %xor3A = arith.xori %bitcast_convert_type3A, %shift_right_logical3A_1465 : vector<16xi32>
      %add3A_1466 = arith.constant 0 : i32
      %add3A_1467 = arith.addi %add3A_1466, %multiple_of3A_1456 : i32
      %add3A_1468 = vector.broadcast %add3A_1467 : i32 to vector<16xi32>
      %add3A_1469 = arith.addi %add3A_1468, %iota3A : vector<16xi32>
      %ge3A = vector.broadcast %sub3A_34 : i32 to vector<16xi32>
      %ge3A_1470 = arith.cmpi sge, %add3A_1469, %ge3A : vector<16xi32>
      %lt3A_1471 = vector.broadcast %sub3A_35 : i32 to vector<16xi32>
      %lt3A_1472 = arith.cmpi slt, %add3A_1469, %lt3A_1471 : vector<16xi32>
      %and3A = arith.andi %ge3A_1470, %lt3A_1472 : vector<16xi1>
      %jit3A_1473 = arith.constant -2147483648 : i32
      %broadcast_in_dim3A_1474 = vector.broadcast %jit3A_1473 : i32 to vector<16xi32>
      %select_n3A_1475 = arith.select %and3A, %xor3A, %broadcast_in_dim3A_1474 : vector<16xi1>, vector<16xi32>
      %max3A_1476 = arith.maxsi %broadcast_in_dim3A_33, %select_n3A_1475 : vector<16xi32>
      %add3A_1477 = arith.constant 864 : i32
      %add3A_1478 = arith.addi %add3A_1477, %multiple_of3A_1456 : i32
      %get3A_1479 = arith.index_cast %add3A_1478 : i32 to index
      %get3A_1480 = tpu.vector_load %arg10[%get3A_1479] {strides = array<i32>} : memref<13824xf32, #tpu.memory_space<vmem>>, vector<16xf32>,
      %bitcast_convert_type3A_1481 = tpu.bitcast %get3A_1480 : vector<16xf32> -> vector<16xi32>
      %shift_right_arithmetic3A_1482 = arith.constant 31 : i32
      %shift_right_arithmetic3A_1483 = vector.broadcast %shift_right_arithmetic3A_1482 : i32 to vector<16xi32>
      %shift_right_arithmetic3A_1484 = arith.shrsi %bitcast_convert_type3A_1481, %shift_right_arithmetic3A_1483 : vector<16xi32>
      %shift_right_logical3A_1485 = arith.constant 1 : i32
      %shift_right_logical3A_1486 = vector.broadcast %shift_right_logical3A_1485 : i32 to vector<16xi32>
      %shift_right_logical3A_1487 = arith.shrui %shift_right_arithmetic3A_1484, %shift_right_logical3A_1486 : vector<16xi32>
      %xor3A_1488 = arith.xori %bitcast_convert_type3A_1481, %shift_right_logical3A_1487 : vector<16xi32>
      %add3A_1489 = arith.constant 864 : i32
      %add3A_1490 = arith.addi %add3A_1489, %multiple_of3A_1456 : i32
      %add3A_1491 = vector.broadcast %add3A_1490 : i32 to vector<16xi32>
      %add3A_1492 = arith.addi %add3A_1491, %iota3A : vector<16xi32>
      %ge3A_1493 = vector.broadcast %sub3A_34 : i32 to vector<16xi32>
      %ge3A_1494 = arith.cmpi sge, %add3A_1492, %ge3A_1493 : vector<16xi32>
      %lt3A_1495 = vector.broadcast %sub3A_35 : i32 to vector<16xi32>
      %lt3A_1496 = arith.cmpi slt, %add3A_1492, %lt3A_1495 : vector<16xi32>
      %and3A_1497 = arith.andi %ge3A_1494, %lt3A_1496 : vector<16xi1>
      %jit3A_1498 = arith.constant -2147483648 : i32
      %broadcast_in_dim3A_1499 = vector.broadcast %jit3A_1498 : i32 to vector<16xi32>
      %select_n3A_1500 = arith.select %and3A_1497, %xor3A_1488, %broadcast_in_dim3A_1499 : vector<16xi1>, vector<16xi32>
      %max3A_1501 = arith.maxsi %max3A_1476, %select_n3A_1500 : vector<16xi32>
      %add3A_1502 = arith.constant 1728 : i32
      %add3A_1503 = arith.addi %add3A_1502, %multiple_of3A_1456 : i32
      %get3A_1504 = arith.index_cast %add3A_1503 : i32 to index
      %get3A_1505 = tpu.vector_load %arg10[%get3A_1504] {strides = array<i32>} : memref<13824xf32, #tpu.memory_space<vmem>>, vector<16xf32>,
      %bitcast_convert_type3A_1506 = tpu.bitcast %get3A_1505 : vector<16xf32> -> vector<16xi32>
      %shift_right_arithmetic3A_1507 = arith.constant 31 : i32
      %shift_right_arithmetic3A_1508 = vector.broadcast %shift_right_arithmetic3A_1507 : i32 to vector<16xi32>
      %shift_right_arithmetic3A_1509 = arith.shrsi %bitcast_convert_type3A_1506, %shift_right_arithmetic3A_1508 : vector<16xi32>
      %shift_right_logical3A_1510 = arith.constant 1 : i32
      %shift_right_logical3A_1511 = vector.broadcast %shift_right_logical3A_1510 : i32 to vector<16xi32>
      %shift_right_logical3A_1512 = arith.shrui %shift_right_arithmetic3A_1509, %shift_right_logical3A_1511 : vector<16xi32>
      %xor3A_1513 = arith.xori %bitcast_convert_type3A_1506, %shift_right_logical3A_1512 : vector<16xi32>
      %add3A_1514 = arith.constant 1728 : i32
      %add3A_1515 = arith.addi %add3A_1514, %multiple_of3A_1456 : i32
      %add3A_1516 = vector.broadcast %add3A_1515 : i32 to vector<16xi32>
      %add3A_1517 = arith.addi %add3A_1516, %iota3A : vector<16xi32>
      %ge3A_1518 = vector.broadcast %sub3A_34 : i32 to vector<16xi32>
      %ge3A_1519 = arith.cmpi sge, %add3A_1517, %ge3A_1518 : vector<16xi32>
      %lt3A_1520 = vector.broadcast %sub3A_35 : i32 to vector<16xi32>
      %lt3A_1521 = arith.cmpi slt, %add3A_1517, %lt3A_1520 : vector<16xi32>
      %and3A_1522 = arith.andi %ge3A_1519, %lt3A_1521 : vector<16xi1>
      %jit3A_1523 = arith.constant -2147483648 : i32
      %broadcast_in_dim3A_1524 = vector.broadcast %jit3A_1523 : i32 to vector<16xi32>
      %select_n3A_1525 = arith.select %and3A_1522, %xor3A_1513, %broadcast_in_dim3A_1524 : vector<16xi1>, vector<16xi32>
      %max3A_1526 = arith.maxsi %max3A_1501, %select_n3A_1525 : vector<16xi32>
      %add3A_1527 = arith.constant 2592 : i32
      %add3A_1528 = arith.addi %add3A_1527, %multiple_of3A_1456 : i32
      %get3A_1529 = arith.index_cast %add3A_1528 : i32 to index
      %get3A_1530 = tpu.vector_load %arg10[%get3A_1529] {strides = array<i32>} : memref<13824xf32, #tpu.memory_space<vmem>>, vector<16xf32>,
      %bitcast_convert_type3A_1531 = tpu.bitcast %get3A_1530 : vector<16xf32> -> vector<16xi32>
      %shift_right_arithmetic3A_1532 = arith.constant 31 : i32
      %shift_right_arithmetic3A_1533 = vector.broadcast %shift_right_arithmetic3A_1532 : i32 to vector<16xi32>
      %shift_right_arithmetic3A_1534 = arith.shrsi %bitcast_convert_type3A_1531, %shift_right_arithmetic3A_1533 : vector<16xi32>
      %shift_right_logical3A_1535 = arith.constant 1 : i32
      %shift_right_logical3A_1536 = vector.broadcast %shift_right_logical3A_1535 : i32 to vector<16xi32>
      %shift_right_logical3A_1537 = arith.shrui %shift_right_arithmetic3A_1534, %shift_right_logical3A_1536 : vector<16xi32>
      %xor3A_1538 = arith.xori %bitcast_convert_type3A_1531, %shift_right_logical3A_1537 : vector<16xi32>
      %add3A_1539 = arith.constant 2592 : i32
      %add3A_1540 = arith.addi %add3A_1539, %multiple_of3A_1456 : i32
      %add3A_1541 = vector.broadcast %add3A_1540 : i32 to vector<16xi32>
      %add3A_1542 = arith.addi %add3A_1541, %iota3A : vector<16xi32>
      %ge3A_1543 = vector.broadcast %sub3A_34 : i32 to vector<16xi32>
      %ge3A_1544 = arith.cmpi sge, %add3A_1542, %ge3A_1543 : vector<16xi32>
      %lt3A_1545 = vector.broadcast %sub3A_35 : i32 to vector<16xi32>
      %lt3A_1546 = arith.cmpi slt, %add3A_1542, %lt3A_1545 : vector<16xi32>
      %and3A_1547 = arith.andi %ge3A_1544, %lt3A_1546 : vector<16xi1>
      %jit3A_1548 = arith.constant -2147483648 : i32
      %broadcast_in_dim3A_1549 = vector.broadcast %jit3A_1548 : i32 to vector<16xi32>
      %select_n3A_1550 = arith.select %and3A_1547, %xor3A_1538, %broadcast_in_dim3A_1549 : vector<16xi1>, vector<16xi32>
      %max3A_1551 = arith.maxsi %max3A_1526, %select_n3A_1550 : vector<16xi32>
      %add3A_1552 = arith.constant 3456 : i32
      %add3A_1553 = arith.addi %add3A_1552, %multiple_of3A_1456 : i32
      %get3A_1554 = arith.index_cast %add3A_1553 : i32 to index
      %get3A_1555 = tpu.vector_load %arg10[%get3A_1554] {strides = array<i32>} : memref<13824xf32, #tpu.memory_space<vmem>>, vector<16xf32>,
      %bitcast_convert_type3A_1556 = tpu.bitcast %get3A_1555 : vector<16xf32> -> vector<16xi32>
      %shift_right_arithmetic3A_1557 = arith.constant 31 : i32
      %shift_right_arithmetic3A_1558 = vector.broadcast %shift_right_arithmetic3A_1557 : i32 to vector<16xi32>
      %shift_right_arithmetic3A_1559 = arith.shrsi %bitcast_convert_type3A_1556, %shift_right_arithmetic3A_1558 : vector<16xi32>
      %shift_right_logical3A_1560 = arith.constant 1 : i32
      %shift_right_logical3A_1561 = vector.broadcast %shift_right_logical3A_1560 : i32 to vector<16xi32>
      %shift_right_logical3A_1562 = arith.shrui %shift_right_arithmetic3A_1559, %shift_right_logical3A_1561 : vector<16xi32>
      %xor3A_1563 = arith.xori %bitcast_convert_type3A_1556, %shift_right_logical3A_1562 : vector<16xi32>
      %add3A_1564 = arith.constant 3456 : i32
      %add3A_1565 = arith.addi %add3A_1564, %multiple_of3A_1456 : i32
      %add3A_1566 = vector.broadcast %add3A_1565 : i32 to vector<16xi32>
      %add3A_1567 = arith.addi %add3A_1566, %iota3A : vector<16xi32>
      %ge3A_1568 = vector.broadcast %sub3A_34 : i32 to vector<16xi32>
      %ge3A_1569 = arith.cmpi sge, %add3A_1567, %ge3A_1568 : vector<16xi32>
      %lt3A_1570 = vector.broadcast %sub3A_35 : i32 to vector<16xi32>
      %lt3A_1571 = arith.cmpi slt, %add3A_1567, %lt3A_1570 : vector<16xi32>
      %and3A_1572 = arith.andi %ge3A_1569, %lt3A_1571 : vector<16xi1>
      %jit3A_1573 = arith.constant -2147483648 : i32
      %broadcast_in_dim3A_1574 = vector.broadcast %jit3A_1573 : i32 to vector<16xi32>
      %select_n3A_1575 = arith.select %and3A_1572, %xor3A_1563, %broadcast_in_dim3A_1574 : vector<16xi1>, vector<16xi32>
      %max3A_1576 = arith.maxsi %max3A_1551, %select_n3A_1575 : vector<16xi32>
      %add3A_1577 = arith.constant 4320 : i32
      %add3A_1578 = arith.addi %add3A_1577, %multiple_of3A_1456 : i32
      %get3A_1579 = arith.index_cast %add3A_1578 : i32 to index
      %get3A_1580 = tpu.vector_load %arg10[%get3A_1579] {strides = array<i32>} : memref<13824xf32, #tpu.memory_space<vmem>>, vector<16xf32>,
      %bitcast_convert_type3A_1581 = tpu.bitcast %get3A_1580 : vector<16xf32> -> vector<16xi32>
      %shift_right_arithmetic3A_1582 = arith.constant 31 : i32
      %shift_right_arithmetic3A_1583 = vector.broadcast %shift_right_arithmetic3A_1582 : i32 to vector<16xi32>
      %shift_right_arithmetic3A_1584 = arith.shrsi %bitcast_convert_type3A_1581, %shift_right_arithmetic3A_1583 : vector<16xi32>
      %shift_right_logical3A_1585 = arith.constant 1 : i32
      %shift_right_logical3A_1586 = vector.broadcast %shift_right_logical3A_1585 : i32 to vector<16xi32>
      %shift_right_logical3A_1587 = arith.shrui %shift_right_arithmetic3A_1584, %shift_right_logical3A_1586 : vector<16xi32>
      %xor3A_1588 = arith.xori %bitcast_convert_type3A_1581, %shift_right_logical3A_1587 : vector<16xi32>
      %add3A_1589 = arith.constant 4320 : i32
      %add3A_1590 = arith.addi %add3A_1589, %multiple_of3A_1456 : i32
      %add3A_1591 = vector.broadcast %add3A_1590 : i32 to vector<16xi32>
      %add3A_1592 = arith.addi %add3A_1591, %iota3A : vector<16xi32>
      %ge3A_1593 = vector.broadcast %sub3A_34 : i32 to vector<16xi32>
      %ge3A_1594 = arith.cmpi sge, %add3A_1592, %ge3A_1593 : vector<16xi32>
      %lt3A_1595 = vector.broadcast %sub3A_35 : i32 to vector<16xi32>
      %lt3A_1596 = arith.cmpi slt, %add3A_1592, %lt3A_1595 : vector<16xi32>
      %and3A_1597 = arith.andi %ge3A_1594, %lt3A_1596 : vector<16xi1>
      %jit3A_1598 = arith.constant -2147483648 : i32
      %broadcast_in_dim3A_1599 = vector.broadcast %jit3A_1598 : i32 to vector<16xi32>
      %select_n3A_1600 = arith.select %and3A_1597, %xor3A_1588, %broadcast_in_dim3A_1599 : vector<16xi1>, vector<16xi32>
      %max3A_1601 = arith.maxsi %max3A_1576, %select_n3A_1600 : vector<16xi32>
      %add3A_1602 = arith.constant 5184 : i32
      %add3A_1603 = arith.addi %add3A_1602, %multiple_of3A_1456 : i32
      %get3A_1604 = arith.index_cast %add3A_1603 : i32 to index
      %get3A_1605 = tpu.vector_load %arg10[%get3A_1604] {strides = array<i32>} : memref<13824xf32, #tpu.memory_space<vmem>>, vector<16xf32>,
      %bitcast_convert_type3A_1606 = tpu.bitcast %get3A_1605 : vector<16xf32> -> vector<16xi32>
      %shift_right_arithmetic3A_1607 = arith.constant 31 : i32
      %shift_right_arithmetic3A_1608 = vector.broadcast %shift_right_arithmetic3A_1607 : i32 to vector<16xi32>
      %shift_right_arithmetic3A_1609 = arith.shrsi %bitcast_convert_type3A_1606, %shift_right_arithmetic3A_1608 : vector<16xi32>
      %shift_right_logical3A_1610 = arith.constant 1 : i32
      %shift_right_logical3A_1611 = vector.broadcast %shift_right_logical3A_1610 : i32 to vector<16xi32>
      %shift_right_logical3A_1612 = arith.shrui %shift_right_arithmetic3A_1609, %shift_right_logical3A_1611 : vector<16xi32>
      %xor3A_1613 = arith.xori %bitcast_convert_type3A_1606, %shift_right_logical3A_1612 : vector<16xi32>
      %add3A_1614 = arith.constant 5184 : i32
      %add3A_1615 = arith.addi %add3A_1614, %multiple_of3A_1456 : i32
      %add3A_1616 = vector.broadcast %add3A_1615 : i32 to vector<16xi32>
      %add3A_1617 = arith.addi %add3A_1616, %iota3A : vector<16xi32>
      %ge3A_1618 = vector.broadcast %sub3A_34 : i32 to vector<16xi32>
      %ge3A_1619 = arith.cmpi sge, %add3A_1617, %ge3A_1618 : vector<16xi32>
      %lt3A_1620 = vector.broadcast %sub3A_35 : i32 to vector<16xi32>
      %lt3A_1621 = arith.cmpi slt, %add3A_1617, %lt3A_1620 : vector<16xi32>
      %and3A_1622 = arith.andi %ge3A_1619, %lt3A_1621 : vector<16xi1>
      %jit3A_1623 = arith.constant -2147483648 : i32
      %broadcast_in_dim3A_1624 = vector.broadcast %jit3A_1623 : i32 to vector<16xi32>
      %select_n3A_1625 = arith.select %and3A_1622, %xor3A_1613, %broadcast_in_dim3A_1624 : vector<16xi1>, vector<16xi32>
      %max3A_1626 = arith.maxsi %max3A_1601, %select_n3A_1625 : vector<16xi32>
      %add3A_1627 = arith.constant 6048 : i32
      %add3A_1628 = arith.addi %add3A_1627, %multiple_of3A_1456 : i32
      %get3A_1629 = arith.index_cast %add3A_1628 : i32 to index
      %get3A_1630 = tpu.vector_load %arg10[%get3A_1629] {strides = array<i32>} : memref<13824xf32, #tpu.memory_space<vmem>>, vector<16xf32>,
      %bitcast_convert_type3A_1631 = tpu.bitcast %get3A_1630 : vector<16xf32> -> vector<16xi32>
      %shift_right_arithmetic3A_1632 = arith.constant 31 : i32
      %shift_right_arithmetic3A_1633 = vector.broadcast %shift_right_arithmetic3A_1632 : i32 to vector<16xi32>
      %shift_right_arithmetic3A_1634 = arith.shrsi %bitcast_convert_type3A_1631, %shift_right_arithmetic3A_1633 : vector<16xi32>
      %shift_right_logical3A_1635 = arith.constant 1 : i32
      %shift_right_logical3A_1636 = vector.broadcast %shift_right_logical3A_1635 : i32 to vector<16xi32>
      %shift_right_logical3A_1637 = arith.shrui %shift_right_arithmetic3A_1634, %shift_right_logical3A_1636 : vector<16xi32>
      %xor3A_1638 = arith.xori %bitcast_convert_type3A_1631, %shift_right_logical3A_1637 : vector<16xi32>
      %add3A_1639 = arith.constant 6048 : i32
      %add3A_1640 = arith.addi %add3A_1639, %multiple_of3A_1456 : i32
      %add3A_1641 = vector.broadcast %add3A_1640 : i32 to vector<16xi32>
      %add3A_1642 = arith.addi %add3A_1641, %iota3A : vector<16xi32>
      %ge3A_1643 = vector.broadcast %sub3A_34 : i32 to vector<16xi32>
      %ge3A_1644 = arith.cmpi sge, %add3A_1642, %ge3A_1643 : vector<16xi32>
      %lt3A_1645 = vector.broadcast %sub3A_35 : i32 to vector<16xi32>
      %lt3A_1646 = arith.cmpi slt, %add3A_1642, %lt3A_1645 : vector<16xi32>
      %and3A_1647 = arith.andi %ge3A_1644, %lt3A_1646 : vector<16xi1>
      %jit3A_1648 = arith.constant -2147483648 : i32
      %broadcast_in_dim3A_1649 = vector.broadcast %jit3A_1648 : i32 to vector<16xi32>
      %select_n3A_1650 = arith.select %and3A_1647, %xor3A_1638, %broadcast_in_dim3A_1649 : vector<16xi1>, vector<16xi32>
      %max3A_1651 = arith.maxsi %max3A_1626, %select_n3A_1650 : vector<16xi32>
      %add3A_1652 = arith.constant 6912 : i32
      %add3A_1653 = arith.addi %add3A_1652, %multiple_of3A_1456 : i32
      %get3A_1654 = arith.index_cast %add3A_1653 : i32 to index
      %get3A_1655 = tpu.vector_load %arg10[%get3A_1654] {strides = array<i32>} : memref<13824xf32, #tpu.memory_space<vmem>>, vector<16xf32>,
      %bitcast_convert_type3A_1656 = tpu.bitcast %get3A_1655 : vector<16xf32> -> vector<16xi32>
      %shift_right_arithmetic3A_1657 = arith.constant 31 : i32
      %shift_right_arithmetic3A_1658 = vector.broadcast %shift_right_arithmetic3A_1657 : i32 to vector<16xi32>
      %shift_right_arithmetic3A_1659 = arith.shrsi %bitcast_convert_type3A_1656, %shift_right_arithmetic3A_1658 : vector<16xi32>
      %shift_right_logical3A_1660 = arith.constant 1 : i32
      %shift_right_logical3A_1661 = vector.broadcast %shift_right_logical3A_1660 : i32 to vector<16xi32>
      %shift_right_logical3A_1662 = arith.shrui %shift_right_arithmetic3A_1659, %shift_right_logical3A_1661 : vector<16xi32>
      %xor3A_1663 = arith.xori %bitcast_convert_type3A_1656, %shift_right_logical3A_1662 : vector<16xi32>
      %add3A_1664 = arith.constant 6912 : i32
      %add3A_1665 = arith.addi %add3A_1664, %multiple_of3A_1456 : i32
      %add3A_1666 = vector.broadcast %add3A_1665 : i32 to vector<16xi32>
      %add3A_1667 = arith.addi %add3A_1666, %iota3A : vector<16xi32>
      %ge3A_1668 = vector.broadcast %sub3A_34 : i32 to vector<16xi32>
      %ge3A_1669 = arith.cmpi sge, %add3A_1667, %ge3A_1668 : vector<16xi32>
      %lt3A_1670 = vector.broadcast %sub3A_35 : i32 to vector<16xi32>
      %lt3A_1671 = arith.cmpi slt, %add3A_1667, %lt3A_1670 : vector<16xi32>
      %and3A_1672 = arith.andi %ge3A_1669, %lt3A_1671 : vector<16xi1>
      %jit3A_1673 = arith.constant -2147483648 : i32
      %broadcast_in_dim3A_1674 = vector.broadcast %jit3A_1673 : i32 to vector<16xi32>
      %select_n3A_1675 = arith.select %and3A_1672, %xor3A_1663, %broadcast_in_dim3A_1674 : vector<16xi1>, vector<16xi32>
      %max3A_1676 = arith.maxsi %max3A_1651, %select_n3A_1675 : vector<16xi32>
      %add3A_1677 = arith.constant 7776 : i32
      %add3A_1678 = arith.addi %add3A_1677, %multiple_of3A_1456 : i32
      %get3A_1679 = arith.index_cast %add3A_1678 : i32 to index
      %get3A_1680 = tpu.vector_load %arg10[%get3A_1679] {strides = array<i32>} : memref<13824xf32, #tpu.memory_space<vmem>>, vector<16xf32>,
      %bitcast_convert_type3A_1681 = tpu.bitcast %get3A_1680 : vector<16xf32> -> vector<16xi32>
      %shift_right_arithmetic3A_1682 = arith.constant 31 : i32
      %shift_right_arithmetic3A_1683 = vector.broadcast %shift_right_arithmetic3A_1682 : i32 to vector<16xi32>
      %shift_right_arithmetic3A_1684 = arith.shrsi %bitcast_convert_type3A_1681, %shift_right_arithmetic3A_1683 : vector<16xi32>
      %shift_right_logical3A_1685 = arith.constant 1 : i32
      %shift_right_logical3A_1686 = vector.broadcast %shift_right_logical3A_1685 : i32 to vector<16xi32>
      %shift_right_logical3A_1687 = arith.shrui %shift_right_arithmetic3A_1684, %shift_right_logical3A_1686 : vector<16xi32>
      %xor3A_1688 = arith.xori %bitcast_convert_type3A_1681, %shift_right_logical3A_1687 : vector<16xi32>
      %add3A_1689 = arith.constant 7776 : i32
      %add3A_1690 = arith.addi %add3A_1689, %multiple_of3A_1456 : i32
      %add3A_1691 = vector.broadcast %add3A_1690 : i32 to vector<16xi32>
      %add3A_1692 = arith.addi %add3A_1691, %iota3A : vector<16xi32>
      %ge3A_1693 = vector.broadcast %sub3A_34 : i32 to vector<16xi32>
      %ge3A_1694 = arith.cmpi sge, %add3A_1692, %ge3A_1693 : vector<16xi32>
      %lt3A_1695 = vector.broadcast %sub3A_35 : i32 to vector<16xi32>
      %lt3A_1696 = arith.cmpi slt, %add3A_1692, %lt3A_1695 : vector<16xi32>
      %and3A_1697 = arith.andi %ge3A_1694, %lt3A_1696 : vector<16xi1>
      %jit3A_1698 = arith.constant -2147483648 : i32
      %broadcast_in_dim3A_1699 = vector.broadcast %jit3A_1698 : i32 to vector<16xi32>
      %select_n3A_1700 = arith.select %and3A_1697, %xor3A_1688, %broadcast_in_dim3A_1699 : vector<16xi1>, vector<16xi32>
      %max3A_1701 = arith.maxsi %max3A_1676, %select_n3A_1700 : vector<16xi32>
      %add3A_1702 = arith.constant 8640 : i32
      %add3A_1703 = arith.addi %add3A_1702, %multiple_of3A_1456 : i32
      %get3A_1704 = arith.index_cast %add3A_1703 : i32 to index
      %get3A_1705 = tpu.vector_load %arg10[%get3A_1704] {strides = array<i32>} : memref<13824xf32, #tpu.memory_space<vmem>>, vector<16xf32>,
      %bitcast_convert_type3A_1706 = tpu.bitcast %get3A_1705 : vector<16xf32> -> vector<16xi32>
      %shift_right_arithmetic3A_1707 = arith.constant 31 : i32
      %shift_right_arithmetic3A_1708 = vector.broadcast %shift_right_arithmetic3A_1707 : i32 to vector<16xi32>
      %shift_right_arithmetic3A_1709 = arith.shrsi %bitcast_convert_type3A_1706, %shift_right_arithmetic3A_1708 : vector<16xi32>
      %shift_right_logical3A_1710 = arith.constant 1 : i32
      %shift_right_logical3A_1711 = vector.broadcast %shift_right_logical3A_1710 : i32 to vector<16xi32>
      %shift_right_logical3A_1712 = arith.shrui %shift_right_arithmetic3A_1709, %shift_right_logical3A_1711 : vector<16xi32>
      %xor3A_1713 = arith.xori %bitcast_convert_type3A_1706, %shift_right_logical3A_1712 : vector<16xi32>
      %add3A_1714 = arith.constant 8640 : i32
      %add3A_1715 = arith.addi %add3A_1714, %multiple_of3A_1456 : i32
      %add3A_1716 = vector.broadcast %add3A_1715 : i32 to vector<16xi32>
      %add3A_1717 = arith.addi %add3A_1716, %iota3A : vector<16xi32>
      %ge3A_1718 = vector.broadcast %sub3A_34 : i32 to vector<16xi32>
      %ge3A_1719 = arith.cmpi sge, %add3A_1717, %ge3A_1718 : vector<16xi32>
      %lt3A_1720 = vector.broadcast %sub3A_35 : i32 to vector<16xi32>
      %lt3A_1721 = arith.cmpi slt, %add3A_1717, %lt3A_1720 : vector<16xi32>
      %and3A_1722 = arith.andi %ge3A_1719, %lt3A_1721 : vector<16xi1>
      %jit3A_1723 = arith.constant -2147483648 : i32
      %broadcast_in_dim3A_1724 = vector.broadcast %jit3A_1723 : i32 to vector<16xi32>
      %select_n3A_1725 = arith.select %and3A_1722, %xor3A_1713, %broadcast_in_dim3A_1724 : vector<16xi1>, vector<16xi32>
      %max3A_1726 = arith.maxsi %max3A_1701, %select_n3A_1725 : vector<16xi32>
      %add3A_1727 = arith.constant 9504 : i32
      %add3A_1728 = arith.addi %add3A_1727, %multiple_of3A_1456 : i32
      %get3A_1729 = arith.index_cast %add3A_1728 : i32 to index
      %get3A_1730 = tpu.vector_load %arg10[%get3A_1729] {strides = array<i32>} : memref<13824xf32, #tpu.memory_space<vmem>>, vector<16xf32>,
      %bitcast_convert_type3A_1731 = tpu.bitcast %get3A_1730 : vector<16xf32> -> vector<16xi32>
      %shift_right_arithmetic3A_1732 = arith.constant 31 : i32
      %shift_right_arithmetic3A_1733 = vector.broadcast %shift_right_arithmetic3A_1732 : i32 to vector<16xi32>
      %shift_right_arithmetic3A_1734 = arith.shrsi %bitcast_convert_type3A_1731, %shift_right_arithmetic3A_1733 : vector<16xi32>
      %shift_right_logical3A_1735 = arith.constant 1 : i32
      %shift_right_logical3A_1736 = vector.broadcast %shift_right_logical3A_1735 : i32 to vector<16xi32>
      %shift_right_logical3A_1737 = arith.shrui %shift_right_arithmetic3A_1734, %shift_right_logical3A_1736 : vector<16xi32>
      %xor3A_1738 = arith.xori %bitcast_convert_type3A_1731, %shift_right_logical3A_1737 : vector<16xi32>
      %add3A_1739 = arith.constant 9504 : i32
      %add3A_1740 = arith.addi %add3A_1739, %multiple_of3A_1456 : i32
      %add3A_1741 = vector.broadcast %add3A_1740 : i32 to vector<16xi32>
      %add3A_1742 = arith.addi %add3A_1741, %iota3A : vector<16xi32>
      %ge3A_1743 = vector.broadcast %sub3A_34 : i32 to vector<16xi32>
      %ge3A_1744 = arith.cmpi sge, %add3A_1742, %ge3A_1743 : vector<16xi32>
      %lt3A_1745 = vector.broadcast %sub3A_35 : i32 to vector<16xi32>
      %lt3A_1746 = arith.cmpi slt, %add3A_1742, %lt3A_1745 : vector<16xi32>
      %and3A_1747 = arith.andi %ge3A_1744, %lt3A_1746 : vector<16xi1>
      %jit3A_1748 = arith.constant -2147483648 : i32
      %broadcast_in_dim3A_1749 = vector.broadcast %jit3A_1748 : i32 to vector<16xi32>
      %select_n3A_1750 = arith.select %and3A_1747, %xor3A_1738, %broadcast_in_dim3A_1749 : vector<16xi1>, vector<16xi32>
      %max3A_1751 = arith.maxsi %max3A_1726, %select_n3A_1750 : vector<16xi32>
      %add3A_1752 = arith.constant 10368 : i32
      %add3A_1753 = arith.addi %add3A_1752, %multiple_of3A_1456 : i32
      %get3A_1754 = arith.index_cast %add3A_1753 : i32 to index
      %get3A_1755 = tpu.vector_load %arg10[%get3A_1754] {strides = array<i32>} : memref<13824xf32, #tpu.memory_space<vmem>>, vector<16xf32>,
      %bitcast_convert_type3A_1756 = tpu.bitcast %get3A_1755 : vector<16xf32> -> vector<16xi32>
      %shift_right_arithmetic3A_1757 = arith.constant 31 : i32
      %shift_right_arithmetic3A_1758 = vector.broadcast %shift_right_arithmetic3A_1757 : i32 to vector<16xi32>
      %shift_right_arithmetic3A_1759 = arith.shrsi %bitcast_convert_type3A_1756, %shift_right_arithmetic3A_1758 : vector<16xi32>
      %shift_right_logical3A_1760 = arith.constant 1 : i32
      %shift_right_logical3A_1761 = vector.broadcast %shift_right_logical3A_1760 : i32 to vector<16xi32>
      %shift_right_logical3A_1762 = arith.shrui %shift_right_arithmetic3A_1759, %shift_right_logical3A_1761 : vector<16xi32>
      %xor3A_1763 = arith.xori %bitcast_convert_type3A_1756, %shift_right_logical3A_1762 : vector<16xi32>
      %add3A_1764 = arith.constant 10368 : i32
      %add3A_1765 = arith.addi %add3A_1764, %multiple_of3A_1456 : i32
      %add3A_1766 = vector.broadcast %add3A_1765 : i32 to vector<16xi32>
      %add3A_1767 = arith.addi %add3A_1766, %iota3A : vector<16xi32>
      %ge3A_1768 = vector.broadcast %sub3A_34 : i32 to vector<16xi32>
      %ge3A_1769 = arith.cmpi sge, %add3A_1767, %ge3A_1768 : vector<16xi32>
      %lt3A_1770 = vector.broadcast %sub3A_35 : i32 to vector<16xi32>
      %lt3A_1771 = arith.cmpi slt, %add3A_1767, %lt3A_1770 : vector<16xi32>
      %and3A_1772 = arith.andi %ge3A_1769, %lt3A_1771 : vector<16xi1>
      %jit3A_1773 = arith.constant -2147483648 : i32
      %broadcast_in_dim3A_1774 = vector.broadcast %jit3A_1773 : i32 to vector<16xi32>
      %select_n3A_1775 = arith.select %and3A_1772, %xor3A_1763, %broadcast_in_dim3A_1774 : vector<16xi1>, vector<16xi32>
      %max3A_1776 = arith.maxsi %max3A_1751, %select_n3A_1775 : vector<16xi32>
      %add3A_1777 = arith.constant 11232 : i32
      %add3A_1778 = arith.addi %add3A_1777, %multiple_of3A_1456 : i32
      %get3A_1779 = arith.index_cast %add3A_1778 : i32 to index
      %get3A_1780 = tpu.vector_load %arg10[%get3A_1779] {strides = array<i32>} : memref<13824xf32, #tpu.memory_space<vmem>>, vector<16xf32>,
      %bitcast_convert_type3A_1781 = tpu.bitcast %get3A_1780 : vector<16xf32> -> vector<16xi32>
      %shift_right_arithmetic3A_1782 = arith.constant 31 : i32
      %shift_right_arithmetic3A_1783 = vector.broadcast %shift_right_arithmetic3A_1782 : i32 to vector<16xi32>
      %shift_right_arithmetic3A_1784 = arith.shrsi %bitcast_convert_type3A_1781, %shift_right_arithmetic3A_1783 : vector<16xi32>
      %shift_right_logical3A_1785 = arith.constant 1 : i32
      %shift_right_logical3A_1786 = vector.broadcast %shift_right_logical3A_1785 : i32 to vector<16xi32>
      %shift_right_logical3A_1787 = arith.shrui %shift_right_arithmetic3A_1784, %shift_right_logical3A_1786 : vector<16xi32>
      %xor3A_1788 = arith.xori %bitcast_convert_type3A_1781, %shift_right_logical3A_1787 : vector<16xi32>
      %add3A_1789 = arith.constant 11232 : i32
      %add3A_1790 = arith.addi %add3A_1789, %multiple_of3A_1456 : i32
      %add3A_1791 = vector.broadcast %add3A_1790 : i32 to vector<16xi32>
      %add3A_1792 = arith.addi %add3A_1791, %iota3A : vector<16xi32>
      %ge3A_1793 = vector.broadcast %sub3A_34 : i32 to vector<16xi32>
      %ge3A_1794 = arith.cmpi sge, %add3A_1792, %ge3A_1793 : vector<16xi32>
      %lt3A_1795 = vector.broadcast %sub3A_35 : i32 to vector<16xi32>
      %lt3A_1796 = arith.cmpi slt, %add3A_1792, %lt3A_1795 : vector<16xi32>
      %and3A_1797 = arith.andi %ge3A_1794, %lt3A_1796 : vector<16xi1>
      %jit3A_1798 = arith.constant -2147483648 : i32
      %broadcast_in_dim3A_1799 = vector.broadcast %jit3A_1798 : i32 to vector<16xi32>
      %select_n3A_1800 = arith.select %and3A_1797, %xor3A_1788, %broadcast_in_dim3A_1799 : vector<16xi1>, vector<16xi32>
      %max3A_1801 = arith.maxsi %max3A_1776, %select_n3A_1800 : vector<16xi32>
      %add3A_1802 = arith.constant 12096 : i32
      %add3A_1803 = arith.addi %add3A_1802, %multiple_of3A_1456 : i32
      %get3A_1804 = arith.index_cast %add3A_1803 : i32 to index
      %get3A_1805 = tpu.vector_load %arg10[%get3A_1804] {strides = array<i32>} : memref<13824xf32, #tpu.memory_space<vmem>>, vector<16xf32>,
      %bitcast_convert_type3A_1806 = tpu.bitcast %get3A_1805 : vector<16xf32> -> vector<16xi32>
      %shift_right_arithmetic3A_1807 = arith.constant 31 : i32
      %shift_right_arithmetic3A_1808 = vector.broadcast %shift_right_arithmetic3A_1807 : i32 to vector<16xi32>
      %shift_right_arithmetic3A_1809 = arith.shrsi %bitcast_convert_type3A_1806, %shift_right_arithmetic3A_1808 : vector<16xi32>
      %shift_right_logical3A_1810 = arith.constant 1 : i32
      %shift_right_logical3A_1811 = vector.broadcast %shift_right_logical3A_1810 : i32 to vector<16xi32>
      %shift_right_logical3A_1812 = arith.shrui %shift_right_arithmetic3A_1809, %shift_right_logical3A_1811 : vector<16xi32>
      %xor3A_1813 = arith.xori %bitcast_convert_type3A_1806, %shift_right_logical3A_1812 : vector<16xi32>
      %add3A_1814 = arith.constant 12096 : i32
      %add3A_1815 = arith.addi %add3A_1814, %multiple_of3A_1456 : i32
      %add3A_1816 = vector.broadcast %add3A_1815 : i32 to vector<16xi32>
      %add3A_1817 = arith.addi %add3A_1816, %iota3A : vector<16xi32>
      %ge3A_1818 = vector.broadcast %sub3A_34 : i32 to vector<16xi32>
      %ge3A_1819 = arith.cmpi sge, %add3A_1817, %ge3A_1818 : vector<16xi32>
      %lt3A_1820 = vector.broadcast %sub3A_35 : i32 to vector<16xi32>
      %lt3A_1821 = arith.cmpi slt, %add3A_1817, %lt3A_1820 : vector<16xi32>
      %and3A_1822 = arith.andi %ge3A_1819, %lt3A_1821 : vector<16xi1>
      %jit3A_1823 = arith.constant -2147483648 : i32
      %broadcast_in_dim3A_1824 = vector.broadcast %jit3A_1823 : i32 to vector<16xi32>
      %select_n3A_1825 = arith.select %and3A_1822, %xor3A_1813, %broadcast_in_dim3A_1824 : vector<16xi1>, vector<16xi32>
      %max3A_1826 = arith.maxsi %max3A_1801, %select_n3A_1825 : vector<16xi32>
      %add3A_1827 = arith.constant 12960 : i32
      %add3A_1828 = arith.addi %add3A_1827, %multiple_of3A_1456 : i32
      %get3A_1829 = arith.index_cast %add3A_1828 : i32 to index
      %get3A_1830 = tpu.vector_load %arg10[%get3A_1829] {strides = array<i32>} : memref<13824xf32, #tpu.memory_space<vmem>>, vector<16xf32>,
      %bitcast_convert_type3A_1831 = tpu.bitcast %get3A_1830 : vector<16xf32> -> vector<16xi32>
      %shift_right_arithmetic3A_1832 = arith.constant 31 : i32
      %shift_right_arithmetic3A_1833 = vector.broadcast %shift_right_arithmetic3A_1832 : i32 to vector<16xi32>
      %shift_right_arithmetic3A_1834 = arith.shrsi %bitcast_convert_type3A_1831, %shift_right_arithmetic3A_1833 : vector<16xi32>
      %shift_right_logical3A_1835 = arith.constant 1 : i32
      %shift_right_logical3A_1836 = vector.broadcast %shift_right_logical3A_1835 : i32 to vector<16xi32>
      %shift_right_logical3A_1837 = arith.shrui %shift_right_arithmetic3A_1834, %shift_right_logical3A_1836 : vector<16xi32>
      %xor3A_1838 = arith.xori %bitcast_convert_type3A_1831, %shift_right_logical3A_1837 : vector<16xi32>
      %add3A_1839 = arith.constant 12960 : i32
      %add3A_1840 = arith.addi %add3A_1839, %multiple_of3A_1456 : i32
      %add3A_1841 = vector.broadcast %add3A_1840 : i32 to vector<16xi32>
      %add3A_1842 = arith.addi %add3A_1841, %iota3A : vector<16xi32>
      %ge3A_1843 = vector.broadcast %sub3A_34 : i32 to vector<16xi32>
      %ge3A_1844 = arith.cmpi sge, %add3A_1842, %ge3A_1843 : vector<16xi32>
      %lt3A_1845 = vector.broadcast %sub3A_35 : i32 to vector<16xi32>
      %lt3A_1846 = arith.cmpi slt, %add3A_1842, %lt3A_1845 : vector<16xi32>
      %and3A_1847 = arith.andi %ge3A_1844, %lt3A_1846 : vector<16xi1>
      %jit3A_1848 = arith.constant -2147483648 : i32
      %broadcast_in_dim3A_1849 = vector.broadcast %jit3A_1848 : i32 to vector<16xi32>
      %select_n3A_1850 = arith.select %and3A_1847, %xor3A_1838, %broadcast_in_dim3A_1849 : vector<16xi1>, vector<16xi32>
      %max3A_1851 = arith.maxsi %max3A_1826, %select_n3A_1850 : vector<16xi32>
      %swap3A_1852 = arith.index_cast %multiple_of3A_1456 : i32 to index
      %swap3A_1853 = tpu.vector_load %arg11[%swap3A_1852] {strides = array<i32>} : memref<864xi32, #tpu.memory_space<vmem>>, vector<16xi32>,
      tpu.vector_store %arg11[%swap3A_1852], %max3A_1851 {strides = array<i32>} : memref<864xi32, #tpu.memory_space<vmem>>, vector<16xi32>,
    }
    %scan3A_40 = arith.constant 54 : i32
    %add3A_41 = arith.constant 0 : i32
    %add3A_42 = vector.broadcast %add3A_41 : i32 to vector<16xi32>
    %add3A_43 = arith.addi %add3A_42, %iota3A : vector<16xi32>
    %mul3A_44 = arith.constant 16 : i32
    %mul3A_45 = vector.broadcast %mul3A_44 : i32 to vector<16xi32>
    %mul3A_46 = arith.muli %add3A_43, %mul3A_45 : vector<16xi32>
    %add3A_47 = arith.constant 0 : i32
    %add3A_48 = vector.broadcast %add3A_47 : i32 to vector<16xi32>
    %add3A_49 = arith.addi %add3A_48, %iota3A : vector<16xi32>
    %lt3A = arith.constant 54 : i32
    %lt3A_50 = vector.broadcast %lt3A : i32 to vector<16xi32>
    %lt3A_51 = arith.cmpi slt, %add3A_49, %lt3A_50 : vector<16xi32>
    %add3A_52 = arith.constant 0 : i32
    %add3A_53 = vector.broadcast %add3A_52 : i32 to vector<16xi32>
    %add3A_54 = arith.addi %mul3A_46, %add3A_53 : vector<16xi32>
    %jit3A = arith.constant 0 : i32
    %broadcast_in_dim3A_55 = vector.broadcast %jit3A : i32 to vector<16xi32>
    %select_n3A = arith.select %lt3A_51, %add3A_54, %broadcast_in_dim3A_55 : vector<16xi1>, vector<16xi32>
    %gather3A = tpu.vector_load_idx %arg11[%select_n3A] : memref<864xi32, #tpu.memory_space<vmem>>[vector<16xi32>], vector<16xi32>,
    %jit3A_56 = arith.constant -2147483648 : i32
    %broadcast_in_dim3A_57 = vector.broadcast %jit3A_56 : i32 to vector<16xi32>
    %select_n3A_58 = arith.select %lt3A_51, %gather3A, %broadcast_in_dim3A_57 : vector<16xi1>, vector<16xi32>
    %max3A = arith.maxsi %broadcast_in_dim3A_33, %select_n3A_58 : vector<16xi32>
    %add3A_59 = arith.constant 0 : i32
    %add3A_60 = vector.broadcast %add3A_59 : i32 to vector<16xi32>
    %add3A_61 = arith.addi %add3A_60, %iota3A : vector<16xi32>
    %lt3A_62 = arith.constant 54 : i32
    %lt3A_63 = vector.broadcast %lt3A_62 : i32 to vector<16xi32>
    %lt3A_64 = arith.cmpi slt, %add3A_61, %lt3A_63 : vector<16xi32>
    %add3A_65 = arith.constant 1 : i32
    %add3A_66 = vector.broadcast %add3A_65 : i32 to vector<16xi32>
    %add3A_67 = arith.addi %mul3A_46, %add3A_66 : vector<16xi32>
    %jit3A_68 = arith.constant 0 : i32
    %broadcast_in_dim3A_69 = vector.broadcast %jit3A_68 : i32 to vector<16xi32>
    %select_n3A_70 = arith.select %lt3A_64, %add3A_67, %broadcast_in_dim3A_69 : vector<16xi1>, vector<16xi32>
    %gather3A_71 = tpu.vector_load_idx %arg11[%select_n3A_70] : memref<864xi32, #tpu.memory_space<vmem>>[vector<16xi32>], vector<16xi32>,
    %jit3A_72 = arith.constant -2147483648 : i32
    %broadcast_in_dim3A_73 = vector.broadcast %jit3A_72 : i32 to vector<16xi32>
    %select_n3A_74 = arith.select %lt3A_64, %gather3A_71, %broadcast_in_dim3A_73 : vector<16xi1>, vector<16xi32>
    %max3A_75 = arith.maxsi %max3A, %select_n3A_74 : vector<16xi32>
    %add3A_76 = arith.constant 0 : i32
    %add3A_77 = vector.broadcast %add3A_76 : i32 to vector<16xi32>
    %add3A_78 = arith.addi %add3A_77, %iota3A : vector<16xi32>
    %lt3A_79 = arith.constant 54 : i32
    %lt3A_80 = vector.broadcast %lt3A_79 : i32 to vector<16xi32>
    %lt3A_81 = arith.cmpi slt, %add3A_78, %lt3A_80 : vector<16xi32>
    %add3A_82 = arith.constant 2 : i32
    %add3A_83 = vector.broadcast %add3A_82 : i32 to vector<16xi32>
    %add3A_84 = arith.addi %mul3A_46, %add3A_83 : vector<16xi32>
    %jit3A_85 = arith.constant 0 : i32
    %broadcast_in_dim3A_86 = vector.broadcast %jit3A_85 : i32 to vector<16xi32>
    %select_n3A_87 = arith.select %lt3A_81, %add3A_84, %broadcast_in_dim3A_86 : vector<16xi1>, vector<16xi32>
    %gather3A_88 = tpu.vector_load_idx %arg11[%select_n3A_87] : memref<864xi32, #tpu.memory_space<vmem>>[vector<16xi32>], vector<16xi32>,
    %jit3A_89 = arith.constant -2147483648 : i32
    %broadcast_in_dim3A_90 = vector.broadcast %jit3A_89 : i32 to vector<16xi32>
    %select_n3A_91 = arith.select %lt3A_81, %gather3A_88, %broadcast_in_dim3A_90 : vector<16xi1>, vector<16xi32>
    %max3A_92 = arith.maxsi %max3A_75, %select_n3A_91 : vector<16xi32>
    %add3A_93 = arith.constant 0 : i32
    %add3A_94 = vector.broadcast %add3A_93 : i32 to vector<16xi32>
    %add3A_95 = arith.addi %add3A_94, %iota3A : vector<16xi32>
    %lt3A_96 = arith.constant 54 : i32
    %lt3A_97 = vector.broadcast %lt3A_96 : i32 to vector<16xi32>
    %lt3A_98 = arith.cmpi slt, %add3A_95, %lt3A_97 : vector<16xi32>
    %add3A_99 = arith.constant 3 : i32
    %add3A_100 = vector.broadcast %add3A_99 : i32 to vector<16xi32>
    %add3A_101 = arith.addi %mul3A_46, %add3A_100 : vector<16xi32>
    %jit3A_102 = arith.constant 0 : i32
    %broadcast_in_dim3A_103 = vector.broadcast %jit3A_102 : i32 to vector<16xi32>
    %select_n3A_104 = arith.select %lt3A_98, %add3A_101, %broadcast_in_dim3A_103 : vector<16xi1>, vector<16xi32>
    %gather3A_105 = tpu.vector_load_idx %arg11[%select_n3A_104] : memref<864xi32, #tpu.memory_space<vmem>>[vector<16xi32>], vector<16xi32>,
    %jit3A_106 = arith.constant -2147483648 : i32
    %broadcast_in_dim3A_107 = vector.broadcast %jit3A_106 : i32 to vector<16xi32>
    %select_n3A_108 = arith.select %lt3A_98, %gather3A_105, %broadcast_in_dim3A_107 : vector<16xi1>, vector<16xi32>
    %max3A_109 = arith.maxsi %max3A_92, %select_n3A_108 : vector<16xi32>
    %add3A_110 = arith.constant 0 : i32
    %add3A_111 = vector.broadcast %add3A_110 : i32 to vector<16xi32>
    %add3A_112 = arith.addi %add3A_111, %iota3A : vector<16xi32>
    %lt3A_113 = arith.constant 54 : i32
    %lt3A_114 = vector.broadcast %lt3A_113 : i32 to vector<16xi32>
    %lt3A_115 = arith.cmpi slt, %add3A_112, %lt3A_114 : vector<16xi32>
    %add3A_116 = arith.constant 4 : i32
    %add3A_117 = vector.broadcast %add3A_116 : i32 to vector<16xi32>
    %add3A_118 = arith.addi %mul3A_46, %add3A_117 : vector<16xi32>
    %jit3A_119 = arith.constant 0 : i32
    %broadcast_in_dim3A_120 = vector.broadcast %jit3A_119 : i32 to vector<16xi32>
    %select_n3A_121 = arith.select %lt3A_115, %add3A_118, %broadcast_in_dim3A_120 : vector<16xi1>, vector<16xi32>
    %gather3A_122 = tpu.vector_load_idx %arg11[%select_n3A_121] : memref<864xi32, #tpu.memory_space<vmem>>[vector<16xi32>], vector<16xi32>,
    %jit3A_123 = arith.constant -2147483648 : i32
    %broadcast_in_dim3A_124 = vector.broadcast %jit3A_123 : i32 to vector<16xi32>
    %select_n3A_125 = arith.select %lt3A_115, %gather3A_122, %broadcast_in_dim3A_124 : vector<16xi1>, vector<16xi32>
    %max3A_126 = arith.maxsi %max3A_109, %select_n3A_125 : vector<16xi32>
    %add3A_127 = arith.constant 0 : i32
    %add3A_128 = vector.broadcast %add3A_127 : i32 to vector<16xi32>
    %add3A_129 = arith.addi %add3A_128, %iota3A : vector<16xi32>
    %lt3A_130 = arith.constant 54 : i32
    %lt3A_131 = vector.broadcast %lt3A_130 : i32 to vector<16xi32>
    %lt3A_132 = arith.cmpi slt, %add3A_129, %lt3A_131 : vector<16xi32>
    %add3A_133 = arith.constant 5 : i32
    %add3A_134 = vector.broadcast %add3A_133 : i32 to vector<16xi32>
    %add3A_135 = arith.addi %mul3A_46, %add3A_134 : vector<16xi32>
    %jit3A_136 = arith.constant 0 : i32
    %broadcast_in_dim3A_137 = vector.broadcast %jit3A_136 : i32 to vector<16xi32>
    %select_n3A_138 = arith.select %lt3A_132, %add3A_135, %broadcast_in_dim3A_137 : vector<16xi1>, vector<16xi32>
    %gather3A_139 = tpu.vector_load_idx %arg11[%select_n3A_138] : memref<864xi32, #tpu.memory_space<vmem>>[vector<16xi32>], vector<16xi32>,
    %jit3A_140 = arith.constant -2147483648 : i32
    %broadcast_in_dim3A_141 = vector.broadcast %jit3A_140 : i32 to vector<16xi32>
    %select_n3A_142 = arith.select %lt3A_132, %gather3A_139, %broadcast_in_dim3A_141 : vector<16xi1>, vector<16xi32>
    %max3A_143 = arith.maxsi %max3A_126, %select_n3A_142 : vector<16xi32>
    %add3A_144 = arith.constant 0 : i32
    %add3A_145 = vector.broadcast %add3A_144 : i32 to vector<16xi32>
    %add3A_146 = arith.addi %add3A_145, %iota3A : vector<16xi32>
    %lt3A_147 = arith.constant 54 : i32
    %lt3A_148 = vector.broadcast %lt3A_147 : i32 to vector<16xi32>
    %lt3A_149 = arith.cmpi slt, %add3A_146, %lt3A_148 : vector<16xi32>
    %add3A_150 = arith.constant 6 : i32
    %add3A_151 = vector.broadcast %add3A_150 : i32 to vector<16xi32>
    %add3A_152 = arith.addi %mul3A_46, %add3A_151 : vector<16xi32>
    %jit3A_153 = arith.constant 0 : i32
    %broadcast_in_dim3A_154 = vector.broadcast %jit3A_153 : i32 to vector<16xi32>
    %select_n3A_155 = arith.select %lt3A_149, %add3A_152, %broadcast_in_dim3A_154 : vector<16xi1>, vector<16xi32>
    %gather3A_156 = tpu.vector_load_idx %arg11[%select_n3A_155] : memref<864xi32, #tpu.memory_space<vmem>>[vector<16xi32>], vector<16xi32>,
    %jit3A_157 = arith.constant -2147483648 : i32
    %broadcast_in_dim3A_158 = vector.broadcast %jit3A_157 : i32 to vector<16xi32>
    %select_n3A_159 = arith.select %lt3A_149, %gather3A_156, %broadcast_in_dim3A_158 : vector<16xi1>, vector<16xi32>
    %max3A_160 = arith.maxsi %max3A_143, %select_n3A_159 : vector<16xi32>
    %add3A_161 = arith.constant 0 : i32
    %add3A_162 = vector.broadcast %add3A_161 : i32 to vector<16xi32>
    %add3A_163 = arith.addi %add3A_162, %iota3A : vector<16xi32>
    %lt3A_164 = arith.constant 54 : i32
    %lt3A_165 = vector.broadcast %lt3A_164 : i32 to vector<16xi32>
    %lt3A_166 = arith.cmpi slt, %add3A_163, %lt3A_165 : vector<16xi32>
    %add3A_167 = arith.constant 7 : i32
    %add3A_168 = vector.broadcast %add3A_167 : i32 to vector<16xi32>
    %add3A_169 = arith.addi %mul3A_46, %add3A_168 : vector<16xi32>
    %jit3A_170 = arith.constant 0 : i32
    %broadcast_in_dim3A_171 = vector.broadcast %jit3A_170 : i32 to vector<16xi32>
    %select_n3A_172 = arith.select %lt3A_166, %add3A_169, %broadcast_in_dim3A_171 : vector<16xi1>, vector<16xi32>
    %gather3A_173 = tpu.vector_load_idx %arg11[%select_n3A_172] : memref<864xi32, #tpu.memory_space<vmem>>[vector<16xi32>], vector<16xi32>,
    %jit3A_174 = arith.constant -2147483648 : i32
    %broadcast_in_dim3A_175 = vector.broadcast %jit3A_174 : i32 to vector<16xi32>
    %select_n3A_176 = arith.select %lt3A_166, %gather3A_173, %broadcast_in_dim3A_175 : vector<16xi1>, vector<16xi32>
    %max3A_177 = arith.maxsi %max3A_160, %select_n3A_176 : vector<16xi32>
    %add3A_178 = arith.constant 0 : i32
    %add3A_179 = vector.broadcast %add3A_178 : i32 to vector<16xi32>
    %add3A_180 = arith.addi %add3A_179, %iota3A : vector<16xi32>
    %lt3A_181 = arith.constant 54 : i32
    %lt3A_182 = vector.broadcast %lt3A_181 : i32 to vector<16xi32>
    %lt3A_183 = arith.cmpi slt, %add3A_180, %lt3A_182 : vector<16xi32>
    %add3A_184 = arith.constant 8 : i32
    %add3A_185 = vector.broadcast %add3A_184 : i32 to vector<16xi32>
    %add3A_186 = arith.addi %mul3A_46, %add3A_185 : vector<16xi32>
    %jit3A_187 = arith.constant 0 : i32
    %broadcast_in_dim3A_188 = vector.broadcast %jit3A_187 : i32 to vector<16xi32>
    %select_n3A_189 = arith.select %lt3A_183, %add3A_186, %broadcast_in_dim3A_188 : vector<16xi1>, vector<16xi32>
    %gather3A_190 = tpu.vector_load_idx %arg11[%select_n3A_189] : memref<864xi32, #tpu.memory_space<vmem>>[vector<16xi32>], vector<16xi32>,
    %jit3A_191 = arith.constant -2147483648 : i32
    %broadcast_in_dim3A_192 = vector.broadcast %jit3A_191 : i32 to vector<16xi32>
    %select_n3A_193 = arith.select %lt3A_183, %gather3A_190, %broadcast_in_dim3A_192 : vector<16xi1>, vector<16xi32>
    %max3A_194 = arith.maxsi %max3A_177, %select_n3A_193 : vector<16xi32>
    %add3A_195 = arith.constant 0 : i32
    %add3A_196 = vector.broadcast %add3A_195 : i32 to vector<16xi32>
    %add3A_197 = arith.addi %add3A_196, %iota3A : vector<16xi32>
    %lt3A_198 = arith.constant 54 : i32
    %lt3A_199 = vector.broadcast %lt3A_198 : i32 to vector<16xi32>
    %lt3A_200 = arith.cmpi slt, %add3A_197, %lt3A_199 : vector<16xi32>
    %add3A_201 = arith.constant 9 : i32
    %add3A_202 = vector.broadcast %add3A_201 : i32 to vector<16xi32>
    %add3A_203 = arith.addi %mul3A_46, %add3A_202 : vector<16xi32>
    %jit3A_204 = arith.constant 0 : i32
    %broadcast_in_dim3A_205 = vector.broadcast %jit3A_204 : i32 to vector<16xi32>
    %select_n3A_206 = arith.select %lt3A_200, %add3A_203, %broadcast_in_dim3A_205 : vector<16xi1>, vector<16xi32>
    %gather3A_207 = tpu.vector_load_idx %arg11[%select_n3A_206] : memref<864xi32, #tpu.memory_space<vmem>>[vector<16xi32>], vector<16xi32>,
    %jit3A_208 = arith.constant -2147483648 : i32
    %broadcast_in_dim3A_209 = vector.broadcast %jit3A_208 : i32 to vector<16xi32>
    %select_n3A_210 = arith.select %lt3A_200, %gather3A_207, %broadcast_in_dim3A_209 : vector<16xi1>, vector<16xi32>
    %max3A_211 = arith.maxsi %max3A_194, %select_n3A_210 : vector<16xi32>
    %add3A_212 = arith.constant 0 : i32
    %add3A_213 = vector.broadcast %add3A_212 : i32 to vector<16xi32>
    %add3A_214 = arith.addi %add3A_213, %iota3A : vector<16xi32>
    %lt3A_215 = arith.constant 54 : i32
    %lt3A_216 = vector.broadcast %lt3A_215 : i32 to vector<16xi32>
    %lt3A_217 = arith.cmpi slt, %add3A_214, %lt3A_216 : vector<16xi32>
    %add3A_218 = arith.constant 10 : i32
    %add3A_219 = vector.broadcast %add3A_218 : i32 to vector<16xi32>
    %add3A_220 = arith.addi %mul3A_46, %add3A_219 : vector<16xi32>
    %jit3A_221 = arith.constant 0 : i32
    %broadcast_in_dim3A_222 = vector.broadcast %jit3A_221 : i32 to vector<16xi32>
    %select_n3A_223 = arith.select %lt3A_217, %add3A_220, %broadcast_in_dim3A_222 : vector<16xi1>, vector<16xi32>
    %gather3A_224 = tpu.vector_load_idx %arg11[%select_n3A_223] : memref<864xi32, #tpu.memory_space<vmem>>[vector<16xi32>], vector<16xi32>,
    %jit3A_225 = arith.constant -2147483648 : i32
    %broadcast_in_dim3A_226 = vector.broadcast %jit3A_225 : i32 to vector<16xi32>
    %select_n3A_227 = arith.select %lt3A_217, %gather3A_224, %broadcast_in_dim3A_226 : vector<16xi1>, vector<16xi32>
    %max3A_228 = arith.maxsi %max3A_211, %select_n3A_227 : vector<16xi32>
    %add3A_229 = arith.constant 0 : i32
    %add3A_230 = vector.broadcast %add3A_229 : i32 to vector<16xi32>
    %add3A_231 = arith.addi %add3A_230, %iota3A : vector<16xi32>
    %lt3A_232 = arith.constant 54 : i32
    %lt3A_233 = vector.broadcast %lt3A_232 : i32 to vector<16xi32>
    %lt3A_234 = arith.cmpi slt, %add3A_231, %lt3A_233 : vector<16xi32>
    %add3A_235 = arith.constant 11 : i32
    %add3A_236 = vector.broadcast %add3A_235 : i32 to vector<16xi32>
    %add3A_237 = arith.addi %mul3A_46, %add3A_236 : vector<16xi32>
    %jit3A_238 = arith.constant 0 : i32
    %broadcast_in_dim3A_239 = vector.broadcast %jit3A_238 : i32 to vector<16xi32>
    %select_n3A_240 = arith.select %lt3A_234, %add3A_237, %broadcast_in_dim3A_239 : vector<16xi1>, vector<16xi32>
    %gather3A_241 = tpu.vector_load_idx %arg11[%select_n3A_240] : memref<864xi32, #tpu.memory_space<vmem>>[vector<16xi32>], vector<16xi32>,
    %jit3A_242 = arith.constant -2147483648 : i32
    %broadcast_in_dim3A_243 = vector.broadcast %jit3A_242 : i32 to vector<16xi32>
    %select_n3A_244 = arith.select %lt3A_234, %gather3A_241, %broadcast_in_dim3A_243 : vector<16xi1>, vector<16xi32>
    %max3A_245 = arith.maxsi %max3A_228, %select_n3A_244 : vector<16xi32>
    %add3A_246 = arith.constant 0 : i32
    %add3A_247 = vector.broadcast %add3A_246 : i32 to vector<16xi32>
    %add3A_248 = arith.addi %add3A_247, %iota3A : vector<16xi32>
    %lt3A_249 = arith.constant 54 : i32
    %lt3A_250 = vector.broadcast %lt3A_249 : i32 to vector<16xi32>
    %lt3A_251 = arith.cmpi slt, %add3A_248, %lt3A_250 : vector<16xi32>
    %add3A_252 = arith.constant 12 : i32
    %add3A_253 = vector.broadcast %add3A_252 : i32 to vector<16xi32>
    %add3A_254 = arith.addi %mul3A_46, %add3A_253 : vector<16xi32>
    %jit3A_255 = arith.constant 0 : i32
    %broadcast_in_dim3A_256 = vector.broadcast %jit3A_255 : i32 to vector<16xi32>
    %select_n3A_257 = arith.select %lt3A_251, %add3A_254, %broadcast_in_dim3A_256 : vector<16xi1>, vector<16xi32>
    %gather3A_258 = tpu.vector_load_idx %arg11[%select_n3A_257] : memref<864xi32, #tpu.memory_space<vmem>>[vector<16xi32>], vector<16xi32>,
    %jit3A_259 = arith.constant -2147483648 : i32
    %broadcast_in_dim3A_260 = vector.broadcast %jit3A_259 : i32 to vector<16xi32>
    %select_n3A_261 = arith.select %lt3A_251, %gather3A_258, %broadcast_in_dim3A_260 : vector<16xi1>, vector<16xi32>
    %max3A_262 = arith.maxsi %max3A_245, %select_n3A_261 : vector<16xi32>
    %add3A_263 = arith.constant 0 : i32
    %add3A_264 = vector.broadcast %add3A_263 : i32 to vector<16xi32>
    %add3A_265 = arith.addi %add3A_264, %iota3A : vector<16xi32>
    %lt3A_266 = arith.constant 54 : i32
    %lt3A_267 = vector.broadcast %lt3A_266 : i32 to vector<16xi32>
    %lt3A_268 = arith.cmpi slt, %add3A_265, %lt3A_267 : vector<16xi32>
    %add3A_269 = arith.constant 13 : i32
    %add3A_270 = vector.broadcast %add3A_269 : i32 to vector<16xi32>
    %add3A_271 = arith.addi %mul3A_46, %add3A_270 : vector<16xi32>
    %jit3A_272 = arith.constant 0 : i32
    %broadcast_in_dim3A_273 = vector.broadcast %jit3A_272 : i32 to vector<16xi32>
    %select_n3A_274 = arith.select %lt3A_268, %add3A_271, %broadcast_in_dim3A_273 : vector<16xi1>, vector<16xi32>
    %gather3A_275 = tpu.vector_load_idx %arg11[%select_n3A_274] : memref<864xi32, #tpu.memory_space<vmem>>[vector<16xi32>], vector<16xi32>,
    %jit3A_276 = arith.constant -2147483648 : i32
    %broadcast_in_dim3A_277 = vector.broadcast %jit3A_276 : i32 to vector<16xi32>
    %select_n3A_278 = arith.select %lt3A_268, %gather3A_275, %broadcast_in_dim3A_277 : vector<16xi1>, vector<16xi32>
    %max3A_279 = arith.maxsi %max3A_262, %select_n3A_278 : vector<16xi32>
    %add3A_280 = arith.constant 0 : i32
    %add3A_281 = vector.broadcast %add3A_280 : i32 to vector<16xi32>
    %add3A_282 = arith.addi %add3A_281, %iota3A : vector<16xi32>
    %lt3A_283 = arith.constant 54 : i32
    %lt3A_284 = vector.broadcast %lt3A_283 : i32 to vector<16xi32>
    %lt3A_285 = arith.cmpi slt, %add3A_282, %lt3A_284 : vector<16xi32>
    %add3A_286 = arith.constant 14 : i32
    %add3A_287 = vector.broadcast %add3A_286 : i32 to vector<16xi32>
    %add3A_288 = arith.addi %mul3A_46, %add3A_287 : vector<16xi32>
    %jit3A_289 = arith.constant 0 : i32
    %broadcast_in_dim3A_290 = vector.broadcast %jit3A_289 : i32 to vector<16xi32>
    %select_n3A_291 = arith.select %lt3A_285, %add3A_288, %broadcast_in_dim3A_290 : vector<16xi1>, vector<16xi32>
    %gather3A_292 = tpu.vector_load_idx %arg11[%select_n3A_291] : memref<864xi32, #tpu.memory_space<vmem>>[vector<16xi32>], vector<16xi32>,
    %jit3A_293 = arith.constant -2147483648 : i32
    %broadcast_in_dim3A_294 = vector.broadcast %jit3A_293 : i32 to vector<16xi32>
    %select_n3A_295 = arith.select %lt3A_285, %gather3A_292, %broadcast_in_dim3A_294 : vector<16xi1>, vector<16xi32>
    %max3A_296 = arith.maxsi %max3A_279, %select_n3A_295 : vector<16xi32>
    %add3A_297 = arith.constant 0 : i32
    %add3A_298 = vector.broadcast %add3A_297 : i32 to vector<16xi32>
    %add3A_299 = arith.addi %add3A_298, %iota3A : vector<16xi32>
    %lt3A_300 = arith.constant 54 : i32
    %lt3A_301 = vector.broadcast %lt3A_300 : i32 to vector<16xi32>
    %lt3A_302 = arith.cmpi slt, %add3A_299, %lt3A_301 : vector<16xi32>
    %add3A_303 = arith.constant 15 : i32
    %add3A_304 = vector.broadcast %add3A_303 : i32 to vector<16xi32>
    %add3A_305 = arith.addi %mul3A_46, %add3A_304 : vector<16xi32>
    %jit3A_306 = arith.constant 0 : i32
    %broadcast_in_dim3A_307 = vector.broadcast %jit3A_306 : i32 to vector<16xi32>
    %select_n3A_308 = arith.select %lt3A_302, %add3A_305, %broadcast_in_dim3A_307 : vector<16xi1>, vector<16xi32>
    %gather3A_309 = tpu.vector_load_idx %arg11[%select_n3A_308] : memref<864xi32, #tpu.memory_space<vmem>>[vector<16xi32>], vector<16xi32>,
    %jit3A_310 = arith.constant -2147483648 : i32
    %broadcast_in_dim3A_311 = vector.broadcast %jit3A_310 : i32 to vector<16xi32>
    %select_n3A_312 = arith.select %lt3A_302, %gather3A_309, %broadcast_in_dim3A_311 : vector<16xi1>, vector<16xi32>
    %max3A_313 = arith.maxsi %max3A_296, %select_n3A_312 : vector<16xi32>
    %swap3A = arith.constant 0 : index
    %swap3A_314 = tpu.vector_load %arg12[%swap3A] {strides = array<i32>} : memref<64xi32, #tpu.memory_space<vmem>>, vector<16xi32>,
    tpu.vector_store %arg12[%swap3A], %max3A_313 {strides = array<i32>} : memref<64xi32, #tpu.memory_space<vmem>>, vector<16xi32>,
    %add3A_315 = arith.constant 16 : i32
    %add3A_316 = vector.broadcast %add3A_315 : i32 to vector<16xi32>
    %add3A_317 = arith.addi %add3A_316, %iota3A : vector<16xi32>
    %mul3A_318 = arith.constant 16 : i32
    %mul3A_319 = vector.broadcast %mul3A_318 : i32 to vector<16xi32>
    %mul3A_320 = arith.muli %add3A_317, %mul3A_319 : vector<16xi32>
    %add3A_321 = arith.constant 16 : i32
    %add3A_322 = vector.broadcast %add3A_321 : i32 to vector<16xi32>
    %add3A_323 = arith.addi %add3A_322, %iota3A : vector<16xi32>
    %lt3A_324 = arith.constant 54 : i32
    %lt3A_325 = vector.broadcast %lt3A_324 : i32 to vector<16xi32>
    %lt3A_326 = arith.cmpi slt, %add3A_323, %lt3A_325 : vector<16xi32>
    %add3A_327 = arith.constant 0 : i32
    %add3A_328 = vector.broadcast %add3A_327 : i32 to vector<16xi32>
    %add3A_329 = arith.addi %mul3A_320, %add3A_328 : vector<16xi32>
    %jit3A_330 = arith.constant 0 : i32
    %broadcast_in_dim3A_331 = vector.broadcast %jit3A_330 : i32 to vector<16xi32>
    %select_n3A_332 = arith.select %lt3A_326, %add3A_329, %broadcast_in_dim3A_331 : vector<16xi1>, vector<16xi32>
    %gather3A_333 = tpu.vector_load_idx %arg11[%select_n3A_332] : memref<864xi32, #tpu.memory_space<vmem>>[vector<16xi32>], vector<16xi32>,
    %jit3A_334 = arith.constant -2147483648 : i32
    %broadcast_in_dim3A_335 = vector.broadcast %jit3A_334 : i32 to vector<16xi32>
    %select_n3A_336 = arith.select %lt3A_326, %gather3A_333, %broadcast_in_dim3A_335 : vector<16xi1>, vector<16xi32>
    %max3A_337 = arith.maxsi %broadcast_in_dim3A_33, %select_n3A_336 : vector<16xi32>
    %add3A_338 = arith.constant 16 : i32
    %add3A_339 = vector.broadcast %add3A_338 : i32 to vector<16xi32>
    %add3A_340 = arith.addi %add3A_339, %iota3A : vector<16xi32>
    %lt3A_341 = arith.constant 54 : i32
    %lt3A_342 = vector.broadcast %lt3A_341 : i32 to vector<16xi32>
    %lt3A_343 = arith.cmpi slt, %add3A_340, %lt3A_342 : vector<16xi32>
    %add3A_344 = arith.constant 1 : i32
    %add3A_345 = vector.broadcast %add3A_344 : i32 to vector<16xi32>
    %add3A_346 = arith.addi %mul3A_320, %add3A_345 : vector<16xi32>
    %jit3A_347 = arith.constant 0 : i32
    %broadcast_in_dim3A_348 = vector.broadcast %jit3A_347 : i32 to vector<16xi32>
    %select_n3A_349 = arith.select %lt3A_343, %add3A_346, %broadcast_in_dim3A_348 : vector<16xi1>, vector<16xi32>
    %gather3A_350 = tpu.vector_load_idx %arg11[%select_n3A_349] : memref<864xi32, #tpu.memory_space<vmem>>[vector<16xi32>], vector<16xi32>,
    %jit3A_351 = arith.constant -2147483648 : i32
    %broadcast_in_dim3A_352 = vector.broadcast %jit3A_351 : i32 to vector<16xi32>
    %select_n3A_353 = arith.select %lt3A_343, %gather3A_350, %broadcast_in_dim3A_352 : vector<16xi1>, vector<16xi32>
    %max3A_354 = arith.maxsi %max3A_337, %select_n3A_353 : vector<16xi32>
    %add3A_355 = arith.constant 16 : i32
    %add3A_356 = vector.broadcast %add3A_355 : i32 to vector<16xi32>
    %add3A_357 = arith.addi %add3A_356, %iota3A : vector<16xi32>
    %lt3A_358 = arith.constant 54 : i32
    %lt3A_359 = vector.broadcast %lt3A_358 : i32 to vector<16xi32>
    %lt3A_360 = arith.cmpi slt, %add3A_357, %lt3A_359 : vector<16xi32>
    %add3A_361 = arith.constant 2 : i32
    %add3A_362 = vector.broadcast %add3A_361 : i32 to vector<16xi32>
    %add3A_363 = arith.addi %mul3A_320, %add3A_362 : vector<16xi32>
    %jit3A_364 = arith.constant 0 : i32
    %broadcast_in_dim3A_365 = vector.broadcast %jit3A_364 : i32 to vector<16xi32>
    %select_n3A_366 = arith.select %lt3A_360, %add3A_363, %broadcast_in_dim3A_365 : vector<16xi1>, vector<16xi32>
    %gather3A_367 = tpu.vector_load_idx %arg11[%select_n3A_366] : memref<864xi32, #tpu.memory_space<vmem>>[vector<16xi32>], vector<16xi32>,
    %jit3A_368 = arith.constant -2147483648 : i32
    %broadcast_in_dim3A_369 = vector.broadcast %jit3A_368 : i32 to vector<16xi32>
    %select_n3A_370 = arith.select %lt3A_360, %gather3A_367, %broadcast_in_dim3A_369 : vector<16xi1>, vector<16xi32>
    %max3A_371 = arith.maxsi %max3A_354, %select_n3A_370 : vector<16xi32>
    %add3A_372 = arith.constant 16 : i32
    %add3A_373 = vector.broadcast %add3A_372 : i32 to vector<16xi32>
    %add3A_374 = arith.addi %add3A_373, %iota3A : vector<16xi32>
    %lt3A_375 = arith.constant 54 : i32
    %lt3A_376 = vector.broadcast %lt3A_375 : i32 to vector<16xi32>
    %lt3A_377 = arith.cmpi slt, %add3A_374, %lt3A_376 : vector<16xi32>
    %add3A_378 = arith.constant 3 : i32
    %add3A_379 = vector.broadcast %add3A_378 : i32 to vector<16xi32>
    %add3A_380 = arith.addi %mul3A_320, %add3A_379 : vector<16xi32>
    %jit3A_381 = arith.constant 0 : i32
    %broadcast_in_dim3A_382 = vector.broadcast %jit3A_381 : i32 to vector<16xi32>
    %select_n3A_383 = arith.select %lt3A_377, %add3A_380, %broadcast_in_dim3A_382 : vector<16xi1>, vector<16xi32>
    %gather3A_384 = tpu.vector_load_idx %arg11[%select_n3A_383] : memref<864xi32, #tpu.memory_space<vmem>>[vector<16xi32>], vector<16xi32>,
    %jit3A_385 = arith.constant -2147483648 : i32
    %broadcast_in_dim3A_386 = vector.broadcast %jit3A_385 : i32 to vector<16xi32>
    %select_n3A_387 = arith.select %lt3A_377, %gather3A_384, %broadcast_in_dim3A_386 : vector<16xi1>, vector<16xi32>
    %max3A_388 = arith.maxsi %max3A_371, %select_n3A_387 : vector<16xi32>
    %add3A_389 = arith.constant 16 : i32
    %add3A_390 = vector.broadcast %add3A_389 : i32 to vector<16xi32>
    %add3A_391 = arith.addi %add3A_390, %iota3A : vector<16xi32>
    %lt3A_392 = arith.constant 54 : i32
    %lt3A_393 = vector.broadcast %lt3A_392 : i32 to vector<16xi32>
    %lt3A_394 = arith.cmpi slt, %add3A_391, %lt3A_393 : vector<16xi32>
    %add3A_395 = arith.constant 4 : i32
    %add3A_396 = vector.broadcast %add3A_395 : i32 to vector<16xi32>
    %add3A_397 = arith.addi %mul3A_320, %add3A_396 : vector<16xi32>
    %jit3A_398 = arith.constant 0 : i32
    %broadcast_in_dim3A_399 = vector.broadcast %jit3A_398 : i32 to vector<16xi32>
    %select_n3A_400 = arith.select %lt3A_394, %add3A_397, %broadcast_in_dim3A_399 : vector<16xi1>, vector<16xi32>
    %gather3A_401 = tpu.vector_load_idx %arg11[%select_n3A_400] : memref<864xi32, #tpu.memory_space<vmem>>[vector<16xi32>], vector<16xi32>,
    %jit3A_402 = arith.constant -2147483648 : i32
    %broadcast_in_dim3A_403 = vector.broadcast %jit3A_402 : i32 to vector<16xi32>
    %select_n3A_404 = arith.select %lt3A_394, %gather3A_401, %broadcast_in_dim3A_403 : vector<16xi1>, vector<16xi32>
    %max3A_405 = arith.maxsi %max3A_388, %select_n3A_404 : vector<16xi32>
    %add3A_406 = arith.constant 16 : i32
    %add3A_407 = vector.broadcast %add3A_406 : i32 to vector<16xi32>
    %add3A_408 = arith.addi %add3A_407, %iota3A : vector<16xi32>
    %lt3A_409 = arith.constant 54 : i32
    %lt3A_410 = vector.broadcast %lt3A_409 : i32 to vector<16xi32>
    %lt3A_411 = arith.cmpi slt, %add3A_408, %lt3A_410 : vector<16xi32>
    %add3A_412 = arith.constant 5 : i32
    %add3A_413 = vector.broadcast %add3A_412 : i32 to vector<16xi32>
    %add3A_414 = arith.addi %mul3A_320, %add3A_413 : vector<16xi32>
    %jit3A_415 = arith.constant 0 : i32
    %broadcast_in_dim3A_416 = vector.broadcast %jit3A_415 : i32 to vector<16xi32>
    %select_n3A_417 = arith.select %lt3A_411, %add3A_414, %broadcast_in_dim3A_416 : vector<16xi1>, vector<16xi32>
    %gather3A_418 = tpu.vector_load_idx %arg11[%select_n3A_417] : memref<864xi32, #tpu.memory_space<vmem>>[vector<16xi32>], vector<16xi32>,
    %jit3A_419 = arith.constant -2147483648 : i32
    %broadcast_in_dim3A_420 = vector.broadcast %jit3A_419 : i32 to vector<16xi32>
    %select_n3A_421 = arith.select %lt3A_411, %gather3A_418, %broadcast_in_dim3A_420 : vector<16xi1>, vector<16xi32>
    %max3A_422 = arith.maxsi %max3A_405, %select_n3A_421 : vector<16xi32>
    %add3A_423 = arith.constant 16 : i32
    %add3A_424 = vector.broadcast %add3A_423 : i32 to vector<16xi32>
    %add3A_425 = arith.addi %add3A_424, %iota3A : vector<16xi32>
    %lt3A_426 = arith.constant 54 : i32
    %lt3A_427 = vector.broadcast %lt3A_426 : i32 to vector<16xi32>
    %lt3A_428 = arith.cmpi slt, %add3A_425, %lt3A_427 : vector<16xi32>
    %add3A_429 = arith.constant 6 : i32
    %add3A_430 = vector.broadcast %add3A_429 : i32 to vector<16xi32>
    %add3A_431 = arith.addi %mul3A_320, %add3A_430 : vector<16xi32>
    %jit3A_432 = arith.constant 0 : i32
    %broadcast_in_dim3A_433 = vector.broadcast %jit3A_432 : i32 to vector<16xi32>
    %select_n3A_434 = arith.select %lt3A_428, %add3A_431, %broadcast_in_dim3A_433 : vector<16xi1>, vector<16xi32>
    %gather3A_435 = tpu.vector_load_idx %arg11[%select_n3A_434] : memref<864xi32, #tpu.memory_space<vmem>>[vector<16xi32>], vector<16xi32>,
    %jit3A_436 = arith.constant -2147483648 : i32
    %broadcast_in_dim3A_437 = vector.broadcast %jit3A_436 : i32 to vector<16xi32>
    %select_n3A_438 = arith.select %lt3A_428, %gather3A_435, %broadcast_in_dim3A_437 : vector<16xi1>, vector<16xi32>
    %max3A_439 = arith.maxsi %max3A_422, %select_n3A_438 : vector<16xi32>
    %add3A_440 = arith.constant 16 : i32
    %add3A_441 = vector.broadcast %add3A_440 : i32 to vector<16xi32>
    %add3A_442 = arith.addi %add3A_441, %iota3A : vector<16xi32>
    %lt3A_443 = arith.constant 54 : i32
    %lt3A_444 = vector.broadcast %lt3A_443 : i32 to vector<16xi32>
    %lt3A_445 = arith.cmpi slt, %add3A_442, %lt3A_444 : vector<16xi32>
    %add3A_446 = arith.constant 7 : i32
    %add3A_447 = vector.broadcast %add3A_446 : i32 to vector<16xi32>
    %add3A_448 = arith.addi %mul3A_320, %add3A_447 : vector<16xi32>
    %jit3A_449 = arith.constant 0 : i32
    %broadcast_in_dim3A_450 = vector.broadcast %jit3A_449 : i32 to vector<16xi32>
    %select_n3A_451 = arith.select %lt3A_445, %add3A_448, %broadcast_in_dim3A_450 : vector<16xi1>, vector<16xi32>
    %gather3A_452 = tpu.vector_load_idx %arg11[%select_n3A_451] : memref<864xi32, #tpu.memory_space<vmem>>[vector<16xi32>], vector<16xi32>,
    %jit3A_453 = arith.constant -2147483648 : i32
    %broadcast_in_dim3A_454 = vector.broadcast %jit3A_453 : i32 to vector<16xi32>
    %select_n3A_455 = arith.select %lt3A_445, %gather3A_452, %broadcast_in_dim3A_454 : vector<16xi1>, vector<16xi32>
    %max3A_456 = arith.maxsi %max3A_439, %select_n3A_455 : vector<16xi32>
    %add3A_457 = arith.constant 16 : i32
    %add3A_458 = vector.broadcast %add3A_457 : i32 to vector<16xi32>
    %add3A_459 = arith.addi %add3A_458, %iota3A : vector<16xi32>
    %lt3A_460 = arith.constant 54 : i32
    %lt3A_461 = vector.broadcast %lt3A_460 : i32 to vector<16xi32>
    %lt3A_462 = arith.cmpi slt, %add3A_459, %lt3A_461 : vector<16xi32>
    %add3A_463 = arith.constant 8 : i32
    %add3A_464 = vector.broadcast %add3A_463 : i32 to vector<16xi32>
    %add3A_465 = arith.addi %mul3A_320, %add3A_464 : vector<16xi32>
    %jit3A_466 = arith.constant 0 : i32
    %broadcast_in_dim3A_467 = vector.broadcast %jit3A_466 : i32 to vector<16xi32>
    %select_n3A_468 = arith.select %lt3A_462, %add3A_465, %broadcast_in_dim3A_467 : vector<16xi1>, vector<16xi32>
    %gather3A_469 = tpu.vector_load_idx %arg11[%select_n3A_468] : memref<864xi32, #tpu.memory_space<vmem>>[vector<16xi32>], vector<16xi32>,
    %jit3A_470 = arith.constant -2147483648 : i32
    %broadcast_in_dim3A_471 = vector.broadcast %jit3A_470 : i32 to vector<16xi32>
    %select_n3A_472 = arith.select %lt3A_462, %gather3A_469, %broadcast_in_dim3A_471 : vector<16xi1>, vector<16xi32>
    %max3A_473 = arith.maxsi %max3A_456, %select_n3A_472 : vector<16xi32>
    %add3A_474 = arith.constant 16 : i32
    %add3A_475 = vector.broadcast %add3A_474 : i32 to vector<16xi32>
    %add3A_476 = arith.addi %add3A_475, %iota3A : vector<16xi32>
    %lt3A_477 = arith.constant 54 : i32
    %lt3A_478 = vector.broadcast %lt3A_477 : i32 to vector<16xi32>
    %lt3A_479 = arith.cmpi slt, %add3A_476, %lt3A_478 : vector<16xi32>
    %add3A_480 = arith.constant 9 : i32
    %add3A_481 = vector.broadcast %add3A_480 : i32 to vector<16xi32>
    %add3A_482 = arith.addi %mul3A_320, %add3A_481 : vector<16xi32>
    %jit3A_483 = arith.constant 0 : i32
    %broadcast_in_dim3A_484 = vector.broadcast %jit3A_483 : i32 to vector<16xi32>
    %select_n3A_485 = arith.select %lt3A_479, %add3A_482, %broadcast_in_dim3A_484 : vector<16xi1>, vector<16xi32>
    %gather3A_486 = tpu.vector_load_idx %arg11[%select_n3A_485] : memref<864xi32, #tpu.memory_space<vmem>>[vector<16xi32>], vector<16xi32>,
    %jit3A_487 = arith.constant -2147483648 : i32
    %broadcast_in_dim3A_488 = vector.broadcast %jit3A_487 : i32 to vector<16xi32>
    %select_n3A_489 = arith.select %lt3A_479, %gather3A_486, %broadcast_in_dim3A_488 : vector<16xi1>, vector<16xi32>
    %max3A_490 = arith.maxsi %max3A_473, %select_n3A_489 : vector<16xi32>
    %add3A_491 = arith.constant 16 : i32
    %add3A_492 = vector.broadcast %add3A_491 : i32 to vector<16xi32>
    %add3A_493 = arith.addi %add3A_492, %iota3A : vector<16xi32>
    %lt3A_494 = arith.constant 54 : i32
    %lt3A_495 = vector.broadcast %lt3A_494 : i32 to vector<16xi32>
    %lt3A_496 = arith.cmpi slt, %add3A_493, %lt3A_495 : vector<16xi32>
    %add3A_497 = arith.constant 10 : i32
    %add3A_498 = vector.broadcast %add3A_497 : i32 to vector<16xi32>
    %add3A_499 = arith.addi %mul3A_320, %add3A_498 : vector<16xi32>
    %jit3A_500 = arith.constant 0 : i32
    %broadcast_in_dim3A_501 = vector.broadcast %jit3A_500 : i32 to vector<16xi32>
    %select_n3A_502 = arith.select %lt3A_496, %add3A_499, %broadcast_in_dim3A_501 : vector<16xi1>, vector<16xi32>
    %gather3A_503 = tpu.vector_load_idx %arg11[%select_n3A_502] : memref<864xi32, #tpu.memory_space<vmem>>[vector<16xi32>], vector<16xi32>,
    %jit3A_504 = arith.constant -2147483648 : i32
    %broadcast_in_dim3A_505 = vector.broadcast %jit3A_504 : i32 to vector<16xi32>
    %select_n3A_506 = arith.select %lt3A_496, %gather3A_503, %broadcast_in_dim3A_505 : vector<16xi1>, vector<16xi32>
    %max3A_507 = arith.maxsi %max3A_490, %select_n3A_506 : vector<16xi32>
    %add3A_508 = arith.constant 16 : i32
    %add3A_509 = vector.broadcast %add3A_508 : i32 to vector<16xi32>
    %add3A_510 = arith.addi %add3A_509, %iota3A : vector<16xi32>
    %lt3A_511 = arith.constant 54 : i32
    %lt3A_512 = vector.broadcast %lt3A_511 : i32 to vector<16xi32>
    %lt3A_513 = arith.cmpi slt, %add3A_510, %lt3A_512 : vector<16xi32>
    %add3A_514 = arith.constant 11 : i32
    %add3A_515 = vector.broadcast %add3A_514 : i32 to vector<16xi32>
    %add3A_516 = arith.addi %mul3A_320, %add3A_515 : vector<16xi32>
    %jit3A_517 = arith.constant 0 : i32
    %broadcast_in_dim3A_518 = vector.broadcast %jit3A_517 : i32 to vector<16xi32>
    %select_n3A_519 = arith.select %lt3A_513, %add3A_516, %broadcast_in_dim3A_518 : vector<16xi1>, vector<16xi32>
    %gather3A_520 = tpu.vector_load_idx %arg11[%select_n3A_519] : memref<864xi32, #tpu.memory_space<vmem>>[vector<16xi32>], vector<16xi32>,
    %jit3A_521 = arith.constant -2147483648 : i32
    %broadcast_in_dim3A_522 = vector.broadcast %jit3A_521 : i32 to vector<16xi32>
    %select_n3A_523 = arith.select %lt3A_513, %gather3A_520, %broadcast_in_dim3A_522 : vector<16xi1>, vector<16xi32>
    %max3A_524 = arith.maxsi %max3A_507, %select_n3A_523 : vector<16xi32>
    %add3A_525 = arith.constant 16 : i32
    %add3A_526 = vector.broadcast %add3A_525 : i32 to vector<16xi32>
    %add3A_527 = arith.addi %add3A_526, %iota3A : vector<16xi32>
    %lt3A_528 = arith.constant 54 : i32
    %lt3A_529 = vector.broadcast %lt3A_528 : i32 to vector<16xi32>
    %lt3A_530 = arith.cmpi slt, %add3A_527, %lt3A_529 : vector<16xi32>
    %add3A_531 = arith.constant 12 : i32
    %add3A_532 = vector.broadcast %add3A_531 : i32 to vector<16xi32>
    %add3A_533 = arith.addi %mul3A_320, %add3A_532 : vector<16xi32>
    %jit3A_534 = arith.constant 0 : i32
    %broadcast_in_dim3A_535 = vector.broadcast %jit3A_534 : i32 to vector<16xi32>
    %select_n3A_536 = arith.select %lt3A_530, %add3A_533, %broadcast_in_dim3A_535 : vector<16xi1>, vector<16xi32>
    %gather3A_537 = tpu.vector_load_idx %arg11[%select_n3A_536] : memref<864xi32, #tpu.memory_space<vmem>>[vector<16xi32>], vector<16xi32>,
    %jit3A_538 = arith.constant -2147483648 : i32
    %broadcast_in_dim3A_539 = vector.broadcast %jit3A_538 : i32 to vector<16xi32>
    %select_n3A_540 = arith.select %lt3A_530, %gather3A_537, %broadcast_in_dim3A_539 : vector<16xi1>, vector<16xi32>
    %max3A_541 = arith.maxsi %max3A_524, %select_n3A_540 : vector<16xi32>
    %add3A_542 = arith.constant 16 : i32
    %add3A_543 = vector.broadcast %add3A_542 : i32 to vector<16xi32>
    %add3A_544 = arith.addi %add3A_543, %iota3A : vector<16xi32>
    %lt3A_545 = arith.constant 54 : i32
    %lt3A_546 = vector.broadcast %lt3A_545 : i32 to vector<16xi32>
    %lt3A_547 = arith.cmpi slt, %add3A_544, %lt3A_546 : vector<16xi32>
    %add3A_548 = arith.constant 13 : i32
    %add3A_549 = vector.broadcast %add3A_548 : i32 to vector<16xi32>
    %add3A_550 = arith.addi %mul3A_320, %add3A_549 : vector<16xi32>
    %jit3A_551 = arith.constant 0 : i32
    %broadcast_in_dim3A_552 = vector.broadcast %jit3A_551 : i32 to vector<16xi32>
    %select_n3A_553 = arith.select %lt3A_547, %add3A_550, %broadcast_in_dim3A_552 : vector<16xi1>, vector<16xi32>
    %gather3A_554 = tpu.vector_load_idx %arg11[%select_n3A_553] : memref<864xi32, #tpu.memory_space<vmem>>[vector<16xi32>], vector<16xi32>,
    %jit3A_555 = arith.constant -2147483648 : i32
    %broadcast_in_dim3A_556 = vector.broadcast %jit3A_555 : i32 to vector<16xi32>
    %select_n3A_557 = arith.select %lt3A_547, %gather3A_554, %broadcast_in_dim3A_556 : vector<16xi1>, vector<16xi32>
    %max3A_558 = arith.maxsi %max3A_541, %select_n3A_557 : vector<16xi32>
    %add3A_559 = arith.constant 16 : i32
    %add3A_560 = vector.broadcast %add3A_559 : i32 to vector<16xi32>
    %add3A_561 = arith.addi %add3A_560, %iota3A : vector<16xi32>
    %lt3A_562 = arith.constant 54 : i32
    %lt3A_563 = vector.broadcast %lt3A_562 : i32 to vector<16xi32>
    %lt3A_564 = arith.cmpi slt, %add3A_561, %lt3A_563 : vector<16xi32>
    %add3A_565 = arith.constant 14 : i32
    %add3A_566 = vector.broadcast %add3A_565 : i32 to vector<16xi32>
    %add3A_567 = arith.addi %mul3A_320, %add3A_566 : vector<16xi32>
    %jit3A_568 = arith.constant 0 : i32
    %broadcast_in_dim3A_569 = vector.broadcast %jit3A_568 : i32 to vector<16xi32>
    %select_n3A_570 = arith.select %lt3A_564, %add3A_567, %broadcast_in_dim3A_569 : vector<16xi1>, vector<16xi32>
    %gather3A_571 = tpu.vector_load_idx %arg11[%select_n3A_570] : memref<864xi32, #tpu.memory_space<vmem>>[vector<16xi32>], vector<16xi32>,
    %jit3A_572 = arith.constant -2147483648 : i32
    %broadcast_in_dim3A_573 = vector.broadcast %jit3A_572 : i32 to vector<16xi32>
    %select_n3A_574 = arith.select %lt3A_564, %gather3A_571, %broadcast_in_dim3A_573 : vector<16xi1>, vector<16xi32>
    %max3A_575 = arith.maxsi %max3A_558, %select_n3A_574 : vector<16xi32>
    %add3A_576 = arith.constant 16 : i32
    %add3A_577 = vector.broadcast %add3A_576 : i32 to vector<16xi32>
    %add3A_578 = arith.addi %add3A_577, %iota3A : vector<16xi32>
    %lt3A_579 = arith.constant 54 : i32
    %lt3A_580 = vector.broadcast %lt3A_579 : i32 to vector<16xi32>
    %lt3A_581 = arith.cmpi slt, %add3A_578, %lt3A_580 : vector<16xi32>
    %add3A_582 = arith.constant 15 : i32
    %add3A_583 = vector.broadcast %add3A_582 : i32 to vector<16xi32>
    %add3A_584 = arith.addi %mul3A_320, %add3A_583 : vector<16xi32>
    %jit3A_585 = arith.constant 0 : i32
    %broadcast_in_dim3A_586 = vector.broadcast %jit3A_585 : i32 to vector<16xi32>
    %select_n3A_587 = arith.select %lt3A_581, %add3A_584, %broadcast_in_dim3A_586 : vector<16xi1>, vector<16xi32>
    %gather3A_588 = tpu.vector_load_idx %arg11[%select_n3A_587] : memref<864xi32, #tpu.memory_space<vmem>>[vector<16xi32>], vector<16xi32>,
    %jit3A_589 = arith.constant -2147483648 : i32
    %broadcast_in_dim3A_590 = vector.broadcast %jit3A_589 : i32 to vector<16xi32>
    %select_n3A_591 = arith.select %lt3A_581, %gather3A_588, %broadcast_in_dim3A_590 : vector<16xi1>, vector<16xi32>
    %max3A_592 = arith.maxsi %max3A_575, %select_n3A_591 : vector<16xi32>
    %swap3A_593 = arith.constant 16 : index
    %swap3A_594 = tpu.vector_load %arg12[%swap3A_593] {strides = array<i32>} : memref<64xi32, #tpu.memory_space<vmem>>, vector<16xi32>,
    tpu.vector_store %arg12[%swap3A_593], %max3A_592 {strides = array<i32>} : memref<64xi32, #tpu.memory_space<vmem>>, vector<16xi32>,
    %add3A_595 = arith.constant 32 : i32
    %add3A_596 = vector.broadcast %add3A_595 : i32 to vector<16xi32>
    %add3A_597 = arith.addi %add3A_596, %iota3A : vector<16xi32>
    %mul3A_598 = arith.constant 16 : i32
    %mul3A_599 = vector.broadcast %mul3A_598 : i32 to vector<16xi32>
    %mul3A_600 = arith.muli %add3A_597, %mul3A_599 : vector<16xi32>
    %add3A_601 = arith.constant 32 : i32
    %add3A_602 = vector.broadcast %add3A_601 : i32 to vector<16xi32>
    %add3A_603 = arith.addi %add3A_602, %iota3A : vector<16xi32>
    %lt3A_604 = arith.constant 54 : i32
    %lt3A_605 = vector.broadcast %lt3A_604 : i32 to vector<16xi32>
    %lt3A_606 = arith.cmpi slt, %add3A_603, %lt3A_605 : vector<16xi32>
    %add3A_607 = arith.constant 0 : i32
    %add3A_608 = vector.broadcast %add3A_607 : i32 to vector<16xi32>
    %add3A_609 = arith.addi %mul3A_600, %add3A_608 : vector<16xi32>
    %jit3A_610 = arith.constant 0 : i32
    %broadcast_in_dim3A_611 = vector.broadcast %jit3A_610 : i32 to vector<16xi32>
    %select_n3A_612 = arith.select %lt3A_606, %add3A_609, %broadcast_in_dim3A_611 : vector<16xi1>, vector<16xi32>
    %gather3A_613 = tpu.vector_load_idx %arg11[%select_n3A_612] : memref<864xi32, #tpu.memory_space<vmem>>[vector<16xi32>], vector<16xi32>,
    %jit3A_614 = arith.constant -2147483648 : i32
    %broadcast_in_dim3A_615 = vector.broadcast %jit3A_614 : i32 to vector<16xi32>
    %select_n3A_616 = arith.select %lt3A_606, %gather3A_613, %broadcast_in_dim3A_615 : vector<16xi1>, vector<16xi32>
    %max3A_617 = arith.maxsi %broadcast_in_dim3A_33, %select_n3A_616 : vector<16xi32>
    %add3A_618 = arith.constant 32 : i32
    %add3A_619 = vector.broadcast %add3A_618 : i32 to vector<16xi32>
    %add3A_620 = arith.addi %add3A_619, %iota3A : vector<16xi32>
    %lt3A_621 = arith.constant 54 : i32
    %lt3A_622 = vector.broadcast %lt3A_621 : i32 to vector<16xi32>
    %lt3A_623 = arith.cmpi slt, %add3A_620, %lt3A_622 : vector<16xi32>
    %add3A_624 = arith.constant 1 : i32
    %add3A_625 = vector.broadcast %add3A_624 : i32 to vector<16xi32>
    %add3A_626 = arith.addi %mul3A_600, %add3A_625 : vector<16xi32>
    %jit3A_627 = arith.constant 0 : i32
    %broadcast_in_dim3A_628 = vector.broadcast %jit3A_627 : i32 to vector<16xi32>
    %select_n3A_629 = arith.select %lt3A_623, %add3A_626, %broadcast_in_dim3A_628 : vector<16xi1>, vector<16xi32>
    %gather3A_630 = tpu.vector_load_idx %arg11[%select_n3A_629] : memref<864xi32, #tpu.memory_space<vmem>>[vector<16xi32>], vector<16xi32>,
    %jit3A_631 = arith.constant -2147483648 : i32
    %broadcast_in_dim3A_632 = vector.broadcast %jit3A_631 : i32 to vector<16xi32>
    %select_n3A_633 = arith.select %lt3A_623, %gather3A_630, %broadcast_in_dim3A_632 : vector<16xi1>, vector<16xi32>
    %max3A_634 = arith.maxsi %max3A_617, %select_n3A_633 : vector<16xi32>
    %add3A_635 = arith.constant 32 : i32
    %add3A_636 = vector.broadcast %add3A_635 : i32 to vector<16xi32>
    %add3A_637 = arith.addi %add3A_636, %iota3A : vector<16xi32>
    %lt3A_638 = arith.constant 54 : i32
    %lt3A_639 = vector.broadcast %lt3A_638 : i32 to vector<16xi32>
    %lt3A_640 = arith.cmpi slt, %add3A_637, %lt3A_639 : vector<16xi32>
    %add3A_641 = arith.constant 2 : i32
    %add3A_642 = vector.broadcast %add3A_641 : i32 to vector<16xi32>
    %add3A_643 = arith.addi %mul3A_600, %add3A_642 : vector<16xi32>
    %jit3A_644 = arith.constant 0 : i32
    %broadcast_in_dim3A_645 = vector.broadcast %jit3A_644 : i32 to vector<16xi32>
    %select_n3A_646 = arith.select %lt3A_640, %add3A_643, %broadcast_in_dim3A_645 : vector<16xi1>, vector<16xi32>
    %gather3A_647 = tpu.vector_load_idx %arg11[%select_n3A_646] : memref<864xi32, #tpu.memory_space<vmem>>[vector<16xi32>], vector<16xi32>,
    %jit3A_648 = arith.constant -2147483648 : i32
    %broadcast_in_dim3A_649 = vector.broadcast %jit3A_648 : i32 to vector<16xi32>
    %select_n3A_650 = arith.select %lt3A_640, %gather3A_647, %broadcast_in_dim3A_649 : vector<16xi1>, vector<16xi32>
    %max3A_651 = arith.maxsi %max3A_634, %select_n3A_650 : vector<16xi32>
    %add3A_652 = arith.constant 32 : i32
    %add3A_653 = vector.broadcast %add3A_652 : i32 to vector<16xi32>
    %add3A_654 = arith.addi %add3A_653, %iota3A : vector<16xi32>
    %lt3A_655 = arith.constant 54 : i32
    %lt3A_656 = vector.broadcast %lt3A_655 : i32 to vector<16xi32>
    %lt3A_657 = arith.cmpi slt, %add3A_654, %lt3A_656 : vector<16xi32>
    %add3A_658 = arith.constant 3 : i32
    %add3A_659 = vector.broadcast %add3A_658 : i32 to vector<16xi32>
    %add3A_660 = arith.addi %mul3A_600, %add3A_659 : vector<16xi32>
    %jit3A_661 = arith.constant 0 : i32
    %broadcast_in_dim3A_662 = vector.broadcast %jit3A_661 : i32 to vector<16xi32>
    %select_n3A_663 = arith.select %lt3A_657, %add3A_660, %broadcast_in_dim3A_662 : vector<16xi1>, vector<16xi32>
    %gather3A_664 = tpu.vector_load_idx %arg11[%select_n3A_663] : memref<864xi32, #tpu.memory_space<vmem>>[vector<16xi32>], vector<16xi32>,
    %jit3A_665 = arith.constant -2147483648 : i32
    %broadcast_in_dim3A_666 = vector.broadcast %jit3A_665 : i32 to vector<16xi32>
    %select_n3A_667 = arith.select %lt3A_657, %gather3A_664, %broadcast_in_dim3A_666 : vector<16xi1>, vector<16xi32>
    %max3A_668 = arith.maxsi %max3A_651, %select_n3A_667 : vector<16xi32>
    %add3A_669 = arith.constant 32 : i32
    %add3A_670 = vector.broadcast %add3A_669 : i32 to vector<16xi32>
    %add3A_671 = arith.addi %add3A_670, %iota3A : vector<16xi32>
    %lt3A_672 = arith.constant 54 : i32
    %lt3A_673 = vector.broadcast %lt3A_672 : i32 to vector<16xi32>
    %lt3A_674 = arith.cmpi slt, %add3A_671, %lt3A_673 : vector<16xi32>
    %add3A_675 = arith.constant 4 : i32
    %add3A_676 = vector.broadcast %add3A_675 : i32 to vector<16xi32>
    %add3A_677 = arith.addi %mul3A_600, %add3A_676 : vector<16xi32>
    %jit3A_678 = arith.constant 0 : i32
    %broadcast_in_dim3A_679 = vector.broadcast %jit3A_678 : i32 to vector<16xi32>
    %select_n3A_680 = arith.select %lt3A_674, %add3A_677, %broadcast_in_dim3A_679 : vector<16xi1>, vector<16xi32>
    %gather3A_681 = tpu.vector_load_idx %arg11[%select_n3A_680] : memref<864xi32, #tpu.memory_space<vmem>>[vector<16xi32>], vector<16xi32>,
    %jit3A_682 = arith.constant -2147483648 : i32
    %broadcast_in_dim3A_683 = vector.broadcast %jit3A_682 : i32 to vector<16xi32>
    %select_n3A_684 = arith.select %lt3A_674, %gather3A_681, %broadcast_in_dim3A_683 : vector<16xi1>, vector<16xi32>
    %max3A_685 = arith.maxsi %max3A_668, %select_n3A_684 : vector<16xi32>
    %add3A_686 = arith.constant 32 : i32
    %add3A_687 = vector.broadcast %add3A_686 : i32 to vector<16xi32>
    %add3A_688 = arith.addi %add3A_687, %iota3A : vector<16xi32>
    %lt3A_689 = arith.constant 54 : i32
    %lt3A_690 = vector.broadcast %lt3A_689 : i32 to vector<16xi32>
    %lt3A_691 = arith.cmpi slt, %add3A_688, %lt3A_690 : vector<16xi32>
    %add3A_692 = arith.constant 5 : i32
    %add3A_693 = vector.broadcast %add3A_692 : i32 to vector<16xi32>
    %add3A_694 = arith.addi %mul3A_600, %add3A_693 : vector<16xi32>
    %jit3A_695 = arith.constant 0 : i32
    %broadcast_in_dim3A_696 = vector.broadcast %jit3A_695 : i32 to vector<16xi32>
    %select_n3A_697 = arith.select %lt3A_691, %add3A_694, %broadcast_in_dim3A_696 : vector<16xi1>, vector<16xi32>
    %gather3A_698 = tpu.vector_load_idx %arg11[%select_n3A_697] : memref<864xi32, #tpu.memory_space<vmem>>[vector<16xi32>], vector<16xi32>,
    %jit3A_699 = arith.constant -2147483648 : i32
    %broadcast_in_dim3A_700 = vector.broadcast %jit3A_699 : i32 to vector<16xi32>
    %select_n3A_701 = arith.select %lt3A_691, %gather3A_698, %broadcast_in_dim3A_700 : vector<16xi1>, vector<16xi32>
    %max3A_702 = arith.maxsi %max3A_685, %select_n3A_701 : vector<16xi32>
    %add3A_703 = arith.constant 32 : i32
    %add3A_704 = vector.broadcast %add3A_703 : i32 to vector<16xi32>
    %add3A_705 = arith.addi %add3A_704, %iota3A : vector<16xi32>
    %lt3A_706 = arith.constant 54 : i32
    %lt3A_707 = vector.broadcast %lt3A_706 : i32 to vector<16xi32>
    %lt3A_708 = arith.cmpi slt, %add3A_705, %lt3A_707 : vector<16xi32>
    %add3A_709 = arith.constant 6 : i32
    %add3A_710 = vector.broadcast %add3A_709 : i32 to vector<16xi32>
    %add3A_711 = arith.addi %mul3A_600, %add3A_710 : vector<16xi32>
    %jit3A_712 = arith.constant 0 : i32
    %broadcast_in_dim3A_713 = vector.broadcast %jit3A_712 : i32 to vector<16xi32>
    %select_n3A_714 = arith.select %lt3A_708, %add3A_711, %broadcast_in_dim3A_713 : vector<16xi1>, vector<16xi32>
    %gather3A_715 = tpu.vector_load_idx %arg11[%select_n3A_714] : memref<864xi32, #tpu.memory_space<vmem>>[vector<16xi32>], vector<16xi32>,
    %jit3A_716 = arith.constant -2147483648 : i32
    %broadcast_in_dim3A_717 = vector.broadcast %jit3A_716 : i32 to vector<16xi32>
    %select_n3A_718 = arith.select %lt3A_708, %gather3A_715, %broadcast_in_dim3A_717 : vector<16xi1>, vector<16xi32>
    %max3A_719 = arith.maxsi %max3A_702, %select_n3A_718 : vector<16xi32>
    %add3A_720 = arith.constant 32 : i32
    %add3A_721 = vector.broadcast %add3A_720 : i32 to vector<16xi32>
    %add3A_722 = arith.addi %add3A_721, %iota3A : vector<16xi32>
    %lt3A_723 = arith.constant 54 : i32
    %lt3A_724 = vector.broadcast %lt3A_723 : i32 to vector<16xi32>
    %lt3A_725 = arith.cmpi slt, %add3A_722, %lt3A_724 : vector<16xi32>
    %add3A_726 = arith.constant 7 : i32
    %add3A_727 = vector.broadcast %add3A_726 : i32 to vector<16xi32>
    %add3A_728 = arith.addi %mul3A_600, %add3A_727 : vector<16xi32>
    %jit3A_729 = arith.constant 0 : i32
    %broadcast_in_dim3A_730 = vector.broadcast %jit3A_729 : i32 to vector<16xi32>
    %select_n3A_731 = arith.select %lt3A_725, %add3A_728, %broadcast_in_dim3A_730 : vector<16xi1>, vector<16xi32>
    %gather3A_732 = tpu.vector_load_idx %arg11[%select_n3A_731] : memref<864xi32, #tpu.memory_space<vmem>>[vector<16xi32>], vector<16xi32>,
    %jit3A_733 = arith.constant -2147483648 : i32
    %broadcast_in_dim3A_734 = vector.broadcast %jit3A_733 : i32 to vector<16xi32>
    %select_n3A_735 = arith.select %lt3A_725, %gather3A_732, %broadcast_in_dim3A_734 : vector<16xi1>, vector<16xi32>
    %max3A_736 = arith.maxsi %max3A_719, %select_n3A_735 : vector<16xi32>
    %add3A_737 = arith.constant 32 : i32
    %add3A_738 = vector.broadcast %add3A_737 : i32 to vector<16xi32>
    %add3A_739 = arith.addi %add3A_738, %iota3A : vector<16xi32>
    %lt3A_740 = arith.constant 54 : i32
    %lt3A_741 = vector.broadcast %lt3A_740 : i32 to vector<16xi32>
    %lt3A_742 = arith.cmpi slt, %add3A_739, %lt3A_741 : vector<16xi32>
    %add3A_743 = arith.constant 8 : i32
    %add3A_744 = vector.broadcast %add3A_743 : i32 to vector<16xi32>
    %add3A_745 = arith.addi %mul3A_600, %add3A_744 : vector<16xi32>
    %jit3A_746 = arith.constant 0 : i32
    %broadcast_in_dim3A_747 = vector.broadcast %jit3A_746 : i32 to vector<16xi32>
    %select_n3A_748 = arith.select %lt3A_742, %add3A_745, %broadcast_in_dim3A_747 : vector<16xi1>, vector<16xi32>
    %gather3A_749 = tpu.vector_load_idx %arg11[%select_n3A_748] : memref<864xi32, #tpu.memory_space<vmem>>[vector<16xi32>], vector<16xi32>,
    %jit3A_750 = arith.constant -2147483648 : i32
    %broadcast_in_dim3A_751 = vector.broadcast %jit3A_750 : i32 to vector<16xi32>
    %select_n3A_752 = arith.select %lt3A_742, %gather3A_749, %broadcast_in_dim3A_751 : vector<16xi1>, vector<16xi32>
    %max3A_753 = arith.maxsi %max3A_736, %select_n3A_752 : vector<16xi32>
    %add3A_754 = arith.constant 32 : i32
    %add3A_755 = vector.broadcast %add3A_754 : i32 to vector<16xi32>
    %add3A_756 = arith.addi %add3A_755, %iota3A : vector<16xi32>
    %lt3A_757 = arith.constant 54 : i32
    %lt3A_758 = vector.broadcast %lt3A_757 : i32 to vector<16xi32>
    %lt3A_759 = arith.cmpi slt, %add3A_756, %lt3A_758 : vector<16xi32>
    %add3A_760 = arith.constant 9 : i32
    %add3A_761 = vector.broadcast %add3A_760 : i32 to vector<16xi32>
    %add3A_762 = arith.addi %mul3A_600, %add3A_761 : vector<16xi32>
    %jit3A_763 = arith.constant 0 : i32
    %broadcast_in_dim3A_764 = vector.broadcast %jit3A_763 : i32 to vector<16xi32>
    %select_n3A_765 = arith.select %lt3A_759, %add3A_762, %broadcast_in_dim3A_764 : vector<16xi1>, vector<16xi32>
    %gather3A_766 = tpu.vector_load_idx %arg11[%select_n3A_765] : memref<864xi32, #tpu.memory_space<vmem>>[vector<16xi32>], vector<16xi32>,
    %jit3A_767 = arith.constant -2147483648 : i32
    %broadcast_in_dim3A_768 = vector.broadcast %jit3A_767 : i32 to vector<16xi32>
    %select_n3A_769 = arith.select %lt3A_759, %gather3A_766, %broadcast_in_dim3A_768 : vector<16xi1>, vector<16xi32>
    %max3A_770 = arith.maxsi %max3A_753, %select_n3A_769 : vector<16xi32>
    %add3A_771 = arith.constant 32 : i32
    %add3A_772 = vector.broadcast %add3A_771 : i32 to vector<16xi32>
    %add3A_773 = arith.addi %add3A_772, %iota3A : vector<16xi32>
    %lt3A_774 = arith.constant 54 : i32
    %lt3A_775 = vector.broadcast %lt3A_774 : i32 to vector<16xi32>
    %lt3A_776 = arith.cmpi slt, %add3A_773, %lt3A_775 : vector<16xi32>
    %add3A_777 = arith.constant 10 : i32
    %add3A_778 = vector.broadcast %add3A_777 : i32 to vector<16xi32>
    %add3A_779 = arith.addi %mul3A_600, %add3A_778 : vector<16xi32>
    %jit3A_780 = arith.constant 0 : i32
    %broadcast_in_dim3A_781 = vector.broadcast %jit3A_780 : i32 to vector<16xi32>
    %select_n3A_782 = arith.select %lt3A_776, %add3A_779, %broadcast_in_dim3A_781 : vector<16xi1>, vector<16xi32>
    %gather3A_783 = tpu.vector_load_idx %arg11[%select_n3A_782] : memref<864xi32, #tpu.memory_space<vmem>>[vector<16xi32>], vector<16xi32>,
    %jit3A_784 = arith.constant -2147483648 : i32
    %broadcast_in_dim3A_785 = vector.broadcast %jit3A_784 : i32 to vector<16xi32>
    %select_n3A_786 = arith.select %lt3A_776, %gather3A_783, %broadcast_in_dim3A_785 : vector<16xi1>, vector<16xi32>
    %max3A_787 = arith.maxsi %max3A_770, %select_n3A_786 : vector<16xi32>
    %add3A_788 = arith.constant 32 : i32
    %add3A_789 = vector.broadcast %add3A_788 : i32 to vector<16xi32>
    %add3A_790 = arith.addi %add3A_789, %iota3A : vector<16xi32>
    %lt3A_791 = arith.constant 54 : i32
    %lt3A_792 = vector.broadcast %lt3A_791 : i32 to vector<16xi32>
    %lt3A_793 = arith.cmpi slt, %add3A_790, %lt3A_792 : vector<16xi32>
    %add3A_794 = arith.constant 11 : i32
    %add3A_795 = vector.broadcast %add3A_794 : i32 to vector<16xi32>
    %add3A_796 = arith.addi %mul3A_600, %add3A_795 : vector<16xi32>
    %jit3A_797 = arith.constant 0 : i32
    %broadcast_in_dim3A_798 = vector.broadcast %jit3A_797 : i32 to vector<16xi32>
    %select_n3A_799 = arith.select %lt3A_793, %add3A_796, %broadcast_in_dim3A_798 : vector<16xi1>, vector<16xi32>
    %gather3A_800 = tpu.vector_load_idx %arg11[%select_n3A_799] : memref<864xi32, #tpu.memory_space<vmem>>[vector<16xi32>], vector<16xi32>,
    %jit3A_801 = arith.constant -2147483648 : i32
    %broadcast_in_dim3A_802 = vector.broadcast %jit3A_801 : i32 to vector<16xi32>
    %select_n3A_803 = arith.select %lt3A_793, %gather3A_800, %broadcast_in_dim3A_802 : vector<16xi1>, vector<16xi32>
    %max3A_804 = arith.maxsi %max3A_787, %select_n3A_803 : vector<16xi32>
    %add3A_805 = arith.constant 32 : i32
    %add3A_806 = vector.broadcast %add3A_805 : i32 to vector<16xi32>
    %add3A_807 = arith.addi %add3A_806, %iota3A : vector<16xi32>
    %lt3A_808 = arith.constant 54 : i32
    %lt3A_809 = vector.broadcast %lt3A_808 : i32 to vector<16xi32>
    %lt3A_810 = arith.cmpi slt, %add3A_807, %lt3A_809 : vector<16xi32>
    %add3A_811 = arith.constant 12 : i32
    %add3A_812 = vector.broadcast %add3A_811 : i32 to vector<16xi32>
    %add3A_813 = arith.addi %mul3A_600, %add3A_812 : vector<16xi32>
    %jit3A_814 = arith.constant 0 : i32
    %broadcast_in_dim3A_815 = vector.broadcast %jit3A_814 : i32 to vector<16xi32>
    %select_n3A_816 = arith.select %lt3A_810, %add3A_813, %broadcast_in_dim3A_815 : vector<16xi1>, vector<16xi32>
    %gather3A_817 = tpu.vector_load_idx %arg11[%select_n3A_816] : memref<864xi32, #tpu.memory_space<vmem>>[vector<16xi32>], vector<16xi32>,
    %jit3A_818 = arith.constant -2147483648 : i32
    %broadcast_in_dim3A_819 = vector.broadcast %jit3A_818 : i32 to vector<16xi32>
    %select_n3A_820 = arith.select %lt3A_810, %gather3A_817, %broadcast_in_dim3A_819 : vector<16xi1>, vector<16xi32>
    %max3A_821 = arith.maxsi %max3A_804, %select_n3A_820 : vector<16xi32>
    %add3A_822 = arith.constant 32 : i32
    %add3A_823 = vector.broadcast %add3A_822 : i32 to vector<16xi32>
    %add3A_824 = arith.addi %add3A_823, %iota3A : vector<16xi32>
    %lt3A_825 = arith.constant 54 : i32
    %lt3A_826 = vector.broadcast %lt3A_825 : i32 to vector<16xi32>
    %lt3A_827 = arith.cmpi slt, %add3A_824, %lt3A_826 : vector<16xi32>
    %add3A_828 = arith.constant 13 : i32
    %add3A_829 = vector.broadcast %add3A_828 : i32 to vector<16xi32>
    %add3A_830 = arith.addi %mul3A_600, %add3A_829 : vector<16xi32>
    %jit3A_831 = arith.constant 0 : i32
    %broadcast_in_dim3A_832 = vector.broadcast %jit3A_831 : i32 to vector<16xi32>
    %select_n3A_833 = arith.select %lt3A_827, %add3A_830, %broadcast_in_dim3A_832 : vector<16xi1>, vector<16xi32>
    %gather3A_834 = tpu.vector_load_idx %arg11[%select_n3A_833] : memref<864xi32, #tpu.memory_space<vmem>>[vector<16xi32>], vector<16xi32>,
    %jit3A_835 = arith.constant -2147483648 : i32
    %broadcast_in_dim3A_836 = vector.broadcast %jit3A_835 : i32 to vector<16xi32>
    %select_n3A_837 = arith.select %lt3A_827, %gather3A_834, %broadcast_in_dim3A_836 : vector<16xi1>, vector<16xi32>
    %max3A_838 = arith.maxsi %max3A_821, %select_n3A_837 : vector<16xi32>
    %add3A_839 = arith.constant 32 : i32
    %add3A_840 = vector.broadcast %add3A_839 : i32 to vector<16xi32>
    %add3A_841 = arith.addi %add3A_840, %iota3A : vector<16xi32>
    %lt3A_842 = arith.constant 54 : i32
    %lt3A_843 = vector.broadcast %lt3A_842 : i32 to vector<16xi32>
    %lt3A_844 = arith.cmpi slt, %add3A_841, %lt3A_843 : vector<16xi32>
    %add3A_845 = arith.constant 14 : i32
    %add3A_846 = vector.broadcast %add3A_845 : i32 to vector<16xi32>
    %add3A_847 = arith.addi %mul3A_600, %add3A_846 : vector<16xi32>
    %jit3A_848 = arith.constant 0 : i32
    %broadcast_in_dim3A_849 = vector.broadcast %jit3A_848 : i32 to vector<16xi32>
    %select_n3A_850 = arith.select %lt3A_844, %add3A_847, %broadcast_in_dim3A_849 : vector<16xi1>, vector<16xi32>
    %gather3A_851 = tpu.vector_load_idx %arg11[%select_n3A_850] : memref<864xi32, #tpu.memory_space<vmem>>[vector<16xi32>], vector<16xi32>,
    %jit3A_852 = arith.constant -2147483648 : i32
    %broadcast_in_dim3A_853 = vector.broadcast %jit3A_852 : i32 to vector<16xi32>
    %select_n3A_854 = arith.select %lt3A_844, %gather3A_851, %broadcast_in_dim3A_853 : vector<16xi1>, vector<16xi32>
    %max3A_855 = arith.maxsi %max3A_838, %select_n3A_854 : vector<16xi32>
    %add3A_856 = arith.constant 32 : i32
    %add3A_857 = vector.broadcast %add3A_856 : i32 to vector<16xi32>
    %add3A_858 = arith.addi %add3A_857, %iota3A : vector<16xi32>
    %lt3A_859 = arith.constant 54 : i32
    %lt3A_860 = vector.broadcast %lt3A_859 : i32 to vector<16xi32>
    %lt3A_861 = arith.cmpi slt, %add3A_858, %lt3A_860 : vector<16xi32>
    %add3A_862 = arith.constant 15 : i32
    %add3A_863 = vector.broadcast %add3A_862 : i32 to vector<16xi32>
    %add3A_864 = arith.addi %mul3A_600, %add3A_863 : vector<16xi32>
    %jit3A_865 = arith.constant 0 : i32
    %broadcast_in_dim3A_866 = vector.broadcast %jit3A_865 : i32 to vector<16xi32>
    %select_n3A_867 = arith.select %lt3A_861, %add3A_864, %broadcast_in_dim3A_866 : vector<16xi1>, vector<16xi32>
    %gather3A_868 = tpu.vector_load_idx %arg11[%select_n3A_867] : memref<864xi32, #tpu.memory_space<vmem>>[vector<16xi32>], vector<16xi32>,
    %jit3A_869 = arith.constant -2147483648 : i32
    %broadcast_in_dim3A_870 = vector.broadcast %jit3A_869 : i32 to vector<16xi32>
    %select_n3A_871 = arith.select %lt3A_861, %gather3A_868, %broadcast_in_dim3A_870 : vector<16xi1>, vector<16xi32>
    %max3A_872 = arith.maxsi %max3A_855, %select_n3A_871 : vector<16xi32>
    %swap3A_873 = arith.constant 32 : index
    %swap3A_874 = tpu.vector_load %arg12[%swap3A_873] {strides = array<i32>} : memref<64xi32, #tpu.memory_space<vmem>>, vector<16xi32>,
    tpu.vector_store %arg12[%swap3A_873], %max3A_872 {strides = array<i32>} : memref<64xi32, #tpu.memory_space<vmem>>, vector<16xi32>,
    %add3A_875 = arith.constant 48 : i32
    %add3A_876 = vector.broadcast %add3A_875 : i32 to vector<16xi32>
    %add3A_877 = arith.addi %add3A_876, %iota3A : vector<16xi32>
    %mul3A_878 = arith.constant 16 : i32
    %mul3A_879 = vector.broadcast %mul3A_878 : i32 to vector<16xi32>
    %mul3A_880 = arith.muli %add3A_877, %mul3A_879 : vector<16xi32>
    %add3A_881 = arith.constant 48 : i32
    %add3A_882 = vector.broadcast %add3A_881 : i32 to vector<16xi32>
    %add3A_883 = arith.addi %add3A_882, %iota3A : vector<16xi32>
    %lt3A_884 = arith.constant 54 : i32
    %lt3A_885 = vector.broadcast %lt3A_884 : i32 to vector<16xi32>
    %lt3A_886 = arith.cmpi slt, %add3A_883, %lt3A_885 : vector<16xi32>
    %add3A_887 = arith.constant 0 : i32
    %add3A_888 = vector.broadcast %add3A_887 : i32 to vector<16xi32>
    %add3A_889 = arith.addi %mul3A_880, %add3A_888 : vector<16xi32>
    %jit3A_890 = arith.constant 0 : i32
    %broadcast_in_dim3A_891 = vector.broadcast %jit3A_890 : i32 to vector<16xi32>
    %select_n3A_892 = arith.select %lt3A_886, %add3A_889, %broadcast_in_dim3A_891 : vector<16xi1>, vector<16xi32>
    %gather3A_893 = tpu.vector_load_idx %arg11[%select_n3A_892] : memref<864xi32, #tpu.memory_space<vmem>>[vector<16xi32>], vector<16xi32>,
    %jit3A_894 = arith.constant -2147483648 : i32
    %broadcast_in_dim3A_895 = vector.broadcast %jit3A_894 : i32 to vector<16xi32>
    %select_n3A_896 = arith.select %lt3A_886, %gather3A_893, %broadcast_in_dim3A_895 : vector<16xi1>, vector<16xi32>
    %max3A_897 = arith.maxsi %broadcast_in_dim3A_33, %select_n3A_896 : vector<16xi32>
    %add3A_898 = arith.constant 48 : i32
    %add3A_899 = vector.broadcast %add3A_898 : i32 to vector<16xi32>
    %add3A_900 = arith.addi %add3A_899, %iota3A : vector<16xi32>
    %lt3A_901 = arith.constant 54 : i32
    %lt3A_902 = vector.broadcast %lt3A_901 : i32 to vector<16xi32>
    %lt3A_903 = arith.cmpi slt, %add3A_900, %lt3A_902 : vector<16xi32>
    %add3A_904 = arith.constant 1 : i32
    %add3A_905 = vector.broadcast %add3A_904 : i32 to vector<16xi32>
    %add3A_906 = arith.addi %mul3A_880, %add3A_905 : vector<16xi32>
    %jit3A_907 = arith.constant 0 : i32
    %broadcast_in_dim3A_908 = vector.broadcast %jit3A_907 : i32 to vector<16xi32>
    %select_n3A_909 = arith.select %lt3A_903, %add3A_906, %broadcast_in_dim3A_908 : vector<16xi1>, vector<16xi32>
    %gather3A_910 = tpu.vector_load_idx %arg11[%select_n3A_909] : memref<864xi32, #tpu.memory_space<vmem>>[vector<16xi32>], vector<16xi32>,
    %jit3A_911 = arith.constant -2147483648 : i32
    %broadcast_in_dim3A_912 = vector.broadcast %jit3A_911 : i32 to vector<16xi32>
    %select_n3A_913 = arith.select %lt3A_903, %gather3A_910, %broadcast_in_dim3A_912 : vector<16xi1>, vector<16xi32>
    %max3A_914 = arith.maxsi %max3A_897, %select_n3A_913 : vector<16xi32>
    %add3A_915 = arith.constant 48 : i32
    %add3A_916 = vector.broadcast %add3A_915 : i32 to vector<16xi32>
    %add3A_917 = arith.addi %add3A_916, %iota3A : vector<16xi32>
    %lt3A_918 = arith.constant 54 : i32
    %lt3A_919 = vector.broadcast %lt3A_918 : i32 to vector<16xi32>
    %lt3A_920 = arith.cmpi slt, %add3A_917, %lt3A_919 : vector<16xi32>
    %add3A_921 = arith.constant 2 : i32
    %add3A_922 = vector.broadcast %add3A_921 : i32 to vector<16xi32>
    %add3A_923 = arith.addi %mul3A_880, %add3A_922 : vector<16xi32>
    %jit3A_924 = arith.constant 0 : i32
    %broadcast_in_dim3A_925 = vector.broadcast %jit3A_924 : i32 to vector<16xi32>
    %select_n3A_926 = arith.select %lt3A_920, %add3A_923, %broadcast_in_dim3A_925 : vector<16xi1>, vector<16xi32>
    %gather3A_927 = tpu.vector_load_idx %arg11[%select_n3A_926] : memref<864xi32, #tpu.memory_space<vmem>>[vector<16xi32>], vector<16xi32>,
    %jit3A_928 = arith.constant -2147483648 : i32
    %broadcast_in_dim3A_929 = vector.broadcast %jit3A_928 : i32 to vector<16xi32>
    %select_n3A_930 = arith.select %lt3A_920, %gather3A_927, %broadcast_in_dim3A_929 : vector<16xi1>, vector<16xi32>
    %max3A_931 = arith.maxsi %max3A_914, %select_n3A_930 : vector<16xi32>
    %add3A_932 = arith.constant 48 : i32
    %add3A_933 = vector.broadcast %add3A_932 : i32 to vector<16xi32>
    %add3A_934 = arith.addi %add3A_933, %iota3A : vector<16xi32>
    %lt3A_935 = arith.constant 54 : i32
    %lt3A_936 = vector.broadcast %lt3A_935 : i32 to vector<16xi32>
    %lt3A_937 = arith.cmpi slt, %add3A_934, %lt3A_936 : vector<16xi32>
    %add3A_938 = arith.constant 3 : i32
    %add3A_939 = vector.broadcast %add3A_938 : i32 to vector<16xi32>
    %add3A_940 = arith.addi %mul3A_880, %add3A_939 : vector<16xi32>
    %jit3A_941 = arith.constant 0 : i32
    %broadcast_in_dim3A_942 = vector.broadcast %jit3A_941 : i32 to vector<16xi32>
    %select_n3A_943 = arith.select %lt3A_937, %add3A_940, %broadcast_in_dim3A_942 : vector<16xi1>, vector<16xi32>
    %gather3A_944 = tpu.vector_load_idx %arg11[%select_n3A_943] : memref<864xi32, #tpu.memory_space<vmem>>[vector<16xi32>], vector<16xi32>,
    %jit3A_945 = arith.constant -2147483648 : i32
    %broadcast_in_dim3A_946 = vector.broadcast %jit3A_945 : i32 to vector<16xi32>
    %select_n3A_947 = arith.select %lt3A_937, %gather3A_944, %broadcast_in_dim3A_946 : vector<16xi1>, vector<16xi32>
    %max3A_948 = arith.maxsi %max3A_931, %select_n3A_947 : vector<16xi32>
    %add3A_949 = arith.constant 48 : i32
    %add3A_950 = vector.broadcast %add3A_949 : i32 to vector<16xi32>
    %add3A_951 = arith.addi %add3A_950, %iota3A : vector<16xi32>
    %lt3A_952 = arith.constant 54 : i32
    %lt3A_953 = vector.broadcast %lt3A_952 : i32 to vector<16xi32>
    %lt3A_954 = arith.cmpi slt, %add3A_951, %lt3A_953 : vector<16xi32>
    %add3A_955 = arith.constant 4 : i32
    %add3A_956 = vector.broadcast %add3A_955 : i32 to vector<16xi32>
    %add3A_957 = arith.addi %mul3A_880, %add3A_956 : vector<16xi32>
    %jit3A_958 = arith.constant 0 : i32
    %broadcast_in_dim3A_959 = vector.broadcast %jit3A_958 : i32 to vector<16xi32>
    %select_n3A_960 = arith.select %lt3A_954, %add3A_957, %broadcast_in_dim3A_959 : vector<16xi1>, vector<16xi32>
    %gather3A_961 = tpu.vector_load_idx %arg11[%select_n3A_960] : memref<864xi32, #tpu.memory_space<vmem>>[vector<16xi32>], vector<16xi32>,
    %jit3A_962 = arith.constant -2147483648 : i32
    %broadcast_in_dim3A_963 = vector.broadcast %jit3A_962 : i32 to vector<16xi32>
    %select_n3A_964 = arith.select %lt3A_954, %gather3A_961, %broadcast_in_dim3A_963 : vector<16xi1>, vector<16xi32>
    %max3A_965 = arith.maxsi %max3A_948, %select_n3A_964 : vector<16xi32>
    %add3A_966 = arith.constant 48 : i32
    %add3A_967 = vector.broadcast %add3A_966 : i32 to vector<16xi32>
    %add3A_968 = arith.addi %add3A_967, %iota3A : vector<16xi32>
    %lt3A_969 = arith.constant 54 : i32
    %lt3A_970 = vector.broadcast %lt3A_969 : i32 to vector<16xi32>
    %lt3A_971 = arith.cmpi slt, %add3A_968, %lt3A_970 : vector<16xi32>
    %add3A_972 = arith.constant 5 : i32
    %add3A_973 = vector.broadcast %add3A_972 : i32 to vector<16xi32>
    %add3A_974 = arith.addi %mul3A_880, %add3A_973 : vector<16xi32>
    %jit3A_975 = arith.constant 0 : i32
    %broadcast_in_dim3A_976 = vector.broadcast %jit3A_975 : i32 to vector<16xi32>
    %select_n3A_977 = arith.select %lt3A_971, %add3A_974, %broadcast_in_dim3A_976 : vector<16xi1>, vector<16xi32>
    %gather3A_978 = tpu.vector_load_idx %arg11[%select_n3A_977] : memref<864xi32, #tpu.memory_space<vmem>>[vector<16xi32>], vector<16xi32>,
    %jit3A_979 = arith.constant -2147483648 : i32
    %broadcast_in_dim3A_980 = vector.broadcast %jit3A_979 : i32 to vector<16xi32>
    %select_n3A_981 = arith.select %lt3A_971, %gather3A_978, %broadcast_in_dim3A_980 : vector<16xi1>, vector<16xi32>
    %max3A_982 = arith.maxsi %max3A_965, %select_n3A_981 : vector<16xi32>
    %add3A_983 = arith.constant 48 : i32
    %add3A_984 = vector.broadcast %add3A_983 : i32 to vector<16xi32>
    %add3A_985 = arith.addi %add3A_984, %iota3A : vector<16xi32>
    %lt3A_986 = arith.constant 54 : i32
    %lt3A_987 = vector.broadcast %lt3A_986 : i32 to vector<16xi32>
    %lt3A_988 = arith.cmpi slt, %add3A_985, %lt3A_987 : vector<16xi32>
    %add3A_989 = arith.constant 6 : i32
    %add3A_990 = vector.broadcast %add3A_989 : i32 to vector<16xi32>
    %add3A_991 = arith.addi %mul3A_880, %add3A_990 : vector<16xi32>
    %jit3A_992 = arith.constant 0 : i32
    %broadcast_in_dim3A_993 = vector.broadcast %jit3A_992 : i32 to vector<16xi32>
    %select_n3A_994 = arith.select %lt3A_988, %add3A_991, %broadcast_in_dim3A_993 : vector<16xi1>, vector<16xi32>
    %gather3A_995 = tpu.vector_load_idx %arg11[%select_n3A_994] : memref<864xi32, #tpu.memory_space<vmem>>[vector<16xi32>], vector<16xi32>,
    %jit3A_996 = arith.constant -2147483648 : i32
    %broadcast_in_dim3A_997 = vector.broadcast %jit3A_996 : i32 to vector<16xi32>
    %select_n3A_998 = arith.select %lt3A_988, %gather3A_995, %broadcast_in_dim3A_997 : vector<16xi1>, vector<16xi32>
    %max3A_999 = arith.maxsi %max3A_982, %select_n3A_998 : vector<16xi32>
    %add3A_1000 = arith.constant 48 : i32
    %add3A_1001 = vector.broadcast %add3A_1000 : i32 to vector<16xi32>
    %add3A_1002 = arith.addi %add3A_1001, %iota3A : vector<16xi32>
    %lt3A_1003 = arith.constant 54 : i32
    %lt3A_1004 = vector.broadcast %lt3A_1003 : i32 to vector<16xi32>
    %lt3A_1005 = arith.cmpi slt, %add3A_1002, %lt3A_1004 : vector<16xi32>
    %add3A_1006 = arith.constant 7 : i32
    %add3A_1007 = vector.broadcast %add3A_1006 : i32 to vector<16xi32>
    %add3A_1008 = arith.addi %mul3A_880, %add3A_1007 : vector<16xi32>
    %jit3A_1009 = arith.constant 0 : i32
    %broadcast_in_dim3A_1010 = vector.broadcast %jit3A_1009 : i32 to vector<16xi32>
    %select_n3A_1011 = arith.select %lt3A_1005, %add3A_1008, %broadcast_in_dim3A_1010 : vector<16xi1>, vector<16xi32>
    %gather3A_1012 = tpu.vector_load_idx %arg11[%select_n3A_1011] : memref<864xi32, #tpu.memory_space<vmem>>[vector<16xi32>], vector<16xi32>,
    %jit3A_1013 = arith.constant -2147483648 : i32
    %broadcast_in_dim3A_1014 = vector.broadcast %jit3A_1013 : i32 to vector<16xi32>
    %select_n3A_1015 = arith.select %lt3A_1005, %gather3A_1012, %broadcast_in_dim3A_1014 : vector<16xi1>, vector<16xi32>
    %max3A_1016 = arith.maxsi %max3A_999, %select_n3A_1015 : vector<16xi32>
    %add3A_1017 = arith.constant 48 : i32
    %add3A_1018 = vector.broadcast %add3A_1017 : i32 to vector<16xi32>
    %add3A_1019 = arith.addi %add3A_1018, %iota3A : vector<16xi32>
    %lt3A_1020 = arith.constant 54 : i32
    %lt3A_1021 = vector.broadcast %lt3A_1020 : i32 to vector<16xi32>
    %lt3A_1022 = arith.cmpi slt, %add3A_1019, %lt3A_1021 : vector<16xi32>
    %add3A_1023 = arith.constant 8 : i32
    %add3A_1024 = vector.broadcast %add3A_1023 : i32 to vector<16xi32>
    %add3A_1025 = arith.addi %mul3A_880, %add3A_1024 : vector<16xi32>
    %jit3A_1026 = arith.constant 0 : i32
    %broadcast_in_dim3A_1027 = vector.broadcast %jit3A_1026 : i32 to vector<16xi32>
    %select_n3A_1028 = arith.select %lt3A_1022, %add3A_1025, %broadcast_in_dim3A_1027 : vector<16xi1>, vector<16xi32>
    %gather3A_1029 = tpu.vector_load_idx %arg11[%select_n3A_1028] : memref<864xi32, #tpu.memory_space<vmem>>[vector<16xi32>], vector<16xi32>,
    %jit3A_1030 = arith.constant -2147483648 : i32
    %broadcast_in_dim3A_1031 = vector.broadcast %jit3A_1030 : i32 to vector<16xi32>
    %select_n3A_1032 = arith.select %lt3A_1022, %gather3A_1029, %broadcast_in_dim3A_1031 : vector<16xi1>, vector<16xi32>
    %max3A_1033 = arith.maxsi %max3A_1016, %select_n3A_1032 : vector<16xi32>
    %add3A_1034 = arith.constant 48 : i32
    %add3A_1035 = vector.broadcast %add3A_1034 : i32 to vector<16xi32>
    %add3A_1036 = arith.addi %add3A_1035, %iota3A : vector<16xi32>
    %lt3A_1037 = arith.constant 54 : i32
    %lt3A_1038 = vector.broadcast %lt3A_1037 : i32 to vector<16xi32>
    %lt3A_1039 = arith.cmpi slt, %add3A_1036, %lt3A_1038 : vector<16xi32>
    %add3A_1040 = arith.constant 9 : i32
    %add3A_1041 = vector.broadcast %add3A_1040 : i32 to vector<16xi32>
    %add3A_1042 = arith.addi %mul3A_880, %add3A_1041 : vector<16xi32>
    %jit3A_1043 = arith.constant 0 : i32
    %broadcast_in_dim3A_1044 = vector.broadcast %jit3A_1043 : i32 to vector<16xi32>
    %select_n3A_1045 = arith.select %lt3A_1039, %add3A_1042, %broadcast_in_dim3A_1044 : vector<16xi1>, vector<16xi32>
    %gather3A_1046 = tpu.vector_load_idx %arg11[%select_n3A_1045] : memref<864xi32, #tpu.memory_space<vmem>>[vector<16xi32>], vector<16xi32>,
    %jit3A_1047 = arith.constant -2147483648 : i32
    %broadcast_in_dim3A_1048 = vector.broadcast %jit3A_1047 : i32 to vector<16xi32>
    %select_n3A_1049 = arith.select %lt3A_1039, %gather3A_1046, %broadcast_in_dim3A_1048 : vector<16xi1>, vector<16xi32>
    %max3A_1050 = arith.maxsi %max3A_1033, %select_n3A_1049 : vector<16xi32>
    %add3A_1051 = arith.constant 48 : i32
    %add3A_1052 = vector.broadcast %add3A_1051 : i32 to vector<16xi32>
    %add3A_1053 = arith.addi %add3A_1052, %iota3A : vector<16xi32>
    %lt3A_1054 = arith.constant 54 : i32
    %lt3A_1055 = vector.broadcast %lt3A_1054 : i32 to vector<16xi32>
    %lt3A_1056 = arith.cmpi slt, %add3A_1053, %lt3A_1055 : vector<16xi32>
    %add3A_1057 = arith.constant 10 : i32
    %add3A_1058 = vector.broadcast %add3A_1057 : i32 to vector<16xi32>
    %add3A_1059 = arith.addi %mul3A_880, %add3A_1058 : vector<16xi32>
    %jit3A_1060 = arith.constant 0 : i32
    %broadcast_in_dim3A_1061 = vector.broadcast %jit3A_1060 : i32 to vector<16xi32>
    %select_n3A_1062 = arith.select %lt3A_1056, %add3A_1059, %broadcast_in_dim3A_1061 : vector<16xi1>, vector<16xi32>
    %gather3A_1063 = tpu.vector_load_idx %arg11[%select_n3A_1062] : memref<864xi32, #tpu.memory_space<vmem>>[vector<16xi32>], vector<16xi32>,
    %jit3A_1064 = arith.constant -2147483648 : i32
    %broadcast_in_dim3A_1065 = vector.broadcast %jit3A_1064 : i32 to vector<16xi32>
    %select_n3A_1066 = arith.select %lt3A_1056, %gather3A_1063, %broadcast_in_dim3A_1065 : vector<16xi1>, vector<16xi32>
    %max3A_1067 = arith.maxsi %max3A_1050, %select_n3A_1066 : vector<16xi32>
    %add3A_1068 = arith.constant 48 : i32
    %add3A_1069 = vector.broadcast %add3A_1068 : i32 to vector<16xi32>
    %add3A_1070 = arith.addi %add3A_1069, %iota3A : vector<16xi32>
    %lt3A_1071 = arith.constant 54 : i32
    %lt3A_1072 = vector.broadcast %lt3A_1071 : i32 to vector<16xi32>
    %lt3A_1073 = arith.cmpi slt, %add3A_1070, %lt3A_1072 : vector<16xi32>
    %add3A_1074 = arith.constant 11 : i32
    %add3A_1075 = vector.broadcast %add3A_1074 : i32 to vector<16xi32>
    %add3A_1076 = arith.addi %mul3A_880, %add3A_1075 : vector<16xi32>
    %jit3A_1077 = arith.constant 0 : i32
    %broadcast_in_dim3A_1078 = vector.broadcast %jit3A_1077 : i32 to vector<16xi32>
    %select_n3A_1079 = arith.select %lt3A_1073, %add3A_1076, %broadcast_in_dim3A_1078 : vector<16xi1>, vector<16xi32>
    %gather3A_1080 = tpu.vector_load_idx %arg11[%select_n3A_1079] : memref<864xi32, #tpu.memory_space<vmem>>[vector<16xi32>], vector<16xi32>,
    %jit3A_1081 = arith.constant -2147483648 : i32
    %broadcast_in_dim3A_1082 = vector.broadcast %jit3A_1081 : i32 to vector<16xi32>
    %select_n3A_1083 = arith.select %lt3A_1073, %gather3A_1080, %broadcast_in_dim3A_1082 : vector<16xi1>, vector<16xi32>
    %max3A_1084 = arith.maxsi %max3A_1067, %select_n3A_1083 : vector<16xi32>
    %add3A_1085 = arith.constant 48 : i32
    %add3A_1086 = vector.broadcast %add3A_1085 : i32 to vector<16xi32>
    %add3A_1087 = arith.addi %add3A_1086, %iota3A : vector<16xi32>
    %lt3A_1088 = arith.constant 54 : i32
    %lt3A_1089 = vector.broadcast %lt3A_1088 : i32 to vector<16xi32>
    %lt3A_1090 = arith.cmpi slt, %add3A_1087, %lt3A_1089 : vector<16xi32>
    %add3A_1091 = arith.constant 12 : i32
    %add3A_1092 = vector.broadcast %add3A_1091 : i32 to vector<16xi32>
    %add3A_1093 = arith.addi %mul3A_880, %add3A_1092 : vector<16xi32>
    %jit3A_1094 = arith.constant 0 : i32
    %broadcast_in_dim3A_1095 = vector.broadcast %jit3A_1094 : i32 to vector<16xi32>
    %select_n3A_1096 = arith.select %lt3A_1090, %add3A_1093, %broadcast_in_dim3A_1095 : vector<16xi1>, vector<16xi32>
    %gather3A_1097 = tpu.vector_load_idx %arg11[%select_n3A_1096] : memref<864xi32, #tpu.memory_space<vmem>>[vector<16xi32>], vector<16xi32>,
    %jit3A_1098 = arith.constant -2147483648 : i32
    %broadcast_in_dim3A_1099 = vector.broadcast %jit3A_1098 : i32 to vector<16xi32>
    %select_n3A_1100 = arith.select %lt3A_1090, %gather3A_1097, %broadcast_in_dim3A_1099 : vector<16xi1>, vector<16xi32>
    %max3A_1101 = arith.maxsi %max3A_1084, %select_n3A_1100 : vector<16xi32>
    %add3A_1102 = arith.constant 48 : i32
    %add3A_1103 = vector.broadcast %add3A_1102 : i32 to vector<16xi32>
    %add3A_1104 = arith.addi %add3A_1103, %iota3A : vector<16xi32>
    %lt3A_1105 = arith.constant 54 : i32
    %lt3A_1106 = vector.broadcast %lt3A_1105 : i32 to vector<16xi32>
    %lt3A_1107 = arith.cmpi slt, %add3A_1104, %lt3A_1106 : vector<16xi32>
    %add3A_1108 = arith.constant 13 : i32
    %add3A_1109 = vector.broadcast %add3A_1108 : i32 to vector<16xi32>
    %add3A_1110 = arith.addi %mul3A_880, %add3A_1109 : vector<16xi32>
    %jit3A_1111 = arith.constant 0 : i32
    %broadcast_in_dim3A_1112 = vector.broadcast %jit3A_1111 : i32 to vector<16xi32>
    %select_n3A_1113 = arith.select %lt3A_1107, %add3A_1110, %broadcast_in_dim3A_1112 : vector<16xi1>, vector<16xi32>
    %gather3A_1114 = tpu.vector_load_idx %arg11[%select_n3A_1113] : memref<864xi32, #tpu.memory_space<vmem>>[vector<16xi32>], vector<16xi32>,
    %jit3A_1115 = arith.constant -2147483648 : i32
    %broadcast_in_dim3A_1116 = vector.broadcast %jit3A_1115 : i32 to vector<16xi32>
    %select_n3A_1117 = arith.select %lt3A_1107, %gather3A_1114, %broadcast_in_dim3A_1116 : vector<16xi1>, vector<16xi32>
    %max3A_1118 = arith.maxsi %max3A_1101, %select_n3A_1117 : vector<16xi32>
    %add3A_1119 = arith.constant 48 : i32
    %add3A_1120 = vector.broadcast %add3A_1119 : i32 to vector<16xi32>
    %add3A_1121 = arith.addi %add3A_1120, %iota3A : vector<16xi32>
    %lt3A_1122 = arith.constant 54 : i32
    %lt3A_1123 = vector.broadcast %lt3A_1122 : i32 to vector<16xi32>
    %lt3A_1124 = arith.cmpi slt, %add3A_1121, %lt3A_1123 : vector<16xi32>
    %add3A_1125 = arith.constant 14 : i32
    %add3A_1126 = vector.broadcast %add3A_1125 : i32 to vector<16xi32>
    %add3A_1127 = arith.addi %mul3A_880, %add3A_1126 : vector<16xi32>
    %jit3A_1128 = arith.constant 0 : i32
    %broadcast_in_dim3A_1129 = vector.broadcast %jit3A_1128 : i32 to vector<16xi32>
    %select_n3A_1130 = arith.select %lt3A_1124, %add3A_1127, %broadcast_in_dim3A_1129 : vector<16xi1>, vector<16xi32>
    %gather3A_1131 = tpu.vector_load_idx %arg11[%select_n3A_1130] : memref<864xi32, #tpu.memory_space<vmem>>[vector<16xi32>], vector<16xi32>,
    %jit3A_1132 = arith.constant -2147483648 : i32
    %broadcast_in_dim3A_1133 = vector.broadcast %jit3A_1132 : i32 to vector<16xi32>
    %select_n3A_1134 = arith.select %lt3A_1124, %gather3A_1131, %broadcast_in_dim3A_1133 : vector<16xi1>, vector<16xi32>
    %max3A_1135 = arith.maxsi %max3A_1118, %select_n3A_1134 : vector<16xi32>
    %add3A_1136 = arith.constant 48 : i32
    %add3A_1137 = vector.broadcast %add3A_1136 : i32 to vector<16xi32>
    %add3A_1138 = arith.addi %add3A_1137, %iota3A : vector<16xi32>
    %lt3A_1139 = arith.constant 54 : i32
    %lt3A_1140 = vector.broadcast %lt3A_1139 : i32 to vector<16xi32>
    %lt3A_1141 = arith.cmpi slt, %add3A_1138, %lt3A_1140 : vector<16xi32>
    %add3A_1142 = arith.constant 15 : i32
    %add3A_1143 = vector.broadcast %add3A_1142 : i32 to vector<16xi32>
    %add3A_1144 = arith.addi %mul3A_880, %add3A_1143 : vector<16xi32>
    %jit3A_1145 = arith.constant 0 : i32
    %broadcast_in_dim3A_1146 = vector.broadcast %jit3A_1145 : i32 to vector<16xi32>
    %select_n3A_1147 = arith.select %lt3A_1141, %add3A_1144, %broadcast_in_dim3A_1146 : vector<16xi1>, vector<16xi32>
    %gather3A_1148 = tpu.vector_load_idx %arg11[%select_n3A_1147] : memref<864xi32, #tpu.memory_space<vmem>>[vector<16xi32>], vector<16xi32>,
    %jit3A_1149 = arith.constant -2147483648 : i32
    %broadcast_in_dim3A_1150 = vector.broadcast %jit3A_1149 : i32 to vector<16xi32>
    %select_n3A_1151 = arith.select %lt3A_1141, %gather3A_1148, %broadcast_in_dim3A_1150 : vector<16xi1>, vector<16xi32>
    %max3A_1152 = arith.maxsi %max3A_1135, %select_n3A_1151 : vector<16xi32>
    %swap3A_1153 = arith.constant 48 : index
    %swap3A_1154 = tpu.vector_load %arg12[%swap3A_1153] {strides = array<i32>} : memref<64xi32, #tpu.memory_space<vmem>>, vector<16xi32>,
    tpu.vector_store %arg12[%swap3A_1153], %max3A_1152 {strides = array<i32>} : memref<64xi32, #tpu.memory_space<vmem>>, vector<16xi32>,
    %swap3A_1155 = arith.constant 0 : index
    %swap3A_1156 = tpu.vector_load %arg13[%swap3A_1155] {strides = array<i32>} : memref<64xi32, #tpu.memory_space<vmem>>, vector<16xi32>,
    tpu.vector_store %arg13[%swap3A_1155], %broadcast_in_dim3A_33 {strides = array<i32>} : memref<64xi32, #tpu.memory_space<vmem>>, vector<16xi32>,
    %broadcast_in_dim3A_1157 = arith.constant 0 : i32
    %broadcast_in_dim3A_1158 = vector.broadcast %broadcast_in_dim3A_1157 : i32 to vector<16xi32>
    %swap3A_1159 = arith.constant 0 : index
    %swap3A_1160 = tpu.vector_load %arg14[%swap3A_1159] {strides = array<i32>} : memref<64xi32, #tpu.memory_space<vmem>>, vector<16xi32>,
    tpu.vector_store %arg14[%swap3A_1159], %broadcast_in_dim3A_1158 {strides = array<i32>} : memref<64xi32, #tpu.memory_space<vmem>>, vector<16xi32>,
    %broadcast_in_dim3A_1161 = arith.constant 0 : i32
    %broadcast_in_dim3A_1162 = vector.broadcast %broadcast_in_dim3A_1161 : i32 to vector<16xi32>
    %swap3A_1163 = arith.constant 0 : index
    %swap3A_1164 = tpu.vector_load %arg15[%swap3A_1163] {strides = array<i32>} : memref<64xi32, #tpu.memory_space<vmem>>, vector<16xi32>,
    tpu.vector_store %arg15[%swap3A_1163], %broadcast_in_dim3A_1162 {strides = array<i32>} : memref<64xi32, #tpu.memory_space<vmem>>, vector<16xi32>,
    %swap3A_1165 = arith.constant 16 : index
    %swap3A_1166 = tpu.vector_load %arg13[%swap3A_1165] {strides = array<i32>} : memref<64xi32, #tpu.memory_space<vmem>>, vector<16xi32>,
    tpu.vector_store %arg13[%swap3A_1165], %broadcast_in_dim3A_33 {strides = array<i32>} : memref<64xi32, #tpu.memory_space<vmem>>, vector<16xi32>,
    %broadcast_in_dim3A_1167 = arith.constant 0 : i32
    %broadcast_in_dim3A_1168 = vector.broadcast %broadcast_in_dim3A_1167 : i32 to vector<16xi32>
    %swap3A_1169 = arith.constant 16 : index
    %swap3A_1170 = tpu.vector_load %arg14[%swap3A_1169] {strides = array<i32>} : memref<64xi32, #tpu.memory_space<vmem>>, vector<16xi32>,
    tpu.vector_store %arg14[%swap3A_1169], %broadcast_in_dim3A_1168 {strides = array<i32>} : memref<64xi32, #tpu.memory_space<vmem>>, vector<16xi32>,
    %broadcast_in_dim3A_1171 = arith.constant 0 : i32
    %broadcast_in_dim3A_1172 = vector.broadcast %broadcast_in_dim3A_1171 : i32 to vector<16xi32>
    %swap3A_1173 = arith.constant 16 : index
    %swap3A_1174 = tpu.vector_load %arg15[%swap3A_1173] {strides = array<i32>} : memref<64xi32, #tpu.memory_space<vmem>>, vector<16xi32>,
    tpu.vector_store %arg15[%swap3A_1173], %broadcast_in_dim3A_1172 {strides = array<i32>} : memref<64xi32, #tpu.memory_space<vmem>>, vector<16xi32>,
    %swap3A_1175 = arith.constant 32 : index
    %swap3A_1176 = tpu.vector_load %arg13[%swap3A_1175] {strides = array<i32>} : memref<64xi32, #tpu.memory_space<vmem>>, vector<16xi32>,
    tpu.vector_store %arg13[%swap3A_1175], %broadcast_in_dim3A_33 {strides = array<i32>} : memref<64xi32, #tpu.memory_space<vmem>>, vector<16xi32>,
    %broadcast_in_dim3A_1177 = arith.constant 0 : i32
    %broadcast_in_dim3A_1178 = vector.broadcast %broadcast_in_dim3A_1177 : i32 to vector<16xi32>
    %swap3A_1179 = arith.constant 32 : index
    %swap3A_1180 = tpu.vector_load %arg14[%swap3A_1179] {strides = array<i32>} : memref<64xi32, #tpu.memory_space<vmem>>, vector<16xi32>,
    tpu.vector_store %arg14[%swap3A_1179], %broadcast_in_dim3A_1178 {strides = array<i32>} : memref<64xi32, #tpu.memory_space<vmem>>, vector<16xi32>,
    %broadcast_in_dim3A_1181 = arith.constant 0 : i32
    %broadcast_in_dim3A_1182 = vector.broadcast %broadcast_in_dim3A_1181 : i32 to vector<16xi32>
    %swap3A_1183 = arith.constant 32 : index
    %swap3A_1184 = tpu.vector_load %arg15[%swap3A_1183] {strides = array<i32>} : memref<64xi32, #tpu.memory_space<vmem>>, vector<16xi32>,
    tpu.vector_store %arg15[%swap3A_1183], %broadcast_in_dim3A_1182 {strides = array<i32>} : memref<64xi32, #tpu.memory_space<vmem>>, vector<16xi32>,
    %swap3A_1185 = arith.constant 48 : index
    %swap3A_1186 = tpu.vector_load %arg13[%swap3A_1185] {strides = array<i32>} : memref<64xi32, #tpu.memory_space<vmem>>, vector<16xi32>,
    tpu.vector_store %arg13[%swap3A_1185], %broadcast_in_dim3A_33 {strides = array<i32>} : memref<64xi32, #tpu.memory_space<vmem>>, vector<16xi32>,
    %broadcast_in_dim3A_1187 = arith.constant 0 : i32
    %broadcast_in_dim3A_1188 = vector.broadcast %broadcast_in_dim3A_1187 : i32 to vector<16xi32>
    %swap3A_1189 = arith.constant 48 : index
    %swap3A_1190 = tpu.vector_load %arg14[%swap3A_1189] {strides = array<i32>} : memref<64xi32, #tpu.memory_space<vmem>>, vector<16xi32>,
    tpu.vector_store %arg14[%swap3A_1189], %broadcast_in_dim3A_1188 {strides = array<i32>} : memref<64xi32, #tpu.memory_space<vmem>>, vector<16xi32>,
    %broadcast_in_dim3A_1191 = arith.constant 0 : i32
    %broadcast_in_dim3A_1192 = vector.broadcast %broadcast_in_dim3A_1191 : i32 to vector<16xi32>
    %swap3A_1193 = arith.constant 48 : index
    %swap3A_1194 = tpu.vector_load %arg15[%swap3A_1193] {strides = array<i32>} : memref<64xi32, #tpu.memory_space<vmem>>, vector<16xi32>,
    tpu.vector_store %arg15[%swap3A_1193], %broadcast_in_dim3A_1192 {strides = array<i32>} : memref<64xi32, #tpu.memory_space<vmem>>, vector<16xi32>,
    %scan3A_1195 = arith.constant 0 : i32
    %scan3A_1196 = arith.constant 0 : i32
    %scan3A_1197 = arith.constant 50 : i32
    %scan3A_1198 = arith.addi %scan3A_1196, %scan3A_1197 : i32
    %scan3A_1199 = arith.constant 1 : i32
    scf.for %scan3A_1453 = %scan3A_1196 to %scan3A_1198 step %scan3A_1199  : i32 {
      %get3A_1454 = arith.constant 0 : index
      %get3A_1455 = tpu.vector_load %arg12[%get3A_1454] {strides = array<i32>} : memref<64xi32, #tpu.memory_space<vmem>>, vector<16xi32>,
      %max3A_1456 = arith.maxsi %broadcast_in_dim3A_33, %get3A_1455 : vector<16xi32>
      %get3A_1457 = arith.constant 16 : index
      %get3A_1458 = tpu.vector_load %arg12[%get3A_1457] {strides = array<i32>} : memref<64xi32, #tpu.memory_space<vmem>>, vector<16xi32>,
      %max3A_1459 = arith.maxsi %max3A_1456, %get3A_1458 : vector<16xi32>
      %get3A_1460 = arith.constant 32 : index
      %get3A_1461 = tpu.vector_load %arg12[%get3A_1460] {strides = array<i32>} : memref<64xi32, #tpu.memory_space<vmem>>, vector<16xi32>,
      %max3A_1462 = arith.maxsi %max3A_1459, %get3A_1461 : vector<16xi32>
      %get3A_1463 = arith.constant 48 : index
      %get3A_1464 = tpu.vector_load %arg12[%get3A_1463] {strides = array<i32>} : memref<64xi32, #tpu.memory_space<vmem>>, vector<16xi32>,
      %max3A_1465 = arith.maxsi %max3A_1462, %get3A_1464 : vector<16xi32>
      %reduce_max3A = arith.constant true
      %reduce_max3A_1466 = vector.broadcast %reduce_max3A : i1 to vector<16xi1>
      %reduce_max3A_1467 = arith.constant -2147483648 : i32
      %reduce_max3A_1468 = vector.broadcast %reduce_max3A_1467 : i32 to vector<16xi32>
      %reduce_max3A_1469 = arith.xori %max3A_1465, %reduce_max3A_1468 : vector<16xi32>
      %reduce_max3A_1470 = tpu.scan <max>, %reduce_max3A_1469 masked %reduce_max3A_1466 : vector<16xi32>, vector<16xi1> -> vector<16xi32>
      %reduce_max3A_1471 = arith.xori %reduce_max3A_1470, %reduce_max3A_1468 : vector<16xi32>
      %reduce_max3A_1472 = vector.extract %reduce_max3A_1471[15] : i32 from vector<16xi32>
      %broadcast_in_dim3A_1473 = arith.constant 9999 : i32
      %broadcast_in_dim3A_1474 = vector.broadcast %broadcast_in_dim3A_1473 : i32 to vector<16xi32>
      %get3A_1475 = arith.constant 0 : index
      %get3A_1476 = tpu.vector_load %arg12[%get3A_1475] {strides = array<i32>} : memref<64xi32, #tpu.memory_space<vmem>>, vector<16xi32>,
      %eq3A = vector.broadcast %reduce_max3A_1472 : i32 to vector<16xi32>
      %eq3A_1477 = arith.cmpi eq, %get3A_1476, %eq3A : vector<16xi32>
      %all_reduce_population_count3A = tpu.all_reduce %eq3A_1477 {dim = 0 : i64, kind = #tpu.reduction_kind<sum>} : vector<16xi1> -> vector<16xi32>
      %all_reduce_ffs3A = tpu.all_reduce %eq3A_1477 {dim = 0 : i64, kind = #tpu.reduction_kind<find_first_set>} : vector<16xi1> -> vector<16xi32>
      %gt3A = arith.constant 0 : i32
      %gt3A_1478 = vector.broadcast %gt3A : i32 to vector<16xi32>
      %gt3A_1479 = arith.cmpi sgt, %all_reduce_population_count3A, %gt3A_1478 : vector<16xi32>
      %add3A_1480 = arith.constant 0 : i32
      %add3A_1481 = vector.broadcast %add3A_1480 : i32 to vector<16xi32>
      %add3A_1482 = arith.addi %add3A_1481, %all_reduce_ffs3A : vector<16xi32>
      %jit3A_1483 = arith.constant 9999 : i32
      %broadcast_in_dim3A_1484 = vector.broadcast %jit3A_1483 : i32 to vector<16xi32>
      %select_n3A_1485 = arith.select %gt3A_1479, %add3A_1482, %broadcast_in_dim3A_1484 : vector<16xi1>, vector<16xi32>
      %min3A_1486 = arith.minsi %broadcast_in_dim3A_1474, %select_n3A_1485 : vector<16xi32>
      %get3A_1487 = arith.constant 16 : index
      %get3A_1488 = tpu.vector_load %arg12[%get3A_1487] {strides = array<i32>} : memref<64xi32, #tpu.memory_space<vmem>>, vector<16xi32>,
      %eq3A_1489 = vector.broadcast %reduce_max3A_1472 : i32 to vector<16xi32>
      %eq3A_1490 = arith.cmpi eq, %get3A_1488, %eq3A_1489 : vector<16xi32>
      %all_reduce_population_count3A_1491 = tpu.all_reduce %eq3A_1490 {dim = 0 : i64, kind = #tpu.reduction_kind<sum>} : vector<16xi1> -> vector<16xi32>
      %all_reduce_ffs3A_1492 = tpu.all_reduce %eq3A_1490 {dim = 0 : i64, kind = #tpu.reduction_kind<find_first_set>} : vector<16xi1> -> vector<16xi32>
      %gt3A_1493 = arith.constant 0 : i32
      %gt3A_1494 = vector.broadcast %gt3A_1493 : i32 to vector<16xi32>
      %gt3A_1495 = arith.cmpi sgt, %all_reduce_population_count3A_1491, %gt3A_1494 : vector<16xi32>
      %add3A_1496 = arith.constant 16 : i32
      %add3A_1497 = vector.broadcast %add3A_1496 : i32 to vector<16xi32>
      %add3A_1498 = arith.addi %add3A_1497, %all_reduce_ffs3A_1492 : vector<16xi32>
      %jit3A_1499 = arith.constant 9999 : i32
      %broadcast_in_dim3A_1500 = vector.broadcast %jit3A_1499 : i32 to vector<16xi32>
      %select_n3A_1501 = arith.select %gt3A_1495, %add3A_1498, %broadcast_in_dim3A_1500 : vector<16xi1>, vector<16xi32>
      %min3A_1502 = arith.minsi %min3A_1486, %select_n3A_1501 : vector<16xi32>
      %get3A_1503 = arith.constant 32 : index
      %get3A_1504 = tpu.vector_load %arg12[%get3A_1503] {strides = array<i32>} : memref<64xi32, #tpu.memory_space<vmem>>, vector<16xi32>,
      %eq3A_1505 = vector.broadcast %reduce_max3A_1472 : i32 to vector<16xi32>
      %eq3A_1506 = arith.cmpi eq, %get3A_1504, %eq3A_1505 : vector<16xi32>
      %all_reduce_population_count3A_1507 = tpu.all_reduce %eq3A_1506 {dim = 0 : i64, kind = #tpu.reduction_kind<sum>} : vector<16xi1> -> vector<16xi32>
      %all_reduce_ffs3A_1508 = tpu.all_reduce %eq3A_1506 {dim = 0 : i64, kind = #tpu.reduction_kind<find_first_set>} : vector<16xi1> -> vector<16xi32>
      %gt3A_1509 = arith.constant 0 : i32
      %gt3A_1510 = vector.broadcast %gt3A_1509 : i32 to vector<16xi32>
      %gt3A_1511 = arith.cmpi sgt, %all_reduce_population_count3A_1507, %gt3A_1510 : vector<16xi32>
      %add3A_1512 = arith.constant 32 : i32
      %add3A_1513 = vector.broadcast %add3A_1512 : i32 to vector<16xi32>
      %add3A_1514 = arith.addi %add3A_1513, %all_reduce_ffs3A_1508 : vector<16xi32>
      %jit3A_1515 = arith.constant 9999 : i32
      %broadcast_in_dim3A_1516 = vector.broadcast %jit3A_1515 : i32 to vector<16xi32>
      %select_n3A_1517 = arith.select %gt3A_1511, %add3A_1514, %broadcast_in_dim3A_1516 : vector<16xi1>, vector<16xi32>
      %min3A_1518 = arith.minsi %min3A_1502, %select_n3A_1517 : vector<16xi32>
      %get3A_1519 = arith.constant 48 : index
      %get3A_1520 = tpu.vector_load %arg12[%get3A_1519] {strides = array<i32>} : memref<64xi32, #tpu.memory_space<vmem>>, vector<16xi32>,
      %eq3A_1521 = vector.broadcast %reduce_max3A_1472 : i32 to vector<16xi32>
      %eq3A_1522 = arith.cmpi eq, %get3A_1520, %eq3A_1521 : vector<16xi32>
      %all_reduce_population_count3A_1523 = tpu.all_reduce %eq3A_1522 {dim = 0 : i64, kind = #tpu.reduction_kind<sum>} : vector<16xi1> -> vector<16xi32>
      %all_reduce_ffs3A_1524 = tpu.all_reduce %eq3A_1522 {dim = 0 : i64, kind = #tpu.reduction_kind<find_first_set>} : vector<16xi1> -> vector<16xi32>
      %gt3A_1525 = arith.constant 0 : i32
      %gt3A_1526 = vector.broadcast %gt3A_1525 : i32 to vector<16xi32>
      %gt3A_1527 = arith.cmpi sgt, %all_reduce_population_count3A_1523, %gt3A_1526 : vector<16xi32>
      %add3A_1528 = arith.constant 48 : i32
      %add3A_1529 = vector.broadcast %add3A_1528 : i32 to vector<16xi32>
      %add3A_1530 = arith.addi %add3A_1529, %all_reduce_ffs3A_1524 : vector<16xi32>
      %jit3A_1531 = arith.constant 9999 : i32
      %broadcast_in_dim3A_1532 = vector.broadcast %jit3A_1531 : i32 to vector<16xi32>
      %select_n3A_1533 = arith.select %gt3A_1527, %add3A_1530, %broadcast_in_dim3A_1532 : vector<16xi1>, vector<16xi32>
      %min3A_1534 = arith.minsi %min3A_1518, %select_n3A_1533 : vector<16xi32>
      %mul3A_1535 = arith.constant 16 : i32
      %mul3A_1536 = vector.broadcast %mul3A_1535 : i32 to vector<16xi32>
      %mul3A_1537 = arith.muli %min3A_1534, %mul3A_1536 : vector<16xi32>
      %add3A_1538 = arith.addi %mul3A_1537, %iota3A : vector<16xi32>
      %gather3A_1539 = tpu.vector_load_idx %arg11[%add3A_1538] : memref<864xi32, #tpu.memory_space<vmem>>[vector<16xi32>], vector<16xi32>,
      %eq3A_1540 = vector.broadcast %reduce_max3A_1472 : i32 to vector<16xi32>
      %eq3A_1541 = arith.cmpi eq, %gather3A_1539, %eq3A_1540 : vector<16xi32>
      %all_reduce_ffs3A_1542 = tpu.all_reduce %eq3A_1541 {dim = 0 : i64, kind = #tpu.reduction_kind<find_first_set>} : vector<16xi1> -> vector<16xi32>
      %mul3A_1543 = arith.constant 16 : i32
      %mul3A_1544 = vector.broadcast %mul3A_1543 : i32 to vector<16xi32>
      %mul3A_1545 = arith.muli %min3A_1534, %mul3A_1544 : vector<16xi32>
      %add3A_1546 = arith.addi %mul3A_1545, %all_reduce_ffs3A_1542 : vector<16xi32>
      %mul3A_1547 = arith.constant 864 : i32
      %mul3A_1548 = vector.broadcast %mul3A_1547 : i32 to vector<16xi32>
      %mul3A_1549 = arith.muli %iota3A, %mul3A_1548 : vector<16xi32>
      %add3A_1550 = arith.addi %mul3A_1549, %add3A_1546 : vector<16xi32>
      %gather3A_1551 = tpu.vector_load_idx %arg10[%add3A_1550] : memref<13824xf32, #tpu.memory_space<vmem>>[vector<16xi32>], vector<16xf32>,
      %bitcast_convert_type3A = tpu.bitcast %gather3A_1551 : vector<16xf32> -> vector<16xi32>
      %shift_right_arithmetic3A = arith.constant 31 : i32
      %shift_right_arithmetic3A_1552 = vector.broadcast %shift_right_arithmetic3A : i32 to vector<16xi32>
      %shift_right_arithmetic3A_1553 = arith.shrsi %bitcast_convert_type3A, %shift_right_arithmetic3A_1552 : vector<16xi32>
      %shift_right_logical3A_1554 = arith.constant 1 : i32
      %shift_right_logical3A_1555 = vector.broadcast %shift_right_logical3A_1554 : i32 to vector<16xi32>
      %shift_right_logical3A_1556 = arith.shrui %shift_right_arithmetic3A_1553, %shift_right_logical3A_1555 : vector<16xi32>
      %xor3A = arith.xori %bitcast_convert_type3A, %shift_right_logical3A_1556 : vector<16xi32>
      %ge3A = vector.broadcast %sub3A_34 : i32 to vector<16xi32>
      %ge3A_1557 = arith.cmpi sge, %add3A_1550, %ge3A : vector<16xi32>
      %lt3A_1558 = vector.broadcast %sub3A_35 : i32 to vector<16xi32>
      %lt3A_1559 = arith.cmpi slt, %add3A_1550, %lt3A_1558 : vector<16xi32>
      %and3A = arith.andi %ge3A_1557, %lt3A_1559 : vector<16xi1>
      %jit3A_1560 = arith.constant -2147483648 : i32
      %broadcast_in_dim3A_1561 = vector.broadcast %jit3A_1560 : i32 to vector<16xi32>
      %select_n3A_1562 = arith.select %and3A, %xor3A, %broadcast_in_dim3A_1561 : vector<16xi1>, vector<16xi32>
      %eq3A_1563 = vector.broadcast %reduce_max3A_1472 : i32 to vector<16xi32>
      %eq3A_1564 = arith.cmpi eq, %select_n3A_1562, %eq3A_1563 : vector<16xi32>
      %all_reduce_ffs3A_1565 = tpu.all_reduce %eq3A_1564 {dim = 0 : i64, kind = #tpu.reduction_kind<find_first_set>} : vector<16xi1> -> vector<16xi32>
      %mul3A_1566 = arith.constant 864 : i32
      %mul3A_1567 = vector.broadcast %mul3A_1566 : i32 to vector<16xi32>
      %mul3A_1568 = arith.muli %all_reduce_ffs3A_1565, %mul3A_1567 : vector<16xi32>
      %add3A_1569 = vector.broadcast %multiple_of3A : i32 to vector<16xi32>
      %add3A_1570 = arith.addi %add3A_1569, %mul3A_1568 : vector<16xi32>
      %add3A_1571 = arith.addi %add3A_1570, %add3A_1546 : vector<16xi32>
      %mul3A_1572 = arith.constant 27300 : i32
      %mul3A_1573 = arith.muli %shift_right_logical3A_1, %mul3A_1572 : i32
      %sub3A_1574 = vector.broadcast %mul3A_1573 : i32 to vector<16xi32>
      %sub3A_1575 = arith.subi %add3A_1571, %sub3A_1574 : vector<16xi32>
      %broadcast_in_dim3A_1576 = vector.broadcast %scan3A_1453 : i32 to vector<16xi32>
      %eq3A_1577 = arith.constant 0 : i32
      %eq3A_1578 = vector.broadcast %eq3A_1577 : i32 to vector<16xi32>
      %eq3A_1579 = arith.cmpi eq, %iota3A, %eq3A_1578 : vector<16xi32>
      %broadcast_in_dim3A_1580 = vector.broadcast %reduce_max3A_1472 : i32 to vector<16xi32>
      tpu.vector_store_idx %arg13[%broadcast_in_dim3A_1576], %broadcast_in_dim3A_1580 masked %eq3A_1579 : memref<64xi32, #tpu.memory_space<vmem>>[vector<16xi32>], vector<16xi32>, vector<16xi1>
      tpu.vector_store_idx %arg14[%broadcast_in_dim3A_1576], %sub3A_1575 masked %eq3A_1579 : memref<64xi32, #tpu.memory_space<vmem>>[vector<16xi32>], vector<16xi32>, vector<16xi1>
      %mul3A_1581 = arith.constant 11523 : i32
      %mul3A_1582 = vector.broadcast %mul3A_1581 : i32 to vector<16xi32>
      %mul3A_1583 = arith.muli %sub3A_1575, %mul3A_1582 : vector<16xi32>
      %shift_right_logical3A_1584 = arith.constant 20 : i32
      %shift_right_logical3A_1585 = vector.broadcast %shift_right_logical3A_1584 : i32 to vector<16xi32>
      %shift_right_logical3A_1586 = arith.shrui %mul3A_1583, %shift_right_logical3A_1585 : vector<16xi32>
      tpu.vector_store_idx %arg15[%broadcast_in_dim3A_1576], %shift_right_logical3A_1586 masked %eq3A_1579 : memref<64xi32, #tpu.memory_space<vmem>>[vector<16xi32>], vector<16xi32>, vector<16xi1>
      %eq3A_1587 = arith.cmpi eq, %iota3A, %all_reduce_ffs3A_1565 : vector<16xi32>
      %broadcast_in_dim3A_1588 = arith.constant -1 : i32
      %broadcast_in_dim3A_1589 = vector.broadcast %broadcast_in_dim3A_1588 : i32 to vector<16xi32>
      %bitcast_convert_type3A_1590 = tpu.bitcast %broadcast_in_dim3A_1589 : vector<16xi32> -> vector<16xf32>
      tpu.vector_store_idx %arg10[%add3A_1550], %bitcast_convert_type3A_1590 masked %eq3A_1587 : memref<13824xf32, #tpu.memory_space<vmem>>[vector<16xi32>], vector<16xf32>, vector<16xi1>
      %jit3A_1591 = arith.constant -2147483648 : i32
      %broadcast_in_dim3A_1592 = vector.broadcast %jit3A_1591 : i32 to vector<16xi32>
      %select_n3A_1593 = arith.select %eq3A_1587, %broadcast_in_dim3A_1592, %select_n3A_1562 : vector<16xi1>, vector<16xi32>
      %reduce_max3A_1594 = arith.constant true
      %reduce_max3A_1595 = vector.broadcast %reduce_max3A_1594 : i1 to vector<16xi1>
      %reduce_max3A_1596 = arith.constant -2147483648 : i32
      %reduce_max3A_1597 = vector.broadcast %reduce_max3A_1596 : i32 to vector<16xi32>
      %reduce_max3A_1598 = arith.xori %select_n3A_1593, %reduce_max3A_1597 : vector<16xi32>
      %reduce_max3A_1599 = tpu.scan <max>, %reduce_max3A_1598 masked %reduce_max3A_1595 : vector<16xi32>, vector<16xi1> -> vector<16xi32>
      %reduce_max3A_1600 = arith.xori %reduce_max3A_1599, %reduce_max3A_1597 : vector<16xi32>
      %reduce_max3A_1601 = vector.extract %reduce_max3A_1600[15] : i32 from vector<16xi32>
      %broadcast_in_dim3A_1602 = vector.broadcast %reduce_max3A_1601 : i32 to vector<16xi32>
      tpu.vector_store_idx %arg11[%add3A_1546], %broadcast_in_dim3A_1602 masked %eq3A_1579 : memref<864xi32, #tpu.memory_space<vmem>>[vector<16xi32>], vector<16xi32>, vector<16xi1>
      %eq3A_1603 = arith.cmpi eq, %iota3A, %all_reduce_ffs3A_1542 : vector<16xi32>
      %broadcast_in_dim3A_1604 = vector.broadcast %reduce_max3A_1601 : i32 to vector<16xi32>
      %select_n3A_1605 = arith.select %eq3A_1603, %broadcast_in_dim3A_1604, %gather3A_1539 : vector<16xi1>, vector<16xi32>
      %reduce_max3A_1606 = arith.constant true
      %reduce_max3A_1607 = vector.broadcast %reduce_max3A_1606 : i1 to vector<16xi1>
      %reduce_max3A_1608 = arith.constant -2147483648 : i32
      %reduce_max3A_1609 = vector.broadcast %reduce_max3A_1608 : i32 to vector<16xi32>
      %reduce_max3A_1610 = arith.xori %select_n3A_1605, %reduce_max3A_1609 : vector<16xi32>
      %reduce_max3A_1611 = tpu.scan <max>, %reduce_max3A_1610 masked %reduce_max3A_1607 : vector<16xi32>, vector<16xi1> -> vector<16xi32>
      %reduce_max3A_1612 = arith.xori %reduce_max3A_1611, %reduce_max3A_1609 : vector<16xi32>
      %reduce_max3A_1613 = vector.extract %reduce_max3A_1612[15] : i32 from vector<16xi32>
      %broadcast_in_dim3A_1614 = vector.broadcast %reduce_max3A_1613 : i32 to vector<16xi32>
      tpu.vector_store_idx %arg12[%min3A_1534], %broadcast_in_dim3A_1614 masked %eq3A_1579 : memref<64xi32, #tpu.memory_space<vmem>>[vector<16xi32>], vector<16xi32>, vector<16xi1>
    }
    %scan3A_1200 = arith.constant 50 : i32
    %dma_wait3A = tpu.memref_slice %arg3[%multiple_of3A_24] : memref<561600xf32, #tpu.memory_space<hbm>> -> memref<35104xf32, #tpu.memory_space<hbm>>
    %dma_wait3A_1201 = tpu.memref_slice %arg3[%multiple_of3A_24] : memref<561600xf32, #tpu.memory_space<hbm>> -> memref<35104xf32, #tpu.memory_space<hbm>>
    tpu.wait_dma2 semaphore(%arg21 : memref<!tpu.dma_semaphore, #tpu.memory_space<semaphore_mem>>) src(%dma_wait3A_1201 : memref<35104xf32, #tpu.memory_space<hbm>>) dst(%arg16 : memref<35104xf32, #tpu.memory_space<vmem>>)
    %dma_wait3A_1202 = tpu.memref_slice %arg4[%multiple_of3A_30] : memref<19200xf32, #tpu.memory_space<hbm>> -> memref<1200xf32, #tpu.memory_space<hbm>>
    %dma_wait3A_1203 = tpu.memref_slice %arg4[%multiple_of3A_30] : memref<19200xf32, #tpu.memory_space<hbm>> -> memref<1200xf32, #tpu.memory_space<hbm>>
    tpu.wait_dma2 semaphore(%arg22 : memref<!tpu.dma_semaphore, #tpu.memory_space<semaphore_mem>>) src(%dma_wait3A_1203 : memref<1200xf32, #tpu.memory_space<hbm>>) dst(%arg17 : memref<1200xf32, #tpu.memory_space<vmem>>)
    %get3A = arith.constant 0 : index
    %get3A_1204 = tpu.vector_load %arg15[%get3A] {strides = array<i32>} : memref<64xi32, #tpu.memory_space<vmem>>, vector<16xi32>,
    %get3A_1205 = arith.constant 16 : index
    %get3A_1206 = tpu.vector_load %arg15[%get3A_1205] {strides = array<i32>} : memref<64xi32, #tpu.memory_space<vmem>>, vector<16xi32>,
    %get3A_1207 = arith.constant 32 : index
    %get3A_1208 = tpu.vector_load %arg15[%get3A_1207] {strides = array<i32>} : memref<64xi32, #tpu.memory_space<vmem>>, vector<16xi32>,
    %get3A_1209 = arith.constant 48 : index
    %get3A_1210 = tpu.vector_load %arg15[%get3A_1209] {strides = array<i32>} : memref<64xi32, #tpu.memory_space<vmem>>, vector<16xi32>,
    %mul3A_1211 = arith.constant 117 : i32
    %mul3A_1212 = vector.broadcast %mul3A_1211 : i32 to vector<16xi32>
    %mul3A_1213 = arith.muli %get3A_1204, %mul3A_1212 : vector<16xi32>
    %add3A_1214 = vector.broadcast %sub3A : i32 to vector<16xi32>
    %add3A_1215 = arith.addi %add3A_1214, %mul3A_1213 : vector<16xi32>
    %mul3A_1216 = arith.constant 117 : i32
    %mul3A_1217 = vector.broadcast %mul3A_1216 : i32 to vector<16xi32>
    %mul3A_1218 = arith.muli %get3A_1206, %mul3A_1217 : vector<16xi32>
    %add3A_1219 = vector.broadcast %sub3A : i32 to vector<16xi32>
    %add3A_1220 = arith.addi %add3A_1219, %mul3A_1218 : vector<16xi32>
    %mul3A_1221 = arith.constant 117 : i32
    %mul3A_1222 = vector.broadcast %mul3A_1221 : i32 to vector<16xi32>
    %mul3A_1223 = arith.muli %get3A_1208, %mul3A_1222 : vector<16xi32>
    %add3A_1224 = vector.broadcast %sub3A : i32 to vector<16xi32>
    %add3A_1225 = arith.addi %add3A_1224, %mul3A_1223 : vector<16xi32>
    %mul3A_1226 = arith.constant 117 : i32
    %mul3A_1227 = vector.broadcast %mul3A_1226 : i32 to vector<16xi32>
    %mul3A_1228 = arith.muli %get3A_1210, %mul3A_1227 : vector<16xi32>
    %add3A_1229 = vector.broadcast %sub3A : i32 to vector<16xi32>
    %add3A_1230 = arith.addi %add3A_1229, %mul3A_1228 : vector<16xi32>
    %broadcast_in_dim3A_1231 = arith.constant -3.400000e+38 : f32
    %broadcast_in_dim3A_1232 = vector.broadcast %broadcast_in_dim3A_1231 : f32 to vector<16xf32>
    %broadcast_in_dim3A_1233 = arith.constant 0 : i32
    %broadcast_in_dim3A_1234 = vector.broadcast %broadcast_in_dim3A_1233 : i32 to vector<16xi32>
    %scan3A_1235 = arith.constant 0 : i32
    %scan3A_1236 = arith.constant 117 : i32
    %scan3A_1237 = arith.addi %scan3A_1235, %scan3A_1236 : i32
    %scan3A_1238 = arith.constant 1 : i32
    %scan3A_1239:8 = scf.for %scan3A_1453 = %scan3A_1235 to %scan3A_1237 step %scan3A_1238 iter_args(%scan3A_1454 = %broadcast_in_dim3A_1232, %scan3A_1455 = %broadcast_in_dim3A_1234, %scan3A_1456 = %broadcast_in_dim3A_1232, %scan3A_1457 = %broadcast_in_dim3A_1234, %scan3A_1458 = %broadcast_in_dim3A_1232, %scan3A_1459 = %broadcast_in_dim3A_1234, %scan3A_1460 = %broadcast_in_dim3A_1232, %scan3A_1461 = %broadcast_in_dim3A_1234) -> (vector<16xf32>, vector<16xi32>, vector<16xf32>, vector<16xi32>, vector<16xf32>, vector<16xi32>, vector<16xf32>, vector<16xi32>)  : i32 {
      %add3A_1462 = vector.broadcast %scan3A_1453 : i32 to vector<16xi32>
      %add3A_1463 = arith.addi %add3A_1215, %add3A_1462 : vector<16xi32>
      %gather3A_1464 = tpu.vector_load_idx %arg16[%add3A_1463] : memref<35104xf32, #tpu.memory_space<vmem>>[vector<16xi32>], vector<16xf32>,
      %gt3A = arith.cmpf ogt, %gather3A_1464, %scan3A_1454 : vector<16xf32>
      %max3A_1465 = arith.maximumf %scan3A_1454, %gather3A_1464 : vector<16xf32>
      %broadcast_in_dim3A_1466 = vector.broadcast %scan3A_1453 : i32 to vector<16xi32>
      %select_n3A_1467 = arith.select %gt3A, %broadcast_in_dim3A_1466, %scan3A_1455 : vector<16xi1>, vector<16xi32>
      %add3A_1468 = vector.broadcast %scan3A_1453 : i32 to vector<16xi32>
      %add3A_1469 = arith.addi %add3A_1220, %add3A_1468 : vector<16xi32>
      %gather3A_1470 = tpu.vector_load_idx %arg16[%add3A_1469] : memref<35104xf32, #tpu.memory_space<vmem>>[vector<16xi32>], vector<16xf32>,
      %gt3A_1471 = arith.cmpf ogt, %gather3A_1470, %scan3A_1456 : vector<16xf32>
      %max3A_1472 = arith.maximumf %scan3A_1456, %gather3A_1470 : vector<16xf32>
      %broadcast_in_dim3A_1473 = vector.broadcast %scan3A_1453 : i32 to vector<16xi32>
      %select_n3A_1474 = arith.select %gt3A_1471, %broadcast_in_dim3A_1473, %scan3A_1457 : vector<16xi1>, vector<16xi32>
      %add3A_1475 = vector.broadcast %scan3A_1453 : i32 to vector<16xi32>
      %add3A_1476 = arith.addi %add3A_1225, %add3A_1475 : vector<16xi32>
      %gather3A_1477 = tpu.vector_load_idx %arg16[%add3A_1476] : memref<35104xf32, #tpu.memory_space<vmem>>[vector<16xi32>], vector<16xf32>,
      %gt3A_1478 = arith.cmpf ogt, %gather3A_1477, %scan3A_1458 : vector<16xf32>
      %max3A_1479 = arith.maximumf %scan3A_1458, %gather3A_1477 : vector<16xf32>
      %broadcast_in_dim3A_1480 = vector.broadcast %scan3A_1453 : i32 to vector<16xi32>
      %select_n3A_1481 = arith.select %gt3A_1478, %broadcast_in_dim3A_1480, %scan3A_1459 : vector<16xi1>, vector<16xi32>
      %add3A_1482 = vector.broadcast %scan3A_1453 : i32 to vector<16xi32>
      %add3A_1483 = arith.addi %add3A_1230, %add3A_1482 : vector<16xi32>
      %gather3A_1484 = tpu.vector_load_idx %arg16[%add3A_1483] : memref<35104xf32, #tpu.memory_space<vmem>>[vector<16xi32>], vector<16xf32>,
      %gt3A_1485 = arith.cmpf ogt, %gather3A_1484, %scan3A_1460 : vector<16xf32>
      %max3A_1486 = arith.maximumf %scan3A_1460, %gather3A_1484 : vector<16xf32>
      %broadcast_in_dim3A_1487 = vector.broadcast %scan3A_1453 : i32 to vector<16xi32>
      %select_n3A_1488 = arith.select %gt3A_1485, %broadcast_in_dim3A_1487, %scan3A_1461 : vector<16xi1>, vector<16xi32>
      scf.yield %max3A_1465, %select_n3A_1467, %max3A_1472, %select_n3A_1474, %max3A_1479, %select_n3A_1481, %max3A_1486, %select_n3A_1488 : vector<16xf32>, vector<16xi32>, vector<16xf32>, vector<16xi32>, vector<16xf32>, vector<16xi32>, vector<16xf32>, vector<16xi32>
    }
    %scan3A_1240 = arith.constant 117 : i32
    %swap3A_1241 = arith.constant 0 : index
    %swap3A_1242 = tpu.vector_load %arg19[%swap3A_1241] {strides = array<i32>} : memref<64xf32, #tpu.memory_space<vmem>>, vector<16xf32>,
    tpu.vector_store %arg19[%swap3A_1241], %scan3A_1239#0 {strides = array<i32>} : memref<64xf32, #tpu.memory_space<vmem>>, vector<16xf32>,
    %swap3A_1243 = arith.constant 0 : index
    %swap3A_1244 = tpu.vector_load %arg20[%swap3A_1243] {strides = array<i32>} : memref<64xi32, #tpu.memory_space<vmem>>, vector<16xi32>,
    tpu.vector_store %arg20[%swap3A_1243], %scan3A_1239#1 {strides = array<i32>} : memref<64xi32, #tpu.memory_space<vmem>>, vector<16xi32>,
    %swap3A_1245 = arith.constant 16 : index
    %swap3A_1246 = tpu.vector_load %arg19[%swap3A_1245] {strides = array<i32>} : memref<64xf32, #tpu.memory_space<vmem>>, vector<16xf32>,
    tpu.vector_store %arg19[%swap3A_1245], %scan3A_1239#2 {strides = array<i32>} : memref<64xf32, #tpu.memory_space<vmem>>, vector<16xf32>,
    %swap3A_1247 = arith.constant 16 : index
    %swap3A_1248 = tpu.vector_load %arg20[%swap3A_1247] {strides = array<i32>} : memref<64xi32, #tpu.memory_space<vmem>>, vector<16xi32>,
    tpu.vector_store %arg20[%swap3A_1247], %scan3A_1239#3 {strides = array<i32>} : memref<64xi32, #tpu.memory_space<vmem>>, vector<16xi32>,
    %swap3A_1249 = arith.constant 32 : index
    %swap3A_1250 = tpu.vector_load %arg19[%swap3A_1249] {strides = array<i32>} : memref<64xf32, #tpu.memory_space<vmem>>, vector<16xf32>,
    tpu.vector_store %arg19[%swap3A_1249], %scan3A_1239#4 {strides = array<i32>} : memref<64xf32, #tpu.memory_space<vmem>>, vector<16xf32>,
    %swap3A_1251 = arith.constant 32 : index
    %swap3A_1252 = tpu.vector_load %arg20[%swap3A_1251] {strides = array<i32>} : memref<64xi32, #tpu.memory_space<vmem>>, vector<16xi32>,
    tpu.vector_store %arg20[%swap3A_1251], %scan3A_1239#5 {strides = array<i32>} : memref<64xi32, #tpu.memory_space<vmem>>, vector<16xi32>,
    %swap3A_1253 = arith.constant 48 : index
    %swap3A_1254 = tpu.vector_load %arg19[%swap3A_1253] {strides = array<i32>} : memref<64xf32, #tpu.memory_space<vmem>>, vector<16xf32>,
    tpu.vector_store %arg19[%swap3A_1253], %scan3A_1239#6 {strides = array<i32>} : memref<64xf32, #tpu.memory_space<vmem>>, vector<16xf32>,
    %swap3A_1255 = arith.constant 48 : index
    %swap3A_1256 = tpu.vector_load %arg20[%swap3A_1255] {strides = array<i32>} : memref<64xi32, #tpu.memory_space<vmem>>, vector<16xi32>,
    tpu.vector_store %arg20[%swap3A_1255], %scan3A_1239#7 {strides = array<i32>} : memref<64xi32, #tpu.memory_space<vmem>>, vector<16xi32>,
    %mul3A_1257 = arith.constant 4 : i32
    %mul3A_1258 = vector.broadcast %mul3A_1257 : i32 to vector<16xi32>
    %mul3A_1259 = arith.muli %get3A_1204, %mul3A_1258 : vector<16xi32>
    %gather3A_1260 = tpu.vector_load_idx %arg17[%mul3A_1259] : memref<1200xf32, #tpu.memory_space<vmem>>[vector<16xi32>], vector<16xf32>,
    %mul3A_1261 = arith.constant 4 : i32
    %mul3A_1262 = vector.broadcast %mul3A_1261 : i32 to vector<16xi32>
    %mul3A_1263 = arith.muli %get3A_1204, %mul3A_1262 : vector<16xi32>
    %add3A_1264 = arith.constant 1 : i32
    %add3A_1265 = vector.broadcast %add3A_1264 : i32 to vector<16xi32>
    %add3A_1266 = arith.addi %mul3A_1263, %add3A_1265 : vector<16xi32>
    %gather3A_1267 = tpu.vector_load_idx %arg17[%add3A_1266] : memref<1200xf32, #tpu.memory_space<vmem>>[vector<16xi32>], vector<16xf32>,
    %mul3A_1268 = arith.constant 4 : i32
    %mul3A_1269 = vector.broadcast %mul3A_1268 : i32 to vector<16xi32>
    %mul3A_1270 = arith.muli %get3A_1204, %mul3A_1269 : vector<16xi32>
    %add3A_1271 = arith.constant 2 : i32
    %add3A_1272 = vector.broadcast %add3A_1271 : i32 to vector<16xi32>
    %add3A_1273 = arith.addi %mul3A_1270, %add3A_1272 : vector<16xi32>
    %gather3A_1274 = tpu.vector_load_idx %arg17[%add3A_1273] : memref<1200xf32, #tpu.memory_space<vmem>>[vector<16xi32>], vector<16xf32>,
    %mul3A_1275 = arith.constant 4 : i32
    %mul3A_1276 = vector.broadcast %mul3A_1275 : i32 to vector<16xi32>
    %mul3A_1277 = arith.muli %get3A_1204, %mul3A_1276 : vector<16xi32>
    %add3A_1278 = arith.constant 3 : i32
    %add3A_1279 = vector.broadcast %add3A_1278 : i32 to vector<16xi32>
    %add3A_1280 = arith.addi %mul3A_1277, %add3A_1279 : vector<16xi32>
    %gather3A_1281 = tpu.vector_load_idx %arg17[%add3A_1280] : memref<1200xf32, #tpu.memory_space<vmem>>[vector<16xi32>], vector<16xf32>,
    %mul3A_1282 = arith.constant 5.000000e-01 : f32
    %mul3A_1283 = vector.broadcast %mul3A_1282 : f32 to vector<16xf32>
    %mul3A_1284 = arith.mulf %mul3A_1283, %gather3A_1274 : vector<16xf32>
    %sub3A_1285 = arith.subf %gather3A_1260, %mul3A_1284 : vector<16xf32>
    %swap3A_1286 = arith.constant 0 : index
    %swap3A_1287 = tpu.vector_load %arg18[%swap3A_1286] {strides = array<i32>} : memref<256xf32, #tpu.memory_space<vmem>>, vector<16xf32>,
    tpu.vector_store %arg18[%swap3A_1286], %sub3A_1285 {strides = array<i32>} : memref<256xf32, #tpu.memory_space<vmem>>, vector<16xf32>,
    %mul3A_1288 = arith.constant 5.000000e-01 : f32
    %mul3A_1289 = vector.broadcast %mul3A_1288 : f32 to vector<16xf32>
    %mul3A_1290 = arith.mulf %mul3A_1289, %gather3A_1281 : vector<16xf32>
    %sub3A_1291 = arith.subf %gather3A_1267, %mul3A_1290 : vector<16xf32>
    %swap3A_1292 = arith.constant 64 : index
    %swap3A_1293 = tpu.vector_load %arg18[%swap3A_1292] {strides = array<i32>} : memref<256xf32, #tpu.memory_space<vmem>>, vector<16xf32>,
    tpu.vector_store %arg18[%swap3A_1292], %sub3A_1291 {strides = array<i32>} : memref<256xf32, #tpu.memory_space<vmem>>, vector<16xf32>,
    %mul3A_1294 = arith.constant 5.000000e-01 : f32
    %mul3A_1295 = vector.broadcast %mul3A_1294 : f32 to vector<16xf32>
    %mul3A_1296 = arith.mulf %mul3A_1295, %gather3A_1274 : vector<16xf32>
    %add3A_1297 = arith.addf %gather3A_1260, %mul3A_1296 : vector<16xf32>
    %swap3A_1298 = arith.constant 128 : index
    %swap3A_1299 = tpu.vector_load %arg18[%swap3A_1298] {strides = array<i32>} : memref<256xf32, #tpu.memory_space<vmem>>, vector<16xf32>,
    tpu.vector_store %arg18[%swap3A_1298], %add3A_1297 {strides = array<i32>} : memref<256xf32, #tpu.memory_space<vmem>>, vector<16xf32>,
    %mul3A_1300 = arith.constant 5.000000e-01 : f32
    %mul3A_1301 = vector.broadcast %mul3A_1300 : f32 to vector<16xf32>
    %mul3A_1302 = arith.mulf %mul3A_1301, %gather3A_1281 : vector<16xf32>
    %add3A_1303 = arith.addf %gather3A_1267, %mul3A_1302 : vector<16xf32>
    %swap3A_1304 = arith.constant 192 : index
    %swap3A_1305 = tpu.vector_load %arg18[%swap3A_1304] {strides = array<i32>} : memref<256xf32, #tpu.memory_space<vmem>>, vector<16xf32>,
    tpu.vector_store %arg18[%swap3A_1304], %add3A_1303 {strides = array<i32>} : memref<256xf32, #tpu.memory_space<vmem>>, vector<16xf32>,
    %mul3A_1306 = arith.constant 4 : i32
    %mul3A_1307 = vector.broadcast %mul3A_1306 : i32 to vector<16xi32>
    %mul3A_1308 = arith.muli %get3A_1206, %mul3A_1307 : vector<16xi32>
    %gather3A_1309 = tpu.vector_load_idx %arg17[%mul3A_1308] : memref<1200xf32, #tpu.memory_space<vmem>>[vector<16xi32>], vector<16xf32>,
    %mul3A_1310 = arith.constant 4 : i32
    %mul3A_1311 = vector.broadcast %mul3A_1310 : i32 to vector<16xi32>
    %mul3A_1312 = arith.muli %get3A_1206, %mul3A_1311 : vector<16xi32>
    %add3A_1313 = arith.constant 1 : i32
    %add3A_1314 = vector.broadcast %add3A_1313 : i32 to vector<16xi32>
    %add3A_1315 = arith.addi %mul3A_1312, %add3A_1314 : vector<16xi32>
    %gather3A_1316 = tpu.vector_load_idx %arg17[%add3A_1315] : memref<1200xf32, #tpu.memory_space<vmem>>[vector<16xi32>], vector<16xf32>,
    %mul3A_1317 = arith.constant 4 : i32
    %mul3A_1318 = vector.broadcast %mul3A_1317 : i32 to vector<16xi32>
    %mul3A_1319 = arith.muli %get3A_1206, %mul3A_1318 : vector<16xi32>
    %add3A_1320 = arith.constant 2 : i32
    %add3A_1321 = vector.broadcast %add3A_1320 : i32 to vector<16xi32>
    %add3A_1322 = arith.addi %mul3A_1319, %add3A_1321 : vector<16xi32>
    %gather3A_1323 = tpu.vector_load_idx %arg17[%add3A_1322] : memref<1200xf32, #tpu.memory_space<vmem>>[vector<16xi32>], vector<16xf32>,
    %mul3A_1324 = arith.constant 4 : i32
    %mul3A_1325 = vector.broadcast %mul3A_1324 : i32 to vector<16xi32>
    %mul3A_1326 = arith.muli %get3A_1206, %mul3A_1325 : vector<16xi32>
    %add3A_1327 = arith.constant 3 : i32
    %add3A_1328 = vector.broadcast %add3A_1327 : i32 to vector<16xi32>
    %add3A_1329 = arith.addi %mul3A_1326, %add3A_1328 : vector<16xi32>
    %gather3A_1330 = tpu.vector_load_idx %arg17[%add3A_1329] : memref<1200xf32, #tpu.memory_space<vmem>>[vector<16xi32>], vector<16xf32>,
    %mul3A_1331 = arith.constant 5.000000e-01 : f32
    %mul3A_1332 = vector.broadcast %mul3A_1331 : f32 to vector<16xf32>
    %mul3A_1333 = arith.mulf %mul3A_1332, %gather3A_1323 : vector<16xf32>
    %sub3A_1334 = arith.subf %gather3A_1309, %mul3A_1333 : vector<16xf32>
    %swap3A_1335 = arith.constant 16 : index
    %swap3A_1336 = tpu.vector_load %arg18[%swap3A_1335] {strides = array<i32>} : memref<256xf32, #tpu.memory_space<vmem>>, vector<16xf32>,
    tpu.vector_store %arg18[%swap3A_1335], %sub3A_1334 {strides = array<i32>} : memref<256xf32, #tpu.memory_space<vmem>>, vector<16xf32>,
    %mul3A_1337 = arith.constant 5.000000e-01 : f32
    %mul3A_1338 = vector.broadcast %mul3A_1337 : f32 to vector<16xf32>
    %mul3A_1339 = arith.mulf %mul3A_1338, %gather3A_1330 : vector<16xf32>
    %sub3A_1340 = arith.subf %gather3A_1316, %mul3A_1339 : vector<16xf32>
    %swap3A_1341 = arith.constant 80 : index
    %swap3A_1342 = tpu.vector_load %arg18[%swap3A_1341] {strides = array<i32>} : memref<256xf32, #tpu.memory_space<vmem>>, vector<16xf32>,
    tpu.vector_store %arg18[%swap3A_1341], %sub3A_1340 {strides = array<i32>} : memref<256xf32, #tpu.memory_space<vmem>>, vector<16xf32>,
    %mul3A_1343 = arith.constant 5.000000e-01 : f32
    %mul3A_1344 = vector.broadcast %mul3A_1343 : f32 to vector<16xf32>
    %mul3A_1345 = arith.mulf %mul3A_1344, %gather3A_1323 : vector<16xf32>
    %add3A_1346 = arith.addf %gather3A_1309, %mul3A_1345 : vector<16xf32>
    %swap3A_1347 = arith.constant 144 : index
    %swap3A_1348 = tpu.vector_load %arg18[%swap3A_1347] {strides = array<i32>} : memref<256xf32, #tpu.memory_space<vmem>>, vector<16xf32>,
    tpu.vector_store %arg18[%swap3A_1347], %add3A_1346 {strides = array<i32>} : memref<256xf32, #tpu.memory_space<vmem>>, vector<16xf32>,
    %mul3A_1349 = arith.constant 5.000000e-01 : f32
    %mul3A_1350 = vector.broadcast %mul3A_1349 : f32 to vector<16xf32>
    %mul3A_1351 = arith.mulf %mul3A_1350, %gather3A_1330 : vector<16xf32>
    %add3A_1352 = arith.addf %gather3A_1316, %mul3A_1351 : vector<16xf32>
    %swap3A_1353 = arith.constant 208 : index
    %swap3A_1354 = tpu.vector_load %arg18[%swap3A_1353] {strides = array<i32>} : memref<256xf32, #tpu.memory_space<vmem>>, vector<16xf32>,
    tpu.vector_store %arg18[%swap3A_1353], %add3A_1352 {strides = array<i32>} : memref<256xf32, #tpu.memory_space<vmem>>, vector<16xf32>,
    %mul3A_1355 = arith.constant 4 : i32
    %mul3A_1356 = vector.broadcast %mul3A_1355 : i32 to vector<16xi32>
    %mul3A_1357 = arith.muli %get3A_1208, %mul3A_1356 : vector<16xi32>
    %gather3A_1358 = tpu.vector_load_idx %arg17[%mul3A_1357] : memref<1200xf32, #tpu.memory_space<vmem>>[vector<16xi32>], vector<16xf32>,
    %mul3A_1359 = arith.constant 4 : i32
    %mul3A_1360 = vector.broadcast %mul3A_1359 : i32 to vector<16xi32>
    %mul3A_1361 = arith.muli %get3A_1208, %mul3A_1360 : vector<16xi32>
    %add3A_1362 = arith.constant 1 : i32
    %add3A_1363 = vector.broadcast %add3A_1362 : i32 to vector<16xi32>
    %add3A_1364 = arith.addi %mul3A_1361, %add3A_1363 : vector<16xi32>
    %gather3A_1365 = tpu.vector_load_idx %arg17[%add3A_1364] : memref<1200xf32, #tpu.memory_space<vmem>>[vector<16xi32>], vector<16xf32>,
    %mul3A_1366 = arith.constant 4 : i32
    %mul3A_1367 = vector.broadcast %mul3A_1366 : i32 to vector<16xi32>
    %mul3A_1368 = arith.muli %get3A_1208, %mul3A_1367 : vector<16xi32>
    %add3A_1369 = arith.constant 2 : i32
    %add3A_1370 = vector.broadcast %add3A_1369 : i32 to vector<16xi32>
    %add3A_1371 = arith.addi %mul3A_1368, %add3A_1370 : vector<16xi32>
    %gather3A_1372 = tpu.vector_load_idx %arg17[%add3A_1371] : memref<1200xf32, #tpu.memory_space<vmem>>[vector<16xi32>], vector<16xf32>,
    %mul3A_1373 = arith.constant 4 : i32
    %mul3A_1374 = vector.broadcast %mul3A_1373 : i32 to vector<16xi32>
    %mul3A_1375 = arith.muli %get3A_1208, %mul3A_1374 : vector<16xi32>
    %add3A_1376 = arith.constant 3 : i32
    %add3A_1377 = vector.broadcast %add3A_1376 : i32 to vector<16xi32>
    %add3A_1378 = arith.addi %mul3A_1375, %add3A_1377 : vector<16xi32>
    %gather3A_1379 = tpu.vector_load_idx %arg17[%add3A_1378] : memref<1200xf32, #tpu.memory_space<vmem>>[vector<16xi32>], vector<16xf32>,
    %mul3A_1380 = arith.constant 5.000000e-01 : f32
    %mul3A_1381 = vector.broadcast %mul3A_1380 : f32 to vector<16xf32>
    %mul3A_1382 = arith.mulf %mul3A_1381, %gather3A_1372 : vector<16xf32>
    %sub3A_1383 = arith.subf %gather3A_1358, %mul3A_1382 : vector<16xf32>
    %swap3A_1384 = arith.constant 32 : index
    %swap3A_1385 = tpu.vector_load %arg18[%swap3A_1384] {strides = array<i32>} : memref<256xf32, #tpu.memory_space<vmem>>, vector<16xf32>,
    tpu.vector_store %arg18[%swap3A_1384], %sub3A_1383 {strides = array<i32>} : memref<256xf32, #tpu.memory_space<vmem>>, vector<16xf32>,
    %mul3A_1386 = arith.constant 5.000000e-01 : f32
    %mul3A_1387 = vector.broadcast %mul3A_1386 : f32 to vector<16xf32>
    %mul3A_1388 = arith.mulf %mul3A_1387, %gather3A_1379 : vector<16xf32>
    %sub3A_1389 = arith.subf %gather3A_1365, %mul3A_1388 : vector<16xf32>
    %swap3A_1390 = arith.constant 96 : index
    %swap3A_1391 = tpu.vector_load %arg18[%swap3A_1390] {strides = array<i32>} : memref<256xf32, #tpu.memory_space<vmem>>, vector<16xf32>,
    tpu.vector_store %arg18[%swap3A_1390], %sub3A_1389 {strides = array<i32>} : memref<256xf32, #tpu.memory_space<vmem>>, vector<16xf32>,
    %mul3A_1392 = arith.constant 5.000000e-01 : f32
    %mul3A_1393 = vector.broadcast %mul3A_1392 : f32 to vector<16xf32>
    %mul3A_1394 = arith.mulf %mul3A_1393, %gather3A_1372 : vector<16xf32>
    %add3A_1395 = arith.addf %gather3A_1358, %mul3A_1394 : vector<16xf32>
    %swap3A_1396 = arith.constant 160 : index
    %swap3A_1397 = tpu.vector_load %arg18[%swap3A_1396] {strides = array<i32>} : memref<256xf32, #tpu.memory_space<vmem>>, vector<16xf32>,
    tpu.vector_store %arg18[%swap3A_1396], %add3A_1395 {strides = array<i32>} : memref<256xf32, #tpu.memory_space<vmem>>, vector<16xf32>,
    %mul3A_1398 = arith.constant 5.000000e-01 : f32
    %mul3A_1399 = vector.broadcast %mul3A_1398 : f32 to vector<16xf32>
    %mul3A_1400 = arith.mulf %mul3A_1399, %gather3A_1379 : vector<16xf32>
    %add3A_1401 = arith.addf %gather3A_1365, %mul3A_1400 : vector<16xf32>
    %swap3A_1402 = arith.constant 224 : index
    %swap3A_1403 = tpu.vector_load %arg18[%swap3A_1402] {strides = array<i32>} : memref<256xf32, #tpu.memory_space<vmem>>, vector<16xf32>,
    tpu.vector_store %arg18[%swap3A_1402], %add3A_1401 {strides = array<i32>} : memref<256xf32, #tpu.memory_space<vmem>>, vector<16xf32>,
    %mul3A_1404 = arith.constant 4 : i32
    %mul3A_1405 = vector.broadcast %mul3A_1404 : i32 to vector<16xi32>
    %mul3A_1406 = arith.muli %get3A_1210, %mul3A_1405 : vector<16xi32>
    %gather3A_1407 = tpu.vector_load_idx %arg17[%mul3A_1406] : memref<1200xf32, #tpu.memory_space<vmem>>[vector<16xi32>], vector<16xf32>,
    %mul3A_1408 = arith.constant 4 : i32
    %mul3A_1409 = vector.broadcast %mul3A_1408 : i32 to vector<16xi32>
    %mul3A_1410 = arith.muli %get3A_1210, %mul3A_1409 : vector<16xi32>
    %add3A_1411 = arith.constant 1 : i32
    %add3A_1412 = vector.broadcast %add3A_1411 : i32 to vector<16xi32>
    %add3A_1413 = arith.addi %mul3A_1410, %add3A_1412 : vector<16xi32>
    %gather3A_1414 = tpu.vector_load_idx %arg17[%add3A_1413] : memref<1200xf32, #tpu.memory_space<vmem>>[vector<16xi32>], vector<16xf32>,
    %mul3A_1415 = arith.constant 4 : i32
    %mul3A_1416 = vector.broadcast %mul3A_1415 : i32 to vector<16xi32>
    %mul3A_1417 = arith.muli %get3A_1210, %mul3A_1416 : vector<16xi32>
    %add3A_1418 = arith.constant 2 : i32
    %add3A_1419 = vector.broadcast %add3A_1418 : i32 to vector<16xi32>
    %add3A_1420 = arith.addi %mul3A_1417, %add3A_1419 : vector<16xi32>
    %gather3A_1421 = tpu.vector_load_idx %arg17[%add3A_1420] : memref<1200xf32, #tpu.memory_space<vmem>>[vector<16xi32>], vector<16xf32>,
    %mul3A_1422 = arith.constant 4 : i32
    %mul3A_1423 = vector.broadcast %mul3A_1422 : i32 to vector<16xi32>
    %mul3A_1424 = arith.muli %get3A_1210, %mul3A_1423 : vector<16xi32>
    %add3A_1425 = arith.constant 3 : i32
    %add3A_1426 = vector.broadcast %add3A_1425 : i32 to vector<16xi32>
    %add3A_1427 = arith.addi %mul3A_1424, %add3A_1426 : vector<16xi32>
    %gather3A_1428 = tpu.vector_load_idx %arg17[%add3A_1427] : memref<1200xf32, #tpu.memory_space<vmem>>[vector<16xi32>], vector<16xf32>,
    %mul3A_1429 = arith.constant 5.000000e-01 : f32
    %mul3A_1430 = vector.broadcast %mul3A_1429 : f32 to vector<16xf32>
    %mul3A_1431 = arith.mulf %mul3A_1430, %gather3A_1421 : vector<16xf32>
    %sub3A_1432 = arith.subf %gather3A_1407, %mul3A_1431 : vector<16xf32>
    %swap3A_1433 = arith.constant 48 : index
    %swap3A_1434 = tpu.vector_load %arg18[%swap3A_1433] {strides = array<i32>} : memref<256xf32, #tpu.memory_space<vmem>>, vector<16xf32>,
    tpu.vector_store %arg18[%swap3A_1433], %sub3A_1432 {strides = array<i32>} : memref<256xf32, #tpu.memory_space<vmem>>, vector<16xf32>,
    %mul3A_1435 = arith.constant 5.000000e-01 : f32
    %mul3A_1436 = vector.broadcast %mul3A_1435 : f32 to vector<16xf32>
    %mul3A_1437 = arith.mulf %mul3A_1436, %gather3A_1428 : vector<16xf32>
    %sub3A_1438 = arith.subf %gather3A_1414, %mul3A_1437 : vector<16xf32>
    %swap3A_1439 = arith.constant 112 : index
    %swap3A_1440 = tpu.vector_load %arg18[%swap3A_1439] {strides = array<i32>} : memref<256xf32, #tpu.memory_space<vmem>>, vector<16xf32>,
    tpu.vector_store %arg18[%swap3A_1439], %sub3A_1438 {strides = array<i32>} : memref<256xf32, #tpu.memory_space<vmem>>, vector<16xf32>,
    %mul3A_1441 = arith.constant 5.000000e-01 : f32
    %mul3A_1442 = vector.broadcast %mul3A_1441 : f32 to vector<16xf32>
    %mul3A_1443 = arith.mulf %mul3A_1442, %gather3A_1421 : vector<16xf32>
    %add3A_1444 = arith.addf %gather3A_1407, %mul3A_1443 : vector<16xf32>
    %swap3A_1445 = arith.constant 176 : index
    %swap3A_1446 = tpu.vector_load %arg18[%swap3A_1445] {strides = array<i32>} : memref<256xf32, #tpu.memory_space<vmem>>, vector<16xf32>,
    tpu.vector_store %arg18[%swap3A_1445], %add3A_1444 {strides = array<i32>} : memref<256xf32, #tpu.memory_space<vmem>>, vector<16xf32>,
    %mul3A_1447 = arith.constant 5.000000e-01 : f32
    %mul3A_1448 = vector.broadcast %mul3A_1447 : f32 to vector<16xf32>
    %mul3A_1449 = arith.mulf %mul3A_1448, %gather3A_1428 : vector<16xf32>
    %add3A_1450 = arith.addf %gather3A_1414, %mul3A_1449 : vector<16xf32>
    %swap3A_1451 = arith.constant 240 : index
    %swap3A_1452 = tpu.vector_load %arg18[%swap3A_1451] {strides = array<i32>} : memref<256xf32, #tpu.memory_space<vmem>>, vector<16xf32>,
    tpu.vector_store %arg18[%swap3A_1451], %add3A_1450 {strides = array<i32>} : memref<256xf32, #tpu.memory_space<vmem>>, vector<16xf32>,
    "tpu.region"() ({
      %run_scoped3A = tpu.sem_alloc : memref<!tpu.dma_semaphore, #tpu.memory_space<semaphore_mem>>
      %dma_start3A_1453 = arith.constant 0 : i32
      %dma_start3A_1454 = tpu.memref_slice %arg5[%add3A, %dma_start3A_1453] : memref<32x64xi32, #tpu.memory_space<hbm>> -> memref<1x64xi32, #tpu.memory_space<hbm>>
      %dma_start3A_1455 = tpu.memref_squeeze %dma_start3A_1454 : memref<1x64xi32, #tpu.memory_space<hbm>> -> memref<64xi32, #tpu.memory_space<hbm>>
      %dma_start3A_1456 = arith.constant 0 : i32
      %dma_start3A_1457 = tpu.memref_slice %arg5[%add3A, %dma_start3A_1456] : memref<32x64xi32, #tpu.memory_space<hbm>> -> memref<1x64xi32, #tpu.memory_space<hbm>>
      %dma_start3A_1458 = tpu.memref_squeeze %dma_start3A_1457 : memref<1x64xi32, #tpu.memory_space<hbm>> -> memref<64xi32, #tpu.memory_space<hbm>>
      tpu.enqueue_dma source(%arg13 : memref<64xi32, #tpu.memory_space<vmem>>) target(%dma_start3A_1458 : memref<64xi32, #tpu.memory_space<hbm>>) target_semaphore(%run_scoped3A : memref<!tpu.dma_semaphore, #tpu.memory_space<semaphore_mem>>)
      %dma_wait3A_1459 = arith.constant 0 : i32
      %dma_wait3A_1460 = tpu.memref_slice %arg5[%add3A, %dma_wait3A_1459] : memref<32x64xi32, #tpu.memory_space<hbm>> -> memref<1x64xi32, #tpu.memory_space<hbm>>
      %dma_wait3A_1461 = tpu.memref_squeeze %dma_wait3A_1460 : memref<1x64xi32, #tpu.memory_space<hbm>> -> memref<64xi32, #tpu.memory_space<hbm>>
      %dma_wait3A_1462 = arith.constant 0 : i32
      %dma_wait3A_1463 = tpu.memref_slice %arg5[%add3A, %dma_wait3A_1462] : memref<32x64xi32, #tpu.memory_space<hbm>> -> memref<1x64xi32, #tpu.memory_space<hbm>>
      %dma_wait3A_1464 = tpu.memref_squeeze %dma_wait3A_1463 : memref<1x64xi32, #tpu.memory_space<hbm>> -> memref<64xi32, #tpu.memory_space<hbm>>
      tpu.wait_dma2 semaphore(%run_scoped3A : memref<!tpu.dma_semaphore, #tpu.memory_space<semaphore_mem>>) src(%arg13 : memref<64xi32, #tpu.memory_space<vmem>>) dst(%dma_wait3A_1464 : memref<64xi32, #tpu.memory_space<hbm>>)
      tpu.yield
    }) : () -> ()
    "tpu.region"() ({
      %run_scoped3A = tpu.sem_alloc : memref<!tpu.dma_semaphore, #tpu.memory_space<semaphore_mem>>
      %dma_start3A_1453 = arith.constant 0 : i32
      %dma_start3A_1454 = tpu.memref_slice %arg6[%add3A, %dma_start3A_1453] : memref<32x64xi32, #tpu.memory_space<hbm>> -> memref<1x64xi32, #tpu.memory_space<hbm>>
      %dma_start3A_1455 = tpu.memref_squeeze %dma_start3A_1454 : memref<1x64xi32, #tpu.memory_space<hbm>> -> memref<64xi32, #tpu.memory_space<hbm>>
      %dma_start3A_1456 = arith.constant 0 : i32
      %dma_start3A_1457 = tpu.memref_slice %arg6[%add3A, %dma_start3A_1456] : memref<32x64xi32, #tpu.memory_space<hbm>> -> memref<1x64xi32, #tpu.memory_space<hbm>>
      %dma_start3A_1458 = tpu.memref_squeeze %dma_start3A_1457 : memref<1x64xi32, #tpu.memory_space<hbm>> -> memref<64xi32, #tpu.memory_space<hbm>>
      tpu.enqueue_dma source(%arg14 : memref<64xi32, #tpu.memory_space<vmem>>) target(%dma_start3A_1458 : memref<64xi32, #tpu.memory_space<hbm>>) target_semaphore(%run_scoped3A : memref<!tpu.dma_semaphore, #tpu.memory_space<semaphore_mem>>)
      %dma_wait3A_1459 = arith.constant 0 : i32
      %dma_wait3A_1460 = tpu.memref_slice %arg6[%add3A, %dma_wait3A_1459] : memref<32x64xi32, #tpu.memory_space<hbm>> -> memref<1x64xi32, #tpu.memory_space<hbm>>
      %dma_wait3A_1461 = tpu.memref_squeeze %dma_wait3A_1460 : memref<1x64xi32, #tpu.memory_space<hbm>> -> memref<64xi32, #tpu.memory_space<hbm>>
      %dma_wait3A_1462 = arith.constant 0 : i32
      %dma_wait3A_1463 = tpu.memref_slice %arg6[%add3A, %dma_wait3A_1462] : memref<32x64xi32, #tpu.memory_space<hbm>> -> memref<1x64xi32, #tpu.memory_space<hbm>>
      %dma_wait3A_1464 = tpu.memref_squeeze %dma_wait3A_1463 : memref<1x64xi32, #tpu.memory_space<hbm>> -> memref<64xi32, #tpu.memory_space<hbm>>
      tpu.wait_dma2 semaphore(%run_scoped3A : memref<!tpu.dma_semaphore, #tpu.memory_space<semaphore_mem>>) src(%arg14 : memref<64xi32, #tpu.memory_space<vmem>>) dst(%dma_wait3A_1464 : memref<64xi32, #tpu.memory_space<hbm>>)
      tpu.yield
    }) : () -> ()
    "tpu.region"() ({
      %run_scoped3A = tpu.sem_alloc : memref<!tpu.dma_semaphore, #tpu.memory_space<semaphore_mem>>
      %dma_start3A_1453 = arith.constant 0 : i32
      %dma_start3A_1454 = tpu.memref_slice %arg7[%add3A, %dma_start3A_1453] : memref<32x256xf32, #tpu.memory_space<hbm>> -> memref<1x256xf32, #tpu.memory_space<hbm>>
      %dma_start3A_1455 = tpu.memref_squeeze %dma_start3A_1454 : memref<1x256xf32, #tpu.memory_space<hbm>> -> memref<256xf32, #tpu.memory_space<hbm>>
      %dma_start3A_1456 = arith.constant 0 : i32
      %dma_start3A_1457 = tpu.memref_slice %arg7[%add3A, %dma_start3A_1456] : memref<32x256xf32, #tpu.memory_space<hbm>> -> memref<1x256xf32, #tpu.memory_space<hbm>>
      %dma_start3A_1458 = tpu.memref_squeeze %dma_start3A_1457 : memref<1x256xf32, #tpu.memory_space<hbm>> -> memref<256xf32, #tpu.memory_space<hbm>>
      tpu.enqueue_dma source(%arg18 : memref<256xf32, #tpu.memory_space<vmem>>) target(%dma_start3A_1458 : memref<256xf32, #tpu.memory_space<hbm>>) target_semaphore(%run_scoped3A : memref<!tpu.dma_semaphore, #tpu.memory_space<semaphore_mem>>)
      %dma_wait3A_1459 = arith.constant 0 : i32
      %dma_wait3A_1460 = tpu.memref_slice %arg7[%add3A, %dma_wait3A_1459] : memref<32x256xf32, #tpu.memory_space<hbm>> -> memref<1x256xf32, #tpu.memory_space<hbm>>
      %dma_wait3A_1461 = tpu.memref_squeeze %dma_wait3A_1460 : memref<1x256xf32, #tpu.memory_space<hbm>> -> memref<256xf32, #tpu.memory_space<hbm>>
      %dma_wait3A_1462 = arith.constant 0 : i32
      %dma_wait3A_1463 = tpu.memref_slice %arg7[%add3A, %dma_wait3A_1462] : memref<32x256xf32, #tpu.memory_space<hbm>> -> memref<1x256xf32, #tpu.memory_space<hbm>>
      %dma_wait3A_1464 = tpu.memref_squeeze %dma_wait3A_1463 : memref<1x256xf32, #tpu.memory_space<hbm>> -> memref<256xf32, #tpu.memory_space<hbm>>
      tpu.wait_dma2 semaphore(%run_scoped3A : memref<!tpu.dma_semaphore, #tpu.memory_space<semaphore_mem>>) src(%arg18 : memref<256xf32, #tpu.memory_space<vmem>>) dst(%dma_wait3A_1464 : memref<256xf32, #tpu.memory_space<hbm>>)
      tpu.yield
    }) : () -> ()
    "tpu.region"() ({
      %run_scoped3A = tpu.sem_alloc : memref<!tpu.dma_semaphore, #tpu.memory_space<semaphore_mem>>
      %dma_start3A_1453 = arith.constant 0 : i32
      %dma_start3A_1454 = tpu.memref_slice %arg8[%add3A, %dma_start3A_1453] : memref<32x64xf32, #tpu.memory_space<hbm>> -> memref<1x64xf32, #tpu.memory_space<hbm>>
      %dma_start3A_1455 = tpu.memref_squeeze %dma_start3A_1454 : memref<1x64xf32, #tpu.memory_space<hbm>> -> memref<64xf32, #tpu.memory_space<hbm>>
      %dma_start3A_1456 = arith.constant 0 : i32
      %dma_start3A_1457 = tpu.memref_slice %arg8[%add3A, %dma_start3A_1456] : memref<32x64xf32, #tpu.memory_space<hbm>> -> memref<1x64xf32, #tpu.memory_space<hbm>>
      %dma_start3A_1458 = tpu.memref_squeeze %dma_start3A_1457 : memref<1x64xf32, #tpu.memory_space<hbm>> -> memref<64xf32, #tpu.memory_space<hbm>>
      tpu.enqueue_dma source(%arg19 : memref<64xf32, #tpu.memory_space<vmem>>) target(%dma_start3A_1458 : memref<64xf32, #tpu.memory_space<hbm>>) target_semaphore(%run_scoped3A : memref<!tpu.dma_semaphore, #tpu.memory_space<semaphore_mem>>)
      %dma_wait3A_1459 = arith.constant 0 : i32
      %dma_wait3A_1460 = tpu.memref_slice %arg8[%add3A, %dma_wait3A_1459] : memref<32x64xf32, #tpu.memory_space<hbm>> -> memref<1x64xf32, #tpu.memory_space<hbm>>
      %dma_wait3A_1461 = tpu.memref_squeeze %dma_wait3A_1460 : memref<1x64xf32, #tpu.memory_space<hbm>> -> memref<64xf32, #tpu.memory_space<hbm>>
      %dma_wait3A_1462 = arith.constant 0 : i32
      %dma_wait3A_1463 = tpu.memref_slice %arg8[%add3A, %dma_wait3A_1462] : memref<32x64xf32, #tpu.memory_space<hbm>> -> memref<1x64xf32, #tpu.memory_space<hbm>>
      %dma_wait3A_1464 = tpu.memref_squeeze %dma_wait3A_1463 : memref<1x64xf32, #tpu.memory_space<hbm>> -> memref<64xf32, #tpu.memory_space<hbm>>
      tpu.wait_dma2 semaphore(%run_scoped3A : memref<!tpu.dma_semaphore, #tpu.memory_space<semaphore_mem>>) src(%arg19 : memref<64xf32, #tpu.memory_space<vmem>>) dst(%dma_wait3A_1464 : memref<64xf32, #tpu.memory_space<hbm>>)
      tpu.yield
    }) : () -> ()
    "tpu.region"() ({
      %run_scoped3A = tpu.sem_alloc : memref<!tpu.dma_semaphore, #tpu.memory_space<semaphore_mem>>
      %dma_start3A_1453 = arith.constant 0 : i32
      %dma_start3A_1454 = tpu.memref_slice %arg9[%add3A, %dma_start3A_1453] : memref<32x64xi32, #tpu.memory_space<hbm>> -> memref<1x64xi32, #tpu.memory_space<hbm>>
      %dma_start3A_1455 = tpu.memref_squeeze %dma_start3A_1454 : memref<1x64xi32, #tpu.memory_space<hbm>> -> memref<64xi32, #tpu.memory_space<hbm>>
      %dma_start3A_1456 = arith.constant 0 : i32
      %dma_start3A_1457 = tpu.memref_slice %arg9[%add3A, %dma_start3A_1456] : memref<32x64xi32, #tpu.memory_space<hbm>> -> memref<1x64xi32, #tpu.memory_space<hbm>>
      %dma_start3A_1458 = tpu.memref_squeeze %dma_start3A_1457 : memref<1x64xi32, #tpu.memory_space<hbm>> -> memref<64xi32, #tpu.memory_space<hbm>>
      tpu.enqueue_dma source(%arg20 : memref<64xi32, #tpu.memory_space<vmem>>) target(%dma_start3A_1458 : memref<64xi32, #tpu.memory_space<hbm>>) target_semaphore(%run_scoped3A : memref<!tpu.dma_semaphore, #tpu.memory_space<semaphore_mem>>)
      %dma_wait3A_1459 = arith.constant 0 : i32
      %dma_wait3A_1460 = tpu.memref_slice %arg9[%add3A, %dma_wait3A_1459] : memref<32x64xi32, #tpu.memory_space<hbm>> -> memref<1x64xi32, #tpu.memory_space<hbm>>
      %dma_wait3A_1461 = tpu.memref_squeeze %dma_wait3A_1460 : memref<1x64xi32, #tpu.memory_space<hbm>> -> memref<64xi32, #tpu.memory_space<hbm>>
      %dma_wait3A_1462 = arith.constant 0 : i32
      %dma_wait3A_1463 = tpu.memref_slice %arg9[%add3A, %dma_wait3A_1462] : memref<32x64xi32, #tpu.memory_space<hbm>> -> memref<1x64xi32, #tpu.memory_space<hbm>>
      %dma_wait3A_1464 = tpu.memref_squeeze %dma_wait3A_1463 : memref<1x64xi32, #tpu.memory_space<hbm>> -> memref<64xi32, #tpu.memory_space<hbm>>
      tpu.wait_dma2 semaphore(%run_scoped3A : memref<!tpu.dma_semaphore, #tpu.memory_space<semaphore_mem>>) src(%arg20 : memref<64xi32, #tpu.memory_space<vmem>>) dst(%dma_wait3A_1464 : memref<64xi32, #tpu.memory_space<hbm>>)
      tpu.yield
    }) : () -> ()
    return
  }
}

module attributes {stable_mosaic.version = 14 : i64} {
  func.func @_tc_body(%arg0: memref<16x128xi32, #tpu.memory_space<vmem>>, %arg1: memref<16x128xi32, #tpu.memory_space<vmem>>, %arg2: memref<16x4x128xf32, #tpu.memory_space<vmem>>, %arg3: memref<16x128xf32, #tpu.memory_space<vmem>>, %arg4: memref<16x128xi32, #tpu.memory_space<vmem>>, %arg5: memref<16x10xf32, #tpu.memory_space<vmem>>, %arg6: memref<16x2xf32, #tpu.memory_space<vmem>>, %arg7: memref<16x64xf32, #tpu.memory_space<vmem>>, %arg8: memref<16x64xi32, #tpu.memory_space<vmem>>, %arg9: memref<16x64x4xf32, #tpu.memory_space<vmem>>, %arg10: memref<16x64xf32, #tpu.memory_space<vmem>>, %arg11: memref<16x64xi32, #tpu.memory_space<vmem>>, %arg12: memref<16x1xi32, #tpu.memory_space<vmem>>, %arg13: memref<16x128xi32, #tpu.memory_space<vmem>>) attributes {dimension_semantics = [], scalar_prefetch = 0 : i64, scratch_operands = 1 : i64, tpu.core_type = #tpu.core_type<tc>} {
    %get3A = arith.constant 0 : index
    %get3A_0 = arith.constant 0 : index
    %get3A_1 = vector.load %arg0[%get3A, %get3A_0] : memref<16x128xi32, #tpu.memory_space<vmem>>, vector<16x128xi32>
    %swap3A = arith.constant 0 : index
    %swap3A_2 = arith.constant 0 : index
    %swap3A_3 = vector.load %arg13[%swap3A, %swap3A_2] : memref<16x128xi32, #tpu.memory_space<vmem>>, vector<16x128xi32>
    tpu.vector_store %arg13[%swap3A, %swap3A_2], %get3A_1 {strides = array<i32>} : memref<16x128xi32, #tpu.memory_space<vmem>>, vector<16x128xi32>,
    %get3A_4 = arith.constant 0 : index
    %get3A_5 = arith.constant 0 : index
    %get3A_6 = vector.load %arg1[%get3A_4, %get3A_5] : memref<16x128xi32, #tpu.memory_space<vmem>>, vector<16x128xi32>
    %get3A_7 = arith.constant 0 : index
    %get3A_8 = arith.constant 0 : index
    %get3A_9 = arith.constant 0 : index
    %get3A_10 = vector.load %arg2[%get3A_7, %get3A_8, %get3A_9] : memref<16x4x128xf32, #tpu.memory_space<vmem>>, vector<16x4x128xf32>
    %get3A_11 = arith.constant 0 : index
    %get3A_12 = arith.constant 0 : index
    %get3A_13 = vector.load %arg3[%get3A_11, %get3A_12] : memref<16x128xf32, #tpu.memory_space<vmem>>, vector<16x128xf32>
    %get3A_14 = arith.constant 0 : index
    %get3A_15 = arith.constant 0 : index
    %get3A_16 = vector.load %arg4[%get3A_14, %get3A_15] : memref<16x128xi32, #tpu.memory_space<vmem>>, vector<16x128xi32>
    %iota3A = tpu.iota {dimensions = array<i32: 1>} : vector<16x64xi32>
    %broadcast_in_dim3A = arith.constant 0.000000e+00 : f32
    %broadcast_in_dim3A_17 = vector.broadcast %broadcast_in_dim3A : f32 to vector<16x64xf32>
    %broadcast_in_dim3A_18 = arith.constant 0 : i32
    %broadcast_in_dim3A_19 = vector.broadcast %broadcast_in_dim3A_18 : i32 to vector<16x64xi32>
    %broadcast_in_dim3A_20 = arith.constant -2147483648 : i32
    %broadcast_in_dim3A_21 = vector.broadcast %broadcast_in_dim3A_20 : i32 to vector<16x64xi32>
    %scan3A = arith.constant 0 : i32
    %scan3A_22 = arith.constant 50 : i32
    %scan3A_23 = arith.addi %scan3A, %scan3A_22 : i32
    %scan3A_24 = arith.constant 1 : i32
    %scan3A_25:8 = scf.for %scan3A_95 = %scan3A to %scan3A_23 step %scan3A_24 iter_args(%scan3A_96 = %broadcast_in_dim3A_21, %scan3A_97 = %broadcast_in_dim3A_19, %scan3A_98 = %broadcast_in_dim3A_17, %scan3A_99 = %broadcast_in_dim3A_17, %scan3A_100 = %broadcast_in_dim3A_17, %scan3A_101 = %broadcast_in_dim3A_17, %scan3A_102 = %broadcast_in_dim3A_17, %scan3A_103 = %broadcast_in_dim3A_19) -> (vector<16x64xi32>, vector<16x64xi32>, vector<16x64xf32>, vector<16x64xf32>, vector<16x64xf32>, vector<16x64xf32>, vector<16x64xf32>, vector<16x64xi32>)  : i32 {
      %get3A_104 = arith.constant 0 : index
      %get3A_105 = arith.constant 0 : index
      %get3A_106 = vector.load %arg13[%get3A_104, %get3A_105] : memref<16x128xi32, #tpu.memory_space<vmem>>, vector<16x128xi32>
      %reduce_max3A_107 = arith.constant dense<-2147483648> : vector<16xi32>
      %reduce_max3A_108 = vector.multi_reduction <maxsi>, %get3A_106, %reduce_max3A_107 [1] : vector<16x128xi32> to vector<16xi32>
      %broadcast_in_dim3A_109 = vector.shape_cast %reduce_max3A_108 : vector<16xi32> to vector<16x1xi32>
      %eq3A_110 = vector.broadcast %broadcast_in_dim3A_109 : vector<16x1xi32> to vector<16x128xi32>
      %eq3A_111 = arith.cmpi eq, %get3A_106, %eq3A_110 : vector<16x128xi32>
      %jit3A_112 = arith.constant 1073741824 : i32
      %broadcast_in_dim3A_113 = vector.broadcast %jit3A_112 : i32 to vector<16x128xi32>
      %select_n3A_114 = arith.select %eq3A_111, %get3A_6, %broadcast_in_dim3A_113 : vector<16x128xi1>, vector<16x128xi32>
      %reduce_min3A_115 = arith.constant dense<2147483647> : vector<16xi32>
      %reduce_min3A_116 = vector.multi_reduction <minsi>, %select_n3A_114, %reduce_min3A_115 [1] : vector<16x128xi32> to vector<16xi32>
      %broadcast_in_dim3A_117 = vector.shape_cast %reduce_min3A_116 : vector<16xi32> to vector<16x1xi32>
      %eq3A_118 = vector.broadcast %broadcast_in_dim3A_117 : vector<16x1xi32> to vector<16x128xi32>
      %eq3A_119 = arith.cmpi eq, %get3A_6, %eq3A_118 : vector<16x128xi32>
      %and3A = arith.andi %eq3A_111, %eq3A_119 : vector<16x128xi1>
      %jit3A_120 = arith.constant -2147483648 : i32
      %broadcast_in_dim3A_121 = vector.broadcast %jit3A_120 : i32 to vector<16x128xi32>
      %select_n3A_122 = arith.select %and3A, %broadcast_in_dim3A_121, %get3A_106 : vector<16x128xi1>, vector<16x128xi32>
      %swap3A_123 = arith.constant 0 : index
      %swap3A_124 = arith.constant 0 : index
      %swap3A_125 = vector.load %arg13[%swap3A_123, %swap3A_124] : memref<16x128xi32, #tpu.memory_space<vmem>>, vector<16x128xi32>
      tpu.vector_store %arg13[%swap3A_123, %swap3A_124], %select_n3A_122 {strides = array<i32>} : memref<16x128xi32, #tpu.memory_space<vmem>>, vector<16x128xi32>,
      %eq3A_126 = vector.broadcast %scan3A_95 : i32 to vector<16x64xi32>
      %eq3A_127 = arith.cmpi eq, %iota3A, %eq3A_126 : vector<16x64xi32>
      %broadcast_in_dim3A_128 = vector.shape_cast %broadcast_in_dim3A_109 : vector<16x1xi32> to vector<16x1xi32>
      %broadcast_in_dim3A_129 = vector.broadcast %broadcast_in_dim3A_128 : vector<16x1xi32> to vector<16x64xi32>
      %select_n3A_130 = arith.select %eq3A_127, %broadcast_in_dim3A_129, %scan3A_96 : vector<16x64xi1>, vector<16x64xi32>
      %broadcast_in_dim3A_131 = vector.shape_cast %broadcast_in_dim3A_117 : vector<16x1xi32> to vector<16x1xi32>
      %broadcast_in_dim3A_132 = vector.broadcast %broadcast_in_dim3A_131 : vector<16x1xi32> to vector<16x64xi32>
      %select_n3A_133 = arith.select %eq3A_127, %broadcast_in_dim3A_132, %scan3A_97 : vector<16x64xi1>, vector<16x64xi32>
      %slice3A_134 = vector.extract_strided_slice %get3A_10 {offsets = [0, 0, 0], sizes = [16, 1, 128], strides = [1, 1, 1]} : vector<16x4x128xf32> to vector<16x1x128xf32>
      %squeeze3A = vector.shape_cast %slice3A_134 : vector<16x1x128xf32> to vector<16x128xf32>
      %jit3A_135 = arith.constant 0 : i32
      %convert_element_type3A = arith.sitofp %jit3A_135 : i32 to f32
      %broadcast_in_dim3A_136 = vector.broadcast %convert_element_type3A : f32 to vector<16x128xf32>
      %select_n3A_137 = arith.select %and3A, %squeeze3A, %broadcast_in_dim3A_136 : vector<16x128xi1>, vector<16x128xf32>
      %reduce_sum3A = arith.constant dense<0.000000e+00> : vector<16xf32>
      %reduce_sum3A_138 = vector.multi_reduction <add>, %select_n3A_137, %reduce_sum3A [1] : vector<16x128xf32> to vector<16xf32>
      %broadcast_in_dim3A_139 = vector.shape_cast %reduce_sum3A_138 : vector<16xf32> to vector<16x1xf32>
      %broadcast_in_dim3A_140 = vector.shape_cast %broadcast_in_dim3A_139 : vector<16x1xf32> to vector<16x1xf32>
      %broadcast_in_dim3A_141 = vector.broadcast %broadcast_in_dim3A_140 : vector<16x1xf32> to vector<16x64xf32>
      %select_n3A_142 = arith.select %eq3A_127, %broadcast_in_dim3A_141, %scan3A_98 : vector<16x64xi1>, vector<16x64xf32>
      %slice3A_143 = vector.extract_strided_slice %get3A_10 {offsets = [0, 1, 0], sizes = [16, 1, 128], strides = [1, 1, 1]} : vector<16x4x128xf32> to vector<16x1x128xf32>
      %squeeze3A_144 = vector.shape_cast %slice3A_143 : vector<16x1x128xf32> to vector<16x128xf32>
      %jit3A_145 = arith.constant 0 : i32
      %convert_element_type3A_146 = arith.sitofp %jit3A_145 : i32 to f32
      %broadcast_in_dim3A_147 = vector.broadcast %convert_element_type3A_146 : f32 to vector<16x128xf32>
      %select_n3A_148 = arith.select %and3A, %squeeze3A_144, %broadcast_in_dim3A_147 : vector<16x128xi1>, vector<16x128xf32>
      %reduce_sum3A_149 = arith.constant dense<0.000000e+00> : vector<16xf32>
      %reduce_sum3A_150 = vector.multi_reduction <add>, %select_n3A_148, %reduce_sum3A_149 [1] : vector<16x128xf32> to vector<16xf32>
      %broadcast_in_dim3A_151 = vector.shape_cast %reduce_sum3A_150 : vector<16xf32> to vector<16x1xf32>
      %broadcast_in_dim3A_152 = vector.shape_cast %broadcast_in_dim3A_151 : vector<16x1xf32> to vector<16x1xf32>
      %broadcast_in_dim3A_153 = vector.broadcast %broadcast_in_dim3A_152 : vector<16x1xf32> to vector<16x64xf32>
      %select_n3A_154 = arith.select %eq3A_127, %broadcast_in_dim3A_153, %scan3A_99 : vector<16x64xi1>, vector<16x64xf32>
      %slice3A_155 = vector.extract_strided_slice %get3A_10 {offsets = [0, 2, 0], sizes = [16, 1, 128], strides = [1, 1, 1]} : vector<16x4x128xf32> to vector<16x1x128xf32>
      %squeeze3A_156 = vector.shape_cast %slice3A_155 : vector<16x1x128xf32> to vector<16x128xf32>
      %jit3A_157 = arith.constant 0 : i32
      %convert_element_type3A_158 = arith.sitofp %jit3A_157 : i32 to f32
      %broadcast_in_dim3A_159 = vector.broadcast %convert_element_type3A_158 : f32 to vector<16x128xf32>
      %select_n3A_160 = arith.select %and3A, %squeeze3A_156, %broadcast_in_dim3A_159 : vector<16x128xi1>, vector<16x128xf32>
      %reduce_sum3A_161 = arith.constant dense<0.000000e+00> : vector<16xf32>
      %reduce_sum3A_162 = vector.multi_reduction <add>, %select_n3A_160, %reduce_sum3A_161 [1] : vector<16x128xf32> to vector<16xf32>
      %broadcast_in_dim3A_163 = vector.shape_cast %reduce_sum3A_162 : vector<16xf32> to vector<16x1xf32>
      %broadcast_in_dim3A_164 = vector.shape_cast %broadcast_in_dim3A_163 : vector<16x1xf32> to vector<16x1xf32>
      %broadcast_in_dim3A_165 = vector.broadcast %broadcast_in_dim3A_164 : vector<16x1xf32> to vector<16x64xf32>
      %select_n3A_166 = arith.select %eq3A_127, %broadcast_in_dim3A_165, %scan3A_100 : vector<16x64xi1>, vector<16x64xf32>
      %slice3A_167 = vector.extract_strided_slice %get3A_10 {offsets = [0, 3, 0], sizes = [16, 1, 128], strides = [1, 1, 1]} : vector<16x4x128xf32> to vector<16x1x128xf32>
      %squeeze3A_168 = vector.shape_cast %slice3A_167 : vector<16x1x128xf32> to vector<16x128xf32>
      %jit3A_169 = arith.constant 0 : i32
      %convert_element_type3A_170 = arith.sitofp %jit3A_169 : i32 to f32
      %broadcast_in_dim3A_171 = vector.broadcast %convert_element_type3A_170 : f32 to vector<16x128xf32>
      %select_n3A_172 = arith.select %and3A, %squeeze3A_168, %broadcast_in_dim3A_171 : vector<16x128xi1>, vector<16x128xf32>
      %reduce_sum3A_173 = arith.constant dense<0.000000e+00> : vector<16xf32>
      %reduce_sum3A_174 = vector.multi_reduction <add>, %select_n3A_172, %reduce_sum3A_173 [1] : vector<16x128xf32> to vector<16xf32>
      %broadcast_in_dim3A_175 = vector.shape_cast %reduce_sum3A_174 : vector<16xf32> to vector<16x1xf32>
      %broadcast_in_dim3A_176 = vector.shape_cast %broadcast_in_dim3A_175 : vector<16x1xf32> to vector<16x1xf32>
      %broadcast_in_dim3A_177 = vector.broadcast %broadcast_in_dim3A_176 : vector<16x1xf32> to vector<16x64xf32>
      %select_n3A_178 = arith.select %eq3A_127, %broadcast_in_dim3A_177, %scan3A_101 : vector<16x64xi1>, vector<16x64xf32>
      %jit3A_179 = arith.constant 0 : i32
      %convert_element_type3A_180 = arith.sitofp %jit3A_179 : i32 to f32
      %broadcast_in_dim3A_181 = vector.broadcast %convert_element_type3A_180 : f32 to vector<16x128xf32>
      %select_n3A_182 = arith.select %and3A, %get3A_13, %broadcast_in_dim3A_181 : vector<16x128xi1>, vector<16x128xf32>
      %reduce_sum3A_183 = arith.constant dense<0.000000e+00> : vector<16xf32>
      %reduce_sum3A_184 = vector.multi_reduction <add>, %select_n3A_182, %reduce_sum3A_183 [1] : vector<16x128xf32> to vector<16xf32>
      %broadcast_in_dim3A_185 = vector.shape_cast %reduce_sum3A_184 : vector<16xf32> to vector<16x1xf32>
      %broadcast_in_dim3A_186 = vector.shape_cast %broadcast_in_dim3A_185 : vector<16x1xf32> to vector<16x1xf32>
      %broadcast_in_dim3A_187 = vector.broadcast %broadcast_in_dim3A_186 : vector<16x1xf32> to vector<16x64xf32>
      %select_n3A_188 = arith.select %eq3A_127, %broadcast_in_dim3A_187, %scan3A_102 : vector<16x64xi1>, vector<16x64xf32>
      %jit3A_189 = arith.constant 0 : i32
      %broadcast_in_dim3A_190 = vector.broadcast %jit3A_189 : i32 to vector<16x128xi32>
      %select_n3A_191 = arith.select %and3A, %get3A_16, %broadcast_in_dim3A_190 : vector<16x128xi1>, vector<16x128xi32>
      %reduce_sum3A_192 = arith.constant dense<0> : vector<16xi32>
      %reduce_sum3A_193 = vector.multi_reduction <add>, %select_n3A_191, %reduce_sum3A_192 [1] : vector<16x128xi32> to vector<16xi32>
      %broadcast_in_dim3A_194 = vector.shape_cast %reduce_sum3A_193 : vector<16xi32> to vector<16x1xi32>
      %broadcast_in_dim3A_195 = vector.shape_cast %broadcast_in_dim3A_194 : vector<16x1xi32> to vector<16x1xi32>
      %broadcast_in_dim3A_196 = vector.broadcast %broadcast_in_dim3A_195 : vector<16x1xi32> to vector<16x64xi32>
      %select_n3A_197 = arith.select %eq3A_127, %broadcast_in_dim3A_196, %scan3A_103 : vector<16x64xi1>, vector<16x64xi32>
      scf.yield %select_n3A_130, %select_n3A_133, %select_n3A_142, %select_n3A_154, %select_n3A_166, %select_n3A_178, %select_n3A_188, %select_n3A_197 : vector<16x64xi32>, vector<16x64xi32>, vector<16x64xf32>, vector<16x64xf32>, vector<16x64xf32>, vector<16x64xf32>, vector<16x64xf32>, vector<16x64xi32>
    }
    %scan3A_26 = arith.constant 50 : i32
    %shift_right_arithmetic3A = arith.constant 31 : i32
    %shift_right_arithmetic3A_27 = vector.broadcast %shift_right_arithmetic3A : i32 to vector<16x64xi32>
    %shift_right_arithmetic3A_28 = arith.shrsi %scan3A_25#0, %shift_right_arithmetic3A_27 : vector<16x64xi32>
    %shift_right_logical3A = arith.constant 1 : i32
    %shift_right_logical3A_29 = vector.broadcast %shift_right_logical3A : i32 to vector<16x64xi32>
    %shift_right_logical3A_30 = arith.shrui %shift_right_arithmetic3A_28, %shift_right_logical3A_29 : vector<16x64xi32>
    %xor3A = arith.xori %scan3A_25#0, %shift_right_logical3A_30 : vector<16x64xi32>
    %bitcast_convert_type3A = tpu.bitcast %xor3A : vector<16x64xi32> -> vector<16x64xf32>
    %logistic3A = arith.negf %bitcast_convert_type3A : vector<16x64xf32>
    %logistic3A_31 = math.exp %logistic3A : vector<16x64xf32>
    %logistic3A_32 = arith.constant 1.000000e+00 : f32
    %logistic3A_33 = vector.broadcast %logistic3A_32 : f32 to vector<16x64xf32>
    %logistic3A_34 = arith.addf %logistic3A_33, %logistic3A_31 : vector<16x64xf32>
    %logistic3A_35 = arith.divf %logistic3A_33, %logistic3A_34 : vector<16x64xf32>
    %swap3A_36 = arith.constant 0 : index
    %swap3A_37 = arith.constant 0 : index
    %swap3A_38 = vector.load %arg7[%swap3A_36, %swap3A_37] : memref<16x64xf32, #tpu.memory_space<vmem>>, vector<16x64xf32>
    tpu.vector_store %arg7[%swap3A_36, %swap3A_37], %logistic3A_35 {strides = array<i32>} : memref<16x64xf32, #tpu.memory_space<vmem>>, vector<16x64xf32>,
    %mul3A = arith.constant 11523 : i32
    %mul3A_39 = vector.broadcast %mul3A : i32 to vector<16x64xi32>
    %mul3A_40 = arith.muli %scan3A_25#1, %mul3A_39 : vector<16x64xi32>
    %shift_right_logical3A_41 = arith.constant 20 : i32
    %shift_right_logical3A_42 = vector.broadcast %shift_right_logical3A_41 : i32 to vector<16x64xi32>
    %shift_right_logical3A_43 = arith.shrui %mul3A_40, %shift_right_logical3A_42 : vector<16x64xi32>
    %mul3A_44 = arith.constant 91 : i32
    %mul3A_45 = vector.broadcast %mul3A_44 : i32 to vector<16x64xi32>
    %mul3A_46 = arith.muli %shift_right_logical3A_43, %mul3A_45 : vector<16x64xi32>
    %sub3A = arith.subi %scan3A_25#1, %mul3A_46 : vector<16x64xi32>
    %swap3A_47 = arith.constant 0 : index
    %swap3A_48 = arith.constant 0 : index
    %swap3A_49 = vector.load %arg8[%swap3A_47, %swap3A_48] : memref<16x64xi32, #tpu.memory_space<vmem>>, vector<16x64xi32>
    tpu.vector_store %arg8[%swap3A_47, %swap3A_48], %sub3A {strides = array<i32>} : memref<16x64xi32, #tpu.memory_space<vmem>>, vector<16x64xi32>,
    %get3A_50 = arith.constant 0 : index
    %get3A_51 = arith.constant 0 : index
    %get3A_52 = vector.load %arg6[%get3A_50, %get3A_51] : memref<16x2xf32, #tpu.memory_space<vmem>>, vector<16x2xf32>
    %slice3A = vector.extract_strided_slice %get3A_52 {offsets = [0, 1], sizes = [16, 1], strides = [1, 1]} : vector<16x2xf32> to vector<16x1xf32>
    %slice3A_53 = vector.extract_strided_slice %get3A_52 {offsets = [0, 0], sizes = [16, 1], strides = [1, 1]} : vector<16x2xf32> to vector<16x1xf32>
    %mul3A_54 = vector.broadcast %slice3A : vector<16x1xf32> to vector<16x64xf32>
    %mul3A_55 = arith.mulf %scan3A_25#2, %mul3A_54 : vector<16x64xf32>
    %broadcast_in_dim3A_56 = vector.shape_cast %mul3A_55 : vector<16x64xf32> to vector<16x64x1xf32>
    %mul3A_57 = vector.broadcast %slice3A_53 : vector<16x1xf32> to vector<16x64xf32>
    %mul3A_58 = arith.mulf %scan3A_25#3, %mul3A_57 : vector<16x64xf32>
    %broadcast_in_dim3A_59 = vector.shape_cast %mul3A_58 : vector<16x64xf32> to vector<16x64x1xf32>
    %mul3A_60 = vector.broadcast %slice3A : vector<16x1xf32> to vector<16x64xf32>
    %mul3A_61 = arith.mulf %scan3A_25#4, %mul3A_60 : vector<16x64xf32>
    %broadcast_in_dim3A_62 = vector.shape_cast %mul3A_61 : vector<16x64xf32> to vector<16x64x1xf32>
    %mul3A_63 = vector.broadcast %slice3A_53 : vector<16x1xf32> to vector<16x64xf32>
    %mul3A_64 = arith.mulf %scan3A_25#5, %mul3A_63 : vector<16x64xf32>
    %broadcast_in_dim3A_65 = vector.shape_cast %mul3A_64 : vector<16x64xf32> to vector<16x64x1xf32>
    %concatenate3A = tpu.concatenate %broadcast_in_dim3A_56, %broadcast_in_dim3A_59, %broadcast_in_dim3A_62, %broadcast_in_dim3A_65 in 2 : vector<16x64x1xf32>, vector<16x64x1xf32>, vector<16x64x1xf32>, vector<16x64x1xf32> -> vector<16x64x4xf32>
    %swap3A_66 = arith.constant 0 : index
    %swap3A_67 = arith.constant 0 : index
    %swap3A_68 = arith.constant 0 : index
    %swap3A_69 = vector.load %arg9[%swap3A_66, %swap3A_67, %swap3A_68] : memref<16x64x4xf32, #tpu.memory_space<vmem>>, vector<16x64x4xf32>
    tpu.vector_store %arg9[%swap3A_66, %swap3A_67, %swap3A_68], %concatenate3A {strides = array<i32>} : memref<16x64x4xf32, #tpu.memory_space<vmem>>, vector<16x64x4xf32>,
    %logistic3A_70 = arith.negf %scan3A_25#6 : vector<16x64xf32>
    %logistic3A_71 = math.exp %logistic3A_70 : vector<16x64xf32>
    %logistic3A_72 = arith.constant 1.000000e+00 : f32
    %logistic3A_73 = vector.broadcast %logistic3A_72 : f32 to vector<16x64xf32>
    %logistic3A_74 = arith.addf %logistic3A_73, %logistic3A_71 : vector<16x64xf32>
    %logistic3A_75 = arith.divf %logistic3A_73, %logistic3A_74 : vector<16x64xf32>
    %swap3A_76 = arith.constant 0 : index
    %swap3A_77 = arith.constant 0 : index
    %swap3A_78 = vector.load %arg10[%swap3A_76, %swap3A_77] : memref<16x64xf32, #tpu.memory_space<vmem>>, vector<16x64xf32>
    tpu.vector_store %arg10[%swap3A_76, %swap3A_77], %logistic3A_75 {strides = array<i32>} : memref<16x64xf32, #tpu.memory_space<vmem>>, vector<16x64xf32>,
    %swap3A_79 = arith.constant 0 : index
    %swap3A_80 = arith.constant 0 : index
    %swap3A_81 = vector.load %arg11[%swap3A_79, %swap3A_80] : memref<16x64xi32, #tpu.memory_space<vmem>>, vector<16x64xi32>
    tpu.vector_store %arg11[%swap3A_79, %swap3A_80], %scan3A_25#7 {strides = array<i32>} : memref<16x64xi32, #tpu.memory_space<vmem>>, vector<16x64xi32>,
    %get3A_82 = arith.constant 0 : index
    %get3A_83 = arith.constant 0 : index
    %get3A_84 = vector.load %arg5[%get3A_82, %get3A_83] : memref<16x10xf32, #tpu.memory_space<vmem>>, vector<16x10xf32>
    %reduce_max3A = arith.constant dense<0xFF800000> : vector<16xf32>
    %reduce_max3A_85 = vector.multi_reduction <maximumf>, %get3A_84, %reduce_max3A [1] : vector<16x10xf32> to vector<16xf32>
    %broadcast_in_dim3A_86 = vector.shape_cast %reduce_max3A_85 : vector<16xf32> to vector<16x1xf32>
    %iota3A_87 = tpu.iota {dimensions = array<i32: 1>} : vector<16x10xi32>
    %eq3A = vector.broadcast %broadcast_in_dim3A_86 : vector<16x1xf32> to vector<16x10xf32>
    %eq3A_88 = arith.cmpf oeq, %get3A_84, %eq3A : vector<16x10xf32>
    %jit3A = arith.constant 100 : i32
    %broadcast_in_dim3A_89 = vector.broadcast %jit3A : i32 to vector<16x10xi32>
    %select_n3A = arith.select %eq3A_88, %iota3A_87, %broadcast_in_dim3A_89 : vector<16x10xi1>, vector<16x10xi32>
    %reduce_min3A = arith.constant dense<2147483647> : vector<16xi32>
    %reduce_min3A_90 = vector.multi_reduction <minsi>, %select_n3A, %reduce_min3A [1] : vector<16x10xi32> to vector<16xi32>
    %broadcast_in_dim3A_91 = vector.shape_cast %reduce_min3A_90 : vector<16xi32> to vector<16x1xi32>
    %swap3A_92 = arith.constant 0 : index
    %swap3A_93 = arith.constant 0 : index
    %swap3A_94 = vector.load %arg12[%swap3A_92, %swap3A_93] : memref<16x1xi32, #tpu.memory_space<vmem>>, vector<16x1xi32>
    tpu.vector_store %arg12[%swap3A_92, %swap3A_93], %broadcast_in_dim3A_91 {strides = array<i32>} : memref<16x1xi32, #tpu.memory_space<vmem>>, vector<16x1xi32>,
    return
  }
}

</mosaic_0001>

<sc_bundles>
// kernel: kernel.4.cloned.1.call-start
scs
__scs_entry_jumppad:
0x0: {  	(pc) =	sbr.rel $0x88, $3  }
0x1: {  	(tag) =	ssettag $0x0;
	lr =	simm.s32 $0x1  }
0x2: {  	[smem:$0x3F9C] =	sst lr;
	_ =	strace $0xD0000000  }
0x3: {  	_ = 	snop  }
0x4: {  	_ = 	snop  }
0x5: {  	_ = 	snop  }
0x6: {  	_ = 	snop  }
0x7: {  	_ = 	snop  }
__scs_overlays_trampoline_lowered:
0x8: {  	[smem:$0x3FAB] =	sst s0  }
0x9: {  	[smem:$0x3FAC] =	sst s1  }
0xa: {  	[smem:$0x3FAD] =	sst s2  }
0xb: {  	[smem:$0x3FAE] =	sst s3  }
0xc: {  	[smem:$0x3FAF] =	sst s4  }
0xd: {  	[smem:$0x3FB0] =	sst s5  }
0xe: {  	[smem:$0x3FB1] =	sst s6  }
0xf: {  	[smem:$0x3FB2] =	sst s7  }
0x10: {  	[smem:$0x3FB3] =	sst s8  }
0x11: {  	[smem:$0x3FB4] =	sst s9;
	s0 =	simm.s32 @!p0 $0x0  }
0x12: {  	s1 =	sld [smem:$0x3F9A];
	s0 =	simm.s32 @p0 $0x1  }
0x13: {  	[smem:$0x3FB5] =	sst s0;
	s0 =	simm.s32 @!p1 $0x0  }
0x14: {  	s2 =	sld [smem:$0x3F99];
	s0 =	simm.s32 @p1 $0x1  }
0x15: {  	[smem:$0x3FB6] =	sst s0;
	s0 =	simm.s32 @!p2 $0x0  }
0x16: {  	s3 =	sld [smem:$0x3FDB];
	s0 =	simm.s32 @p2 $0x1  }
0x17: {  	s4 =	simm.s32 $0x1BF5;
	[smem:$0x3FB8] =	sst s0  }
0x18: {  	s0 =	sld [smem:$0x3F9B];
	_ =	swait.ge [sflag:s4], $0x0  }
0x19: {  	s7 =	sld [smem:$0x3F9C]  }
0x1a: {  	s8 =	sadd.s32 $0xFFFFE003, lr  }
0x1b: {  	s9 =	sadd.s32 $0xFFFFFEF7, lr;
	s5 =	simm.s32 $0xFFFFFFFF;
	p2 =	slt.u32 s8, $0xFFFFF086  }
0x1c: {  	p1 =	slt.u32 s9, $0xF7A;
	s5 =	simm.s32 @!p2 $0x0  }
0x1d: {  	s5 =	simm.s32 @p1 $0x1;
	p0 =	seq.s32 s7, s2  }
0x1e: {  	s7 =	smul.u32 @!p0 $0xF7A, s2;
	p2 =	seq.s32 @!p0 s5, $0x0  }
0x1f: {  	s9 =	smul.u32 $0xF7A, s1;
	s8 =	simm.s32 @!p0 $0x1BF5;
	p2 =	por !p2, p0  }
0x20: {  	[sflag:s8] =	ssyncset.s32 @!p0 $0xFFFFF086;
	s6 =	sadd.s32 @!p0 s3, s7;
	s7 =	simm.s32 @!p0 $0x108  }
0x21: {  	s3 =	sadd.s32 s3, s9;
	s6 =	sadd.s32 @!p0 $0x88, s6;
	s7 =	simm.s32 @p2 $0x1082  }
0x22: {  	[simem:s7], [sflag:s8] =	dma.local @!p0 [hbm:s6], $0xF7A  }
0x23: {  	s9 =	sor.u32 $0xD0000000, s2;
	s6 =	simm.s32 $0x108;
	_ =	swait.ge @!p0 [sflag:s8], $0x0  }
0x24: {  	s3 =	sadd.s32 $0x88, s3;
	s6 =	simm.s32 @!p1 $0x1082;
	[sflag:s4] =	ssyncset.s32 $0xFFFFF086  }
0x25: {  	[simem:s6], [sflag:s4] =	dma.local [hbm:s3], $0xF7A  }
0x26: {  	[smem:$0x3F9C] =	sst s1;
	(tag) =	ssettag s2;
	_ =	strace s9  }
0x27: {  	s1 =	sld [smem:$0x3FAC]  }
0x28: {  	s2 =	sld [smem:$0x3FAD]  }
0x29: {  	s4 =	sld [smem:$0x3FAF]  }
0x2a: {  	p0 =	seq.s32 s5, $0x0;
	s5 =	sld [smem:$0x3FB0]  }
0x2b: {  	s6 =	sld [smem:$0x3FB1]  }
0x2c: {  	s7 =	sld [smem:$0x3FB2]  }
0x2d: {  	s3 =	simm.s32 $0x108;
	s8 =	sld [smem:$0x3FB3]  }
0x2e: {  	s3 =	simm.s32 @!p0 $0x1082;
	s9 =	sld [smem:$0x3FB4]  }
0x2f: {  	lr =	sadd.s32 s0, s3;
	s0 =	sld [smem:$0x3FAB]  }
0x30: {  	s3 =	sld [smem:$0x3FAE]  }
0x31: {  	[smem:$0x3FB7] =	sst s10  }
0x32: {  	s10 =	sld [smem:$0x3FB5];
	_ =	sdelay $0x3  }
0x33: {  	p0 =	seq.s32 s10, $0x1;
	s10 =	sld [smem:$0x3FB7];
	_ =	sdelay $0x3  }
0x34: {  	[smem:$0x3FB7] =	sst s10  }
0x35: {  	s10 =	sld [smem:$0x3FB6];
	_ =	sdelay $0x3  }
0x36: {  	p1 =	seq.s32 s10, $0x1;
	s10 =	sld [smem:$0x3FB7];
	_ =	sdelay $0x3  }
0x37: {  	[smem:$0x3FB7] =	sst s10  }
0x38: {  	s10 =	sld [smem:$0x3FB8]  }
0x39: {  	_ = 	snop;
	(pc) =	sbr.ind lr, $3  }
0x3a: {  	_ = 	snop  }
0x3b: {  	_ = 	snop  }
0x3c: {  	p2 =	seq.s32 s10, $0x1;
	s10 =	sld [smem:$0x3FB7]  }
0x3d: {  	_ =	shalt  }
0x3e: {  	_ =	shalt  }
0x3f: {  	_ =	shalt  }
0x40: {  	_ =	shalt  }
0x41: {  	_ =	shalt  }
0x42: {  	_ =	shalt  }
0x43: {  	_ =	shalt  }
0x44: {  	_ =	shalt  }
0x45: {  	_ =	shalt  }
0x46: {  	_ =	shalt  }
0x47: {  	_ =	shalt  }
0x48: {  	_ =	shalt  }
0x49: {  	_ =	shalt  }
0x4a: {  	_ =	shalt  }
0x4b: {  	_ =	shalt  }
0x4c: {  	_ =	shalt  }
0x4d: {  	_ =	shalt  }
0x4e: {  	_ =	shalt  }
0x4f: {  	_ =	shalt  }
0x50: {  	_ =	shalt  }
0x51: {  	_ =	shalt  }
0x52: {  	_ =	shalt  }
0x53: {  	_ =	shalt  }
0x54: {  	_ =	shalt  }
0x55: {  	_ =	shalt  }
0x56: {  	_ =	shalt  }
0x57: {  	_ =	shalt  }
0x58: {  	_ =	shalt  }
0x59: {  	_ =	shalt  }
0x5a: {  	_ =	shalt  }
0x5b: {  	_ =	shalt  }
0x5c: {  	_ =	shalt  }
0x5d: {  	_ =	shalt  }
0x5e: {  	_ =	shalt  }
0x5f: {  	_ =	shalt  }
0x60: {  	_ =	shalt  }
0x61: {  	_ =	shalt  }
0x62: {  	_ =	shalt  }
0x63: {  	_ =	shalt  }
0x64: {  	_ =	shalt  }
0x65: {  	_ =	shalt  }
0x66: {  	_ =	shalt  }
0x67: {  	_ =	shalt  }
0x68: {  	_ =	shalt  }
0x69: {  	_ =	shalt  }
0x6a: {  	_ =	shalt  }
0x6b: {  	_ =	shalt  }
0x6c: {  	_ =	shalt  }
0x6d: {  	_ =	shalt  }
0x6e: {  	_ =	shalt  }
0x6f: {  	_ =	shalt  }
0x70: {  	_ =	shalt  }
0x71: {  	_ =	shalt  }
0x72: {  	_ =	shalt  }
0x73: {  	_ =	shalt  }
0x74: {  	_ =	shalt  }
0x75: {  	_ =	shalt  }
0x76: {  	_ =	shalt  }
0x77: {  	_ =	shalt  }
0x78: {  	_ =	shalt  }
0x79: {  	_ =	shalt  }
0x7a: {  	_ =	shalt  }
0x7b: {  	_ =	shalt  }
0x7c: {  	_ =	shalt  }
0x7d: {  	_ =	shalt  }
0x7e: {  	_ =	shalt  }
0x7f: {  	_ =	shalt  }
0x80: {  	_ =	shalt  }
0x81: {  	_ =	shalt  }
0x82: {  	_ =	shalt  }
0x83: {  	_ =	shalt  }
0x84: {  	_ =	shalt  }
0x85: {  	_ =	shalt  }
0x86: {  	_ =	shalt  }
0x87: {  	_ =	shalt  }
.Lfunc_end0:
.L_simem_size_0:
called_computation_lowered:
.L_overlay_start_0:
0x88: {  	s2 =	sld [smem:$0x3FD9]  }
0x89: {  	s3 =	sld [smem:$0x3FFE];
	_ =	sdelay $0x1  }
0x8a: {  	s1 =	srdreg.scid  }
0x8b: {  	s0 =	sand.u32 $0x1, s1  }
0x8c: {  	s14 =	sshll.u32 s0, $0xA;
	s2 =	sadd.s32 s3, s2  }
0x8d: {  	s2 =	sadd.s32 s2, s14  }
0x8e: {  	[smem:$0x3FC3] =	sst s2  }
0x8f: {  	_ = 	snop  }
0x90: {  	s2 =	sld [smem:$0x3FD0];
	_ =	sdelay $0x2  }
0x91: {  	s15 =	simm.s32 $0xA;
	s4 =	simm.s32 $0x10  }
0x92: {  	[smem:s4], [sflag:s15] =	dma.local [hbm:s2], $0x1  }
0x93: {  	_ =	swait.eq [sflag:s15], $0x1  }
0x94: {  	[sflag:s15] =	ssyncset.done $0x0  }
0x95: {  	[sflag:s15] =	ssyncadd.s32 $0xFFFFFFFF  }
0x96: {  	s16 =	sld [smem:$0x12];
	(tm) =	ssettm $0x1  }
0x97: {  	s17 =	sld [smem:$0x3FFB];
	_ =	sdelay $0x3  }
0x98: {  	_ =	strace s17  }
0x99: {  	s3 =	sld [smem:$0x3FFC];
	_ =	sdelay $0x3  }
0x9a: {  	_ =	strace s3  }
0x9b: {  	s3 =	sld [smem:$0x3FFD];
	_ =	sdelay $0x3  }
0x9c: {  	_ =	strace s3  }
0x9d: {  	_ =	strace $0x8FFFFFFF  }
0x9e: {  	s18 =	sld [smem:$0x3FDB];
	_ =	sdelay $0x1  }
0x9f: {  	s19 =	simm.s32 $_scs_section_size  }
0xa0: {  	s5 =	simm.s32 $_size__tile_overlayer_lowered;
	s6 =	simm.s32 $_tile_overlayer_lowered  }
0xa1: {  	s22 =	simm.s32 $0x1BFF;
	s21 =	sshll.u32 s6, $0x1;
	s3 =	sadd.s32 s19, s18  }
0xa2: {  	s7 =	simm.s32 $0x0;
	s20 =	sshll.u32 s5, $0x1;
	s5 =	sadd.s32 s21, s3  }
0xa3: {  	[timem:s7], [sflag:s22] =	dma.local [hbm:s5], s20  }
0xa4: {  	_ =	swait.ge [sflag:s22], s20  }
0xa5: {  	s4 =	ssub.s32 $0x0, s20;
	[sflag:s22] =	ssyncset.done $0x0  }
0xa6: {  	[sflag:s22] =	ssyncadd.s32 s4;
	_ =	sdelay $0x1  }
0xa7: {  	s23 =	simm.s32 $0x1B8B  }
0xa8: {  	_ =	swait.ge [sflag:s23], $0x1  }
0xa9: {  	[sflag:s23] =	ssyncset.done $0x0  }
0xaa: {  	s25 =	simm.s32 $0x1B8E;
	s24 =	sld [smem:$0x3FFE];
	[sflag:s23] =	ssyncadd.s32 $0xFFFFFFFF  }
0xab: {  	s26 =	simm.s32 $execute0_lowered;
	[smem:$0x3FD2] =	sst s25  }
0xac: {  	s5 =	sshll.u32 s26, $0x1;
	_ =	strace $0x80000046;
	[dreg:$0x1] =	wrdreg $0xFFFFFFFF  }
0xad: {  	s28 =	simm.s32 $_size_execute0_lowered;
	s3 =	sadd.s32 s3, s5;
	[dreg:$0x0] =	wrdreg $0x0  }
0xae: {  	s5 =	sshll.u32 s28, $0x1;
	[dreg:$0x2] =	wrdreg s3  }
0xaf: {  	[dreg:$0x3] =	wrdreg s5  }
0xb0: {  	[dreg:$0x4] =	wrdreg $0xC0  }
0xb1: {  	_ =	task [dreg:s7], $0x5FFFF  }
0xb2: {  	[dreg:$0x1] =	wrdreg $0xFFFFFFFF  }
0xb3: {  	[dreg:$0x0] =	wrdreg $0x60  }
0xb4: {  	[dreg:$0x2] =	wrdreg s24  }
0xb5: {  	[dreg:$0x3] =	wrdreg s16  }
0xb6: {  	[dreg:$0x4] =	wrdreg $0x9  }
0xb7: {  	_ =	task.clear_ibuf [dreg:s7], $0x5FFFF;
	_ =	strace $0x90000046  }
0xb8: {  	s29 =	simm.s32 $0x9;
	_ =	strace $0x80000048  }
0xb9: {  	_ =	swait.ge [sflag:s29], $0x1  }
0xba: {  	[sflag:s29] =	ssyncadd.s32 $0xFFFFFFFF  }
0xbb: {  	_ =	strace $0x90000048  }
0xbc: {  	_ =	sfence  }
0xbd: {  	s30 =	sld [smem:$0x0];
	_ =	sdelay $0x2  }
0xbe: {  	s31 =	sshll.u32 s1, $0xD;
	s1 =	sshrl.u32 s1, $0x2  }
0xbf: {  	s3 =	sand.u32 $0x4000, s31;
	s1 =	sadd.s32 s1, s30  }
0xc0: {  	s0 =	sor.u32 s3, s0;
	s1 =	sshll.u32 s1, $0x11  }
0xc1: {  	s0 =	sor.u32 s1, s0  }
0xc2: {  	s0 =	sadd.s32 $0x8F2B, s0  }
0xc3: {  	[sflag:s0] =	ssyncadd.remote.s32 $0x1  }
0xc4: {  	_ =	sfence.sel $0xFFFF  }
0xc5: {  	[dreg:$0x0] =	wrdreg $0xFFFFFFFF;
	(pc) =	sbr.abs _section_cstart, $3  }
0xc6: {  	[dreg:$0x1] =	wrdreg $0xFFFFFFFF  }
0xc7: {  	_ =	task.clear_ibuf [dreg:s7], $0x2FFFF;
	_ =	strace $0x9FFFFFFF  }
0xc8: {  	(tm) =	ssettm $0x7FFFFFFF  }
0xc9: {  	_ =	shalt  }
tec
execute0_lowered:
.L_overlay_start_1:
0x0: {  	(tag) =	ssettag $0x1  }
0x1: {  	s0 =	srdreg.scid  }
0x2: {  	s15 =	stileid.u32;
	s4 =	rddreg [dreg:$0x0]  }
0x3: {  	s8 =	rddreg [dreg:$0x1];
	s2 =	simm.s32 $0x0;
	s17 =	simm.s32 $0x3A80  }
0x4: {  	s18 =	simm.s32 $0x3B00;
	s19 =	simm.s32 $0x3980;
	s20 =	simm.s32 $0x1  }
0x5: {  	s21 =	simm.s32 $0x2;
	s28 =	simm.s32 $0x0;
	s9 =	smul.u32 $0x891C, s15  }
0x6: {  	s0 =	sand.u32 $0x1, s0;
	s1 =	sshll.u32 s15, $0x1;
	s13 =	smul.u32 $0x96, s15  }
0x7: {  	[smem:$0x7FF] =	sst s2;
	s10 =	sshrl.u32 s15, $0x2;
	s30 =	smul.u32 $0xFFFF955C, s15  }
0x8: {  	s1 =	sor.u32 s0, s1;
	_ =	strace $0x80000047;
	s11 =	sshll.u32 s10, $0xA  }
0x9: {  	s0 =	ssub.s32 $0x2, s0;
	s10 =	sshll.u32 s10, $0xB;
	s3 =	smul.u32 $0x3552, s1  }
0xa: {  	s1 =	sshll.u32 s1, $0x7;
	s12 =	sshrl.u32 s9, $0x3;
	s13 =	sadd.s32 s13, s4  }
0xb: {  	s24 =	sshrl.u32 s0, $0x1;
	s16 =	sand.u32 $0x4, s9;
	s1 =	sand.u32 $0x380, s1  }
0xc: {  	s12 =	sadd.s32 s12, s4;
	s0 =	ssub.s32 s0, s24;
	s26 =	sadd.s32 $0x1F800, s13  }
0xd: {  	s13 =	simm.s32 $0xC500;
	v3 =	vmov s16;
	s16 =	simm.s32 $0x3A00;
	s5 =	sadd.s32 $0xE, s3  }
0xe: {  	s11 =	sor.u32 s11, s1;
	s14 =	sand.u32 $0x7FFF0, s3;
	s25 =	sadd.s32 $0xE00, s12  }
0xf: {  	[dreg:$0x4] =	wrdreg s26;
	s1 =	sor.u32 s10, s1;
	s12 =	simm.s32 $0x3B80  }
0x10: {  	s6 =	sand.u32 $0xFFFF0, s5;
	s11 =	sshrl.u32 s11, $0x3;
	[dreg:$0x3] =	wrdreg s25  }
0x11: {  	s1 =	sshrl.u32 s1, $0x3;
	s7 =	smin.u32 s6, $0x67440;
	s11 =	sadd.s32 s11, s4  }
0x12: {  	v4 =	vlaneseq.u32;
	vm0 =	vcmask $0x300;
	s8 =	sadd.s32 s8, s1;
	s23 =	sshrl.u32 s7, $0x3;
	s29 =	ssub.s32 s14, s7  }
0x13: {  	v5 =	vimm.s32 $0x0;
	vm1 =	vcmask $0x704;
	vm2 =	vcmask $0xB08;
	s31 =	ssub.s32 s6, s7;
	s15 =	sadd.s32 s30, s7;
	s6 =	sadd.s32 $0x20200, s11  }
0x14: {  	vm3 =	vcmask $0xF0C;
	vm4 =	vcmask $0x1310;
	vm5 =	vcmask $0x1714;
	s7 =	sadd.s32 $0x20400, s11;
	s9 =	sadd.s32 $0x20600, s11;
	s10 =	sadd.s32 $0x20800, s11  }
0x15: {  	vm6 =	vmmov $0x3f;
	v6 =	vimm.s32 $0x80000000;
	v7 =	vimm.f32 $NaN;
	s11 =	smax.u32 s0, $0x1;
	s5 =	sadd.s32 s23, s4;
	s14 =	sadd.s32 $0x3560, s29  }
0x16: {  	v0 =	vmov s31;
	v2 =	vmov s15;
	s15 =	simm.s32 $0x3600;
	s5 =	sadd.s32 $0x12200, s5;
	v1 =	vmov s14;
	s14 =	simm.s32 $0x3  }
.LBB2_1:
0x17: {  	s0 =	rddreg [dreg:$0x3]  }
0x18: {  	[tilespmem:s12], [sflag:$0x1] =	stream.linear.gather [hbm4b:s0+s2], $0x8920, $0x38;
	[tilespmem:$0xCC00] =	vst v63  }
0x19: {  	s3 =	rddreg [dreg:$0x4]  }
0x1a: {  	[tilespmem:s13], [sflag:$0x2] =	stream.linear.gather [hbm4b:s3+s2], $0x4B0, $0x38;
	[tilespmem:$0xCC00] =	vst v63  }
0x1b: {  	_ = 	snop  }
0x1c: {  	[tilespmem:s2], [sflag:$0x3] =	stream.linear.gather [hbm4b:s5+s2], $0x3600, $0x38;
	[tilespmem:$0xCC00] =	vst v63  }
0x1d: {  	_ =	swait.ge [sflag:s14], $0x3600  }
0x1e: {  	[sflag:s14] =	ssyncset.done $0x0  }
0x1f: {  	s22 =	simm.s32 $0x2F40;
	s0 =	simm.s32 $0x1E60;
	[sflag:s14] =	ssyncadd.s32 $0xFFFFCA00  }
0x20: {  	s24 =	simm.s32 $0x2520;
	s25 =	simm.s32 $0x2BE0;
	v12 =	vor.u32 s2, v4;
	s1 =	simm.s32 $0x2880;
	v8 =	vor.u32 s22, v4;
	v13 =	vld [tilespmem:s0+$0xFFFFE500]  }
0x21: {  	s4 =	simm.s32 $0x21C0;
	s23 =	simm.s32 $0x1B00;
	s26 =	simm.s32 $0x1E60;
	v11 =	vor.u32 s24, v4;
	v10 =	vor.u32 s1, v4;
	v9 =	vor.u32 s25, v4;
	v14 =	vld [tilespmem:s0+$0xFFFFE1A0]  }
0x22: {  	s29 =	simm.s32 $0x17A0;
	s30 =	simm.s32 $0xD80;
	s24 =	simm.s32 $0x10E0;
	v15 =	vor.u32 s23, v4;
	v16 =	vor.u32 s26, v4;
	v17 =	vor.u32 s4, v4  }
0x23: {  	s25 =	simm.s32 $0x1440;
	s4 =	simm.s32 $0xA20;
	v20 =	vor.u32 s29, v4;
	v24 =	vor.u32 s30, v4;
	v18 =	vor.u32 s24, v4;
	s3 =	simm.s32 $0x360  }
0x24: {  	v19 =	vor.u32 s25, v4;
	s25 =	simm.s32 $0x6C0;
	v23 =	vor.u32 s4, v4;
	v21 =	vor.u32 s3, v4;
	v22 =	vld [tilespmem:s0+$0xFFFFE860]  }
0x25: {  	v26 =	vor.u32 s25, v4;
	vm7 =	vge.u32 v21, v0;
	v25 =	vshra.s32 v13, $0x1F  }
0x26: {  	vm8 =	vlt.s32 v21, v1;
	v27 =	vshra.s32 v14, $0x1F;
	v25 =	vshrl.u32 v25, $0x1  }
0x27: {  	vm7 =	vmand vm7, vm8;
	v58 =	vld [tilespmem:s0+$0xFFFFEBC0];
	v57 =	vshrl.u32 v27, $0x1;
	v13 =	vxor.u32 v13, v25  }
0x28: {  	s4 =	sand.u32 $0x70, s2;
	s3 =	sand.u32 $0x1F80, s30;
	vm8 =	vge.u32 v12, v0;
	v14 =	vxor.u32 v14, v57;
	v13 =	vnsel vm7, $0x80000000, v13  }
0x29: {  	s24 =	sor.u32 s4, s3;
	vm7 =	vlt.s32 v12, v1;
	v12 =	vshra.s32 v22, $0x1F;
	vm9 =	vgt.s32 v14, v13  }
0x2a: {  	v59 =	vld [tilespmem:s24+$0x0];
	vm7 =	vmand vm8, vm7;
	v12 =	vshrl.u32 v12, $0x1;
	v14 =	vsel vm9, v14, v13  }
0x2b: {  	vm8 =	vlt.s32 v26, v1;
	v12 =	vxor.u32 v22, v12;
	v13 =	vsel vm7, v14, v13  }
0x2c: {  	vm7 =	vge.u32 v26, v0;
	v14 =	vshra.s32 v58, $0x1F;
	vm14 =	vgt.s32 v13, v12  }
0x2d: {  	v60 =	vld [tilespmem:s0+$0xFFFFF280];
	vm7 =	vmand vm7, vm8;
	v14 =	vshrl.u32 v14, $0x1;
	v12 =	vsel vm14, v13, v12  }
0x2e: {  	vm8 =	vlt.s32 v23, v1;
	v12 =	vsel vm7, v12, v13;
	v13 =	vxor.u32 v58, v14  }
0x2f: {  	vm7 =	vge.u32 v23, v0;
	v14 =	vshra.s32 v59, $0x1F;
	vm15 =	vgt.s32 v12, v13  }
0x30: {  	v61 =	vld [tilespmem:s0+$0xFFFFF5E0];
	vm7 =	vmand vm7, vm8;
	v14 =	vshrl.u32 v14, $0x1;
	v13 =	vsel vm15, v12, v13  }
0x31: {  	vm8 =	vlt.s32 v24, v1;
	v12 =	vsel vm7, v13, v12;
	v13 =	vxor.u32 v59, v14  }
0x32: {  	vm7 =	vge.u32 v24, v0;
	v14 =	vshra.s32 v60, $0x1F;
	vm12 =	vgt.s32 v12, v13  }
0x33: {  	v62 =	vld [tilespmem:s0+$0xFFFFF940];
	vm7 =	vmand vm7, vm8;
	v14 =	vshrl.u32 v14, $0x1;
	v13 =	vsel vm12, v12, v13  }
0x34: {  	s23 =	sand.u32 $0x1F80, s23;
	vm8 =	vlt.s32 v18, v1;
	v12 =	vsel vm7, v13, v12;
	v13 =	vxor.u32 v60, v14  }
0x35: {  	s23 =	sor.u32 s4, s23;
	vm7 =	vge.u32 v18, v0;
	v14 =	vshra.s32 v61, $0x1F;
	vm13 =	vgt.s32 v12, v13  }
0x36: {  	v18 =	vld [tilespmem:s23+$0x0];
	vm7 =	vmand vm7, vm8;
	v14 =	vshrl.u32 v14, $0x1;
	v13 =	vsel vm13, v12, v13  }
0x37: {  	vm8 =	vlt.s32 v19, v1;
	v12 =	vsel vm7, v13, v12;
	v13 =	vxor.u32 v61, v14  }
0x38: {  	vm7 =	vge.u32 v19, v0;
	v14 =	vshra.s32 v62, $0x1F;
	vm14 =	vgt.s32 v12, v13  }
0x39: {  	v19 =	vld [tilespmem:s0+$0x0];
	vm7 =	vmand vm7, vm8;
	v14 =	vshrl.u32 v14, $0x1;
	v13 =	vsel vm14, v12, v13  }
0x3a: {  	vm8 =	vlt.s32 v20, v1;
	v12 =	vsel vm7, v13, v12;
	v13 =	vxor.u32 v62, v14  }
0x3b: {  	vm7 =	vge.u32 v20, v0;
	v14 =	vshra.s32 v18, $0x1F;
	vm15 =	vgt.s32 v12, v13  }
0x3c: {  	v63 =	vld [tilespmem:s0+$0x360];
	vm7 =	vmand vm7, vm8;
	v14 =	vshrl.u32 v14, $0x1;
	v13 =	vsel vm15, v12, v13  }
0x3d: {  	vm8 =	vlt.s32 v15, v1;
	v12 =	vsel vm7, v13, v12;
	v13 =	vxor.u32 v18, v14  }
0x3e: {  	vm7 =	vge.u32 v15, v0;
	v14 =	vshra.s32 v19, $0x1F;
	vm12 =	vgt.s32 v12, v13  }
0x3f: {  	v15 =	vld [tilespmem:s0+$0x6C0];
	vm7 =	vmand vm7, vm8;
	v14 =	vshrl.u32 v14, $0x1;
	v13 =	vsel vm12, v12, v13  }
0x40: {  	s1 =	sand.u32 $0x2F80, s1;
	vm8 =	vlt.s32 v16, v1;
	v12 =	vsel vm7, v13, v12;
	v13 =	vxor.u32 v19, v14  }
0x41: {  	s1 =	sor.u32 s4, s1;
	vm7 =	vge.u32 v16, v0;
	v14 =	vshra.s32 v63, $0x1F;
	vm13 =	vgt.s32 v12, v13  }
0x42: {  	v16 =	vld [tilespmem:s1+$0x0];
	vm7 =	vmand vm7, vm8;
	v14 =	vshrl.u32 v14, $0x1;
	v13 =	vsel vm13, v12, v13  }
0x43: {  	vm8 =	vlt.s32 v17, v1;
	v12 =	vsel vm7, v13, v12;
	v13 =	vxor.u32 v63, v14  }
0x44: {  	vm7 =	vge.u32 v17, v0;
	v14 =	vshra.s32 v15, $0x1F;
	vm14 =	vgt.s32 v12, v13  }
0x45: {  	v17 =	vld [tilespmem:s0+$0xD80];
	vm7 =	vmand vm7, vm8;
	v14 =	vshrl.u32 v14, $0x1;
	v13 =	vsel vm14, v12, v13  }
0x46: {  	vm8 =	vlt.s32 v11, v1;
	v12 =	vsel vm7, v13, v12;
	v13 =	vxor.u32 v15, v14  }
0x47: {  	vm7 =	vge.u32 v11, v0;
	v11 =	vshra.s32 v16, $0x1F;
	vm15 =	vgt.s32 v12, v13  }
0x48: {  	v14 =	vld [tilespmem:s0+$0x10E0];
	vm7 =	vmand vm7, vm8;
	v11 =	vshrl.u32 v11, $0x1;
	v13 =	vsel vm15, v12, v13  }
0x49: {  	vm8 =	vlt.s32 v10, v1;
	v11 =	vxor.u32 v16, v11;
	v12 =	vsel vm7, v13, v12  }
0x4a: {  	vm7 =	vge.u32 v10, v0;
	v10 =	vshra.s32 v17, $0x1F;
	vm12 =	vgt.s32 v12, v11  }
0x4b: {  	v13 =	vld [tilespmem:s0+$0x1440];
	vm7 =	vmand vm7, vm8;
	v10 =	vshrl.u32 v10, $0x1;
	v11 =	vsel vm12, v12, v11  }
0x4c: {  	vm8 =	vlt.s32 v9, v1;
	v10 =	vxor.u32 v17, v10;
	v11 =	vsel vm7, v11, v12  }
0x4d: {  	vm7 =	vge.u32 v9, v0;
	v9 =	vshra.s32 v14, $0x1F;
	vm13 =	vgt.s32 v11, v10  }
0x4e: {  	vm7 =	vmand vm7, vm8;
	v9 =	vshrl.u32 v9, $0x1;
	v10 =	vsel vm13, v11, v10  }
0x4f: {  	vm8 =	vlt.s32 v8, v1;
	v9 =	vxor.u32 v14, v9;
	v10 =	vsel vm7, v10, v11  }
0x50: {  	vm7 =	vge.u32 v8, v0;
	v8 =	vshra.s32 v13, $0x1F;
	vm14 =	vgt.s32 v10, v9  }
0x51: {  	s22 =	simm.s32 $0x32A0;
	vm7 =	vmand vm7, vm8;
	v8 =	vshrl.u32 v8, $0x1;
	v9 =	vsel vm14, v10, v9  }
0x52: {  	v8 =	vxor.u32 v13, v8;
	v9 =	vsel vm7, v9, v10;
	v10 =	vor.u32 s22, v4  }
0x53: {  	vm7 =	vge.u32 v10, v0;
	vm8 =	vlt.s32 v10, v1;
	vm15 =	vgt.s32 v9, v8  }
0x54: {  	vm7 =	vmand vm7, vm8;
	v8 =	vsel vm15, v9, v8  }
0x55: {  	s31 =	simm.s32 $0x1E70;
	s26 =	simm.s32 $0x2530;
	s29 =	simm.s32 $0x3600;
	v8 =	vsel vm7, v8, v9  }
0x56: {  	s25 =	simm.s32 $0x2BF0;
	s30 =	simm.s32 $0x10;
	s23 =	simm.s32 $0x2F50;
	[tilespmem:s15+$0x0] =	vst v8  }
0x57: {  	s24 =	simm.s32 $0x21D0;
	s1 =	simm.s32 $0x2890;
	v15 =	vor.u32 s30, v4;
	s0 =	simm.s32 $0x20;
	v8 =	vor.u32 s23, v4;
	v16 =	vld [tilespmem:s31+$0xFFFFE500]  }
.LBB2_2:
0x58: {  	p0 =	sne.s32 s0, $0x350;
	v17 =	vld [tilespmem:s31+$0xFFFFE1A0];
	s23 =	sadd.s32 $0x1B00, s30;
	s22 =	sadd.s32 $0x1E60, s30;
	v11 =	vor.u32 s26, v4;
	v10 =	vor.u32 s1, v4;
	v9 =	vor.u32 s25, v4  }
0x59: {  	s25 =	sadd.s32 $0x10E0, s30;
	s26 =	sadd.s32 $0x1440, s30;
	s3 =	sadd.s32 $0x17A0, s30;
	v12 =	vor.u32 s24, v4;
	v14 =	vor.u32 s23, v4;
	v13 =	vor.u32 s22, v4  }
0x5a: {  	s24 =	sadd.s32 $0xA20, s30;
	s4 =	sadd.s32 $0xD80, s30;
	s22 =	sadd.s32 $0x360, s30;
	v18 =	vor.u32 s25, v4;
	v19 =	vor.u32 s26, v4;
	v20 =	vor.u32 s3, v4  }
0x5b: {  	s3 =	sadd.s32 $0x6C0, s30;
	v23 =	vor.u32 s24, v4;
	v24 =	vor.u32 s4, v4;
	v21 =	vor.u32 s22, v4;
	v22 =	vld [tilespmem:s31+$0xFFFFE860]  }
0x5c: {  	v26 =	vor.u32 s3, v4;
	vm7 =	vge.u32 v21, v0;
	v25 =	vshra.s32 v16, $0x1F  }
0x5d: {  	vm8 =	vlt.s32 v21, v1;
	v27 =	vshra.s32 v17, $0x1F;
	v25 =	vshrl.u32 v25, $0x1  }
0x5e: {  	vm7 =	vmand vm7, vm8;
	v21 =	vshrl.u32 v27, $0x1;
	v16 =	vxor.u32 v16, v25;
	v25 =	vld [tilespmem:s31+$0xFFFFEBC0]  }
0x5f: {  	s3 =	sand.u32 $0x1F80, s4;
	s22 =	sand.u32 $0x70, s30;
	vm8 =	vge.u32 v15, v0;
	v17 =	vxor.u32 v17, v21;
	v16 =	vnsel vm7, $0x80000000, v16  }
0x60: {  	s3 =	sor.u32 s22, s3;
	vm7 =	vlt.s32 v15, v1;
	vm9 =	vgt.s32 v17, v16;
	v15 =	vshra.s32 v22, $0x1F  }
0x61: {  	vm7 =	vmand vm8, vm7;
	v17 =	vsel vm9, v17, v16;
	v15 =	vshrl.u32 v15, $0x1;
	v21 =	vld [tilespmem:s3+$0x0]  }
0x62: {  	v16 =	vsel vm7, v17, v16;
	v15 =	vxor.u32 v22, v15;
	vm7 =	vge.u32 v26, v0  }
0x63: {  	vm8 =	vlt.s32 v26, v1;
	vm9 =	vgt.s32 v16, v15;
	v17 =	vshra.s32 v25, $0x1F  }
0x64: {  	vm7 =	vmand vm7, vm8;
	v15 =	vsel vm9, v16, v15;
	v17 =	vshrl.u32 v17, $0x1;
	v22 =	vld [tilespmem:s31+$0xFFFFF280]  }
0x65: {  	v15 =	vsel vm7, v15, v16;
	v16 =	vxor.u32 v25, v17;
	vm7 =	vge.u32 v23, v0  }
0x66: {  	vm8 =	vlt.s32 v23, v1;
	vm9 =	vgt.s32 v15, v16;
	v17 =	vshra.s32 v21, $0x1F  }
0x67: {  	vm7 =	vmand vm7, vm8;
	v16 =	vsel vm9, v15, v16;
	v17 =	vshrl.u32 v17, $0x1;
	v23 =	vld [tilespmem:s31+$0xFFFFF5E0]  }
0x68: {  	v15 =	vsel vm7, v16, v15;
	v16 =	vxor.u32 v21, v17;
	vm7 =	vge.u32 v24, v0  }
0x69: {  	vm8 =	vlt.s32 v24, v1;
	vm9 =	vgt.s32 v15, v16;
	v17 =	vshra.s32 v22, $0x1F  }
0x6a: {  	vm7 =	vmand vm7, vm8;
	v16 =	vsel vm9, v15, v16;
	v17 =	vshrl.u32 v17, $0x1;
	v21 =	vld [tilespmem:s31+$0xFFFFF940]  }
0x6b: {  	s3 =	sand.u32 $0x1F80, s23;
	v15 =	vsel vm7, v16, v15;
	v16 =	vxor.u32 v22, v17;
	vm7 =	vge.u32 v18, v0  }
0x6c: {  	s3 =	sor.u32 s22, s3;
	vm8 =	vlt.s32 v18, v1;
	vm9 =	vgt.s32 v15, v16;
	v17 =	vshra.s32 v23, $0x1F  }
0x6d: {  	vm7 =	vmand vm7, vm8;
	v16 =	vsel vm9, v15, v16;
	v17 =	vshrl.u32 v17, $0x1;
	v18 =	vld [tilespmem:s3+$0x0]  }
0x6e: {  	v15 =	vsel vm7, v16, v15;
	v16 =	vxor.u32 v23, v17;
	vm7 =	vge.u32 v19, v0  }
0x6f: {  	vm8 =	vlt.s32 v19, v1;
	vm9 =	vgt.s32 v15, v16;
	v17 =	vshra.s32 v21, $0x1F  }
0x70: {  	vm7 =	vmand vm7, vm8;
	v16 =	vsel vm9, v15, v16;
	v17 =	vshrl.u32 v17, $0x1;
	v19 =	vld [tilespmem:s31+$0x0]  }
0x71: {  	v15 =	vsel vm7, v16, v15;
	v16 =	vxor.u32 v21, v17;
	vm7 =	vge.u32 v20, v0  }
0x72: {  	vm8 =	vlt.s32 v20, v1;
	vm9 =	vgt.s32 v15, v16;
	v17 =	vshra.s32 v18, $0x1F  }
0x73: {  	vm7 =	vmand vm7, vm8;
	v16 =	vsel vm9, v15, v16;
	v17 =	vshrl.u32 v17, $0x1;
	v20 =	vld [tilespmem:s31+$0x360]  }
0x74: {  	v15 =	vsel vm7, v16, v15;
	v16 =	vxor.u32 v18, v17;
	vm7 =	vge.u32 v14, v0  }
0x75: {  	vm8 =	vlt.s32 v14, v1;
	vm9 =	vgt.s32 v15, v16;
	v14 =	vshra.s32 v19, $0x1F  }
0x76: {  	vm7 =	vmand vm7, vm8;
	v16 =	vsel vm9, v15, v16;
	v14 =	vshrl.u32 v14, $0x1;
	v17 =	vld [tilespmem:s31+$0x6C0]  }
0x77: {  	s1 =	sand.u32 $0x2F80, s1;
	v15 =	vsel vm7, v16, v15;
	v14 =	vxor.u32 v19, v14;
	vm7 =	vge.u32 v13, v0  }
0x78: {  	s1 =	sor.u32 s22, s1;
	vm8 =	vlt.s32 v13, v1;
	vm9 =	vgt.s32 v15, v14;
	v13 =	vshra.s32 v20, $0x1F  }
0x79: {  	vm7 =	vmand vm7, vm8;
	v14 =	vsel vm9, v15, v14;
	v13 =	vshrl.u32 v13, $0x1;
	v16 =	vld [tilespmem:s1+$0x0]  }
0x7a: {  	v14 =	vsel vm7, v14, v15;
	v13 =	vxor.u32 v20, v13;
	vm7 =	vge.u32 v12, v0  }
0x7b: {  	vm8 =	vlt.s32 v12, v1;
	vm9 =	vgt.s32 v14, v13;
	v12 =	vshra.s32 v17, $0x1F  }
0x7c: {  	vm7 =	vmand vm7, vm8;
	v13 =	vsel vm9, v14, v13;
	v12 =	vshrl.u32 v12, $0x1;
	v15 =	vld [tilespmem:s31+$0xD80]  }
0x7d: {  	v13 =	vsel vm7, v13, v14;
	v12 =	vxor.u32 v17, v12;
	vm7 =	vge.u32 v11, v0  }
0x7e: {  	vm8 =	vlt.s32 v11, v1;
	vm9 =	vgt.s32 v13, v12;
	v11 =	vshra.s32 v16, $0x1F  }
0x7f: {  	vm7 =	vmand vm7, vm8;
	v12 =	vsel vm9, v13, v12;
	v11 =	vshrl.u32 v11, $0x1;
	v14 =	vld [tilespmem:s31+$0x10E0]  }
0x80: {  	v12 =	vsel vm7, v12, v13;
	v11 =	vxor.u32 v16, v11;
	vm7 =	vge.u32 v10, v0  }
0x81: {  	vm8 =	vlt.s32 v10, v1;
	vm9 =	vgt.s32 v12, v11;
	v10 =	vshra.s32 v15, $0x1F  }
0x82: {  	vm7 =	vmand vm7, vm8;
	v11 =	vsel vm9, v12, v11;
	v10 =	vshrl.u32 v10, $0x1;
	v13 =	vld [tilespmem:s31+$0x1440]  }
0x83: {  	v11 =	vsel vm7, v11, v12;
	v10 =	vxor.u32 v15, v10;
	vm7 =	vge.u32 v9, v0  }
0x84: {  	vm8 =	vlt.s32 v9, v1;
	vm9 =	vgt.s32 v11, v10;
	v9 =	vshra.s32 v14, $0x1F  }
0x85: {  	vm7 =	vmand vm7, vm8;
	v10 =	vsel vm9, v11, v10;
	v9 =	vshrl.u32 v9, $0x1  }
0x86: {  	v10 =	vsel vm7, v10, v11;
	v9 =	vxor.u32 v14, v9;
	vm7 =	vge.u32 v8, v0  }
0x87: {  	vm8 =	vlt.s32 v8, v1;
	vm9 =	vgt.s32 v10, v9;
	v8 =	vshra.s32 v13, $0x1F  }
0x88: {  	s1 =	sadd.s32 $0x32A0, s30;
	s30 =	smov.u32 s0;
	vm7 =	vmand vm7, vm8;
	v9 =	vsel vm9, v10, v9;
	v8 =	vshrl.u32 v8, $0x1  }
0x89: {  	v9 =	vsel vm7, v9, v10;
	v8 =	vxor.u32 v13, v8;
	v10 =	vor.u32 s1, v4  }
.Ltmp0:
0x8a: {  	vm7 =	vge.u32 v10, v0;
	vm8 =	vlt.s32 v10, v1;
	vm9 =	vgt.s32 v9, v8;
	(pc) =	sbr.rel @p0 .LBB2_2-.Ltmp0, $4  }
0x8b: {  	vm7 =	vmand vm7, vm8;
	v8 =	vsel vm9, v9, v8  }
0x8c: {  	s29 =	sadd.s32 $0x10, s29;
	s31 =	sadd.s32 $0x10, s31;
	v8 =	vsel vm7, v8, v9  }
0x8d: {  	s26 =	sadd.s32 $0x2520, s0;
	s25 =	sadd.s32 $0x2BE0, s0;
	s3 =	sadd.s32 $0x2F40, s0;
	[tilespmem:s29+$0x0] =	vst v8  }
0x8e: {  	s0 =	sadd.s32 $0x10, s0;
	s24 =	sadd.s32 $0x21C0, s30;
	v15 =	vor.u32 s30, v4;
	s1 =	sadd.s32 $0x2880, s30;
	v8 =	vor.u32 s3, v4;
	v16 =	vld [tilespmem:s31+$0xFFFFE500]  }
0x8f: {  	s22 =	sadd.s32 $0x1B00, s30;
	v11 =	vor.u32 s26, v4;
	v10 =	vor.u32 s1, v4  }
0x90: {  	v12 =	vld [tilespmem:s31+$0xFFFFE1A0];
	s0 =	sadd.s32 $0x1E60, s30;
	v9 =	vor.u32 s25, v4;
	s3 =	sadd.s32 $0x10E0, s30;
	s4 =	sadd.s32 $0x1440, s30;
	v17 =	vor.u32 s24, v4;
	v13 =	vor.u32 s22, v4  }
0x91: {  	s23 =	sadd.s32 $0x17A0, s30;
	s24 =	sadd.s32 $0x360, s30;
	s25 =	sadd.s32 $0xA20, s30;
	v14 =	vor.u32 s0, v4;
	v18 =	vor.u32 s3, v4;
	v19 =	vor.u32 s4, v4  }
0x92: {  	s26 =	sadd.s32 $0xD80, s30;
	v22 =	vld [tilespmem:s31+$0xFFFFE860];
	v20 =	vor.u32 s23, v4;
	v21 =	vor.u32 s24, v4;
	s4 =	sadd.s32 $0x6C0, s30;
	v23 =	vor.u32 s25, v4  }
0x93: {  	v43 =	vld [tilespmem:s31+$0xFFFFEBC0];
	v24 =	vor.u32 s26, v4;
	s24 =	sand.u32 $0x70, s30;
	s30 =	sadd.s32 $0x32A0, s30;
	vm7 =	vge.u32 v21, v0;
	v26 =	vor.u32 s4, v4  }
0x94: {  	vm8 =	vlt.s32 v21, v1;
	v34 =	vor.u32 s30, v4;
	v25 =	vshra.s32 v16, $0x1F  }
0x95: {  	v47 =	vld [tilespmem:s31+$0xFFFFF280];
	vm7 =	vmand vm7, vm8;
	v27 =	vshra.s32 v12, $0x1F;
	v25 =	vshrl.u32 v25, $0x1  }
0x96: {  	s23 =	sand.u32 $0x1F80, s26;
	vm8 =	vge.u32 v15, v0;
	v41 =	vshrl.u32 v27, $0x1;
	v42 =	vxor.u32 v16, v25  }
0x97: {  	s3 =	sor.u32 s24, s23;
	v44 =	vshra.s32 v22, $0x1F;
	v12 =	vxor.u32 v12, v41;
	v16 =	vnsel vm7, $0x80000000, v42  }
0x98: {  	v45 =	vld [tilespmem:s3+$0x0];
	v46 =	vshra.s32 v43, $0x1F;
	vm7 =	vlt.s32 v15, v1;
	vm9 =	vgt.s32 v12, v16  }
0x99: {  	v15 =	vshrl.u32 v44, $0x1;
	vm7 =	vmand vm8, vm7;
	v12 =	vsel vm9, v12, v16  }
0x9a: {  	v52 =	vshra.s32 v47, $0x1F;
	v15 =	vxor.u32 v22, v15;
	v12 =	vsel vm7, v12, v16  }
0x9b: {  	v50 =	vld [tilespmem:s31+$0xFFFFF5E0];
	vm8 =	vlt.s32 v26, v1;
	vm7 =	vge.u32 v26, v0;
	vm14 =	vgt.s32 v12, v15  }
0x9c: {  	v16 =	vshrl.u32 v46, $0x1;
	vm7 =	vmand vm7, vm8;
	v15 =	vsel vm14, v12, v15  }
0x9d: {  	v49 =	vshra.s32 v45, $0x1F;
	v48 =	vxor.u32 v43, v16;
	v12 =	vsel vm7, v15, v12  }
0x9e: {  	v53 =	vld [tilespmem:s31+$0xFFFFF940];
	vm8 =	vlt.s32 v23, v1;
	vm7 =	vge.u32 v23, v0;
	vm15 =	vgt.s32 v12, v48  }
0x9f: {  	v16 =	vshrl.u32 v49, $0x1;
	vm7 =	vmand vm7, vm8;
	v15 =	vsel vm15, v12, v48  }
0xa0: {  	v55 =	vshra.s32 v50, $0x1F;
	v51 =	vxor.u32 v45, v16;
	v12 =	vsel vm7, v15, v12  }
0xa1: {  	v29 =	vld [tilespmem:s31+$0x10E0];
	vm8 =	vlt.s32 v24, v1;
	vm7 =	vge.u32 v24, v0;
	vm12 =	vgt.s32 v12, v51  }
0xa2: {  	s25 =	sand.u32 $0x1F80, s22;
	v16 =	vshrl.u32 v52, $0x1;
	vm7 =	vmand vm7, vm8;
	v15 =	vsel vm12, v12, v51  }
0xa3: {  	s3 =	sor.u32 s24, s25;
	v58 =	vshra.s32 v53, $0x1F;
	v54 =	vxor.u32 v47, v16;
	v12 =	vsel vm7, v15, v12  }
0xa4: {  	v56 =	vld [tilespmem:s3+$0x0];
	vm8 =	vlt.s32 v18, v1;
	vm7 =	vge.u32 v18, v0;
	vm13 =	vgt.s32 v12, v54  }
0xa5: {  	v16 =	vshrl.u32 v55, $0x1;
	vm7 =	vmand vm7, vm8;
	v15 =	vsel vm13, v12, v54  }
0xa6: {  	v32 =	vshra.s32 v29, $0x1F;
	v57 =	vxor.u32 v50, v16;
	v12 =	vsel vm7, v15, v12  }
0xa7: {  	v59 =	vld [tilespmem:s31+$0x0];
	vm8 =	vlt.s32 v19, v1;
	vm7 =	vge.u32 v19, v0;
	vm14 =	vgt.s32 v12, v57  }
0xa8: {  	v16 =	vshrl.u32 v58, $0x1;
	vm7 =	vmand vm7, vm8;
	v15 =	vsel vm14, v12, v57  }
0xa9: {  	v61 =	vshra.s32 v56, $0x1F;
	v60 =	vxor.u32 v53, v16;
	v12 =	vsel vm7, v15, v12  }
0xaa: {  	v62 =	vld [tilespmem:s31+$0x360];
	vm8 =	vlt.s32 v20, v1;
	vm7 =	vge.u32 v20, v0;
	vm15 =	vgt.s32 v12, v60  }
0xab: {  	v16 =	vshrl.u32 v61, $0x1;
	vm7 =	vmand vm7, vm8;
	v15 =	vsel vm15, v12, v60  }
0xac: {  	v63 =	vxor.u32 v56, v16;
	v18 =	vshra.s32 v59, $0x1F;
	v12 =	vsel vm7, v15, v12  }
0xad: {  	v21 =	vld [tilespmem:s31+$0x6C0];
	vm8 =	vlt.s32 v13, v1;
	vm7 =	vge.u32 v13, v0;
	vm12 =	vgt.s32 v12, v63  }
0xae: {  	s26 =	sand.u32 $0x2F80, s1;
	v13 =	vshrl.u32 v18, $0x1;
	vm7 =	vmand vm7, vm8;
	v15 =	vsel vm12, v12, v63  }
0xaf: {  	s0 =	sor.u32 s24, s26;
	v22 =	vshra.s32 v62, $0x1F;
	v13 =	vxor.u32 v59, v13;
	v12 =	vsel vm7, v15, v12  }
0xb0: {  	v23 =	vld [tilespmem:s0+$0x0];
	vm8 =	vlt.s32 v14, v1;
	vm7 =	vge.u32 v14, v0;
	vm13 =	vgt.s32 v12, v13  }
0xb1: {  	v14 =	vshrl.u32 v22, $0x1;
	vm7 =	vmand vm7, vm8;
	v13 =	vsel vm13, v12, v13  }
0xb2: {  	v25 =	vshra.s32 v21, $0x1F;
	v24 =	vxor.u32 v62, v14;
	v12 =	vsel vm7, v13, v12  }
0xb3: {  	v26 =	vld [tilespmem:s31+$0xD80];
	vm8 =	vlt.s32 v17, v1;
	vm7 =	vge.u32 v17, v0;
	vm14 =	vgt.s32 v12, v24  }
0xb4: {  	v14 =	vshrl.u32 v25, $0x1;
	vm7 =	vmand vm7, vm8;
	v13 =	vsel vm14, v12, v24  }
0xb5: {  	v28 =	vshra.s32 v23, $0x1F;
	v27 =	vxor.u32 v21, v14;
	v12 =	vsel vm7, v13, v12  }
0xb6: {  	vm8 =	vlt.s32 v11, v1;
	vm7 =	vge.u32 v11, v0;
	vm15 =	vgt.s32 v12, v27  }
0xb7: {  	v11 =	vshrl.u32 v28, $0x1;
	vm7 =	vmand vm7, vm8;
	v13 =	vsel vm15, v12, v27  }
0xb8: {  	v30 =	vshra.s32 v26, $0x1F;
	v11 =	vxor.u32 v23, v11;
	v12 =	vsel vm7, v13, v12  }
0xb9: {  	vm8 =	vlt.s32 v10, v1;
	vm7 =	vge.u32 v10, v0;
	vm12 =	vgt.s32 v12, v11  }
0xba: {  	v31 =	vld [tilespmem:s31+$0x1440];
	v10 =	vshrl.u32 v30, $0x1;
	vm7 =	vmand vm7, vm8;
	v11 =	vsel vm12, v12, v11  }
0xbb: {  	v10 =	vxor.u32 v26, v10;
	vm8 =	vlt.s32 v9, v1;
	v11 =	vsel vm7, v11, v12  }
0xbc: {  	vm7 =	vge.u32 v9, v0;
	v9 =	vshrl.u32 v32, $0x1;
	vm13 =	vgt.s32 v11, v10  }
0xbd: {  	vm7 =	vmand vm7, vm8;
	v9 =	vxor.u32 v29, v9;
	v10 =	vsel vm13, v11, v10  }
0xbe: {  	vm8 =	vlt.s32 v8, v1;
	v10 =	vsel vm7, v10, v11;
	vm7 =	vge.u32 v8, v0  }
0xbf: {  	v8 =	vshra.s32 v31, $0x1F;
	vm14 =	vgt.s32 v10, v9;
	vm7 =	vmand vm7, vm8  }
0xc0: {  	v33 =	vshrl.u32 v8, $0x1;
	v8 =	vmul.u32 $0x10, v4;
	v9 =	vsel vm14, v10, v9  }
0xc1: {  	vm8 =	vlt.s32 v34, v1;
	v35 =	vxor.u32 v31, v33;
	v9 =	vsel vm7, v9, v10  }
0xc2: {  	vm7 =	vge.u32 v34, v0;
	v36 =	vor.u32 $0x1, v8;
	vm15 =	vgt.s32 v9, v35  }
0xc3: {  	vm7 =	vmand vm7, vm8;
	v10 =	vsel vm15, v9, v35  }
0xc4: {  	s31 =	sadd.s32 $0x10, s29;
	v37 =	vor.u32 $0x2, v8;
	v9 =	vsel vm7, v10, v9  }
0xc5: {  	[tilespmem:s31+$0x0] =	vst v9  }
0xc6: {  	v38 =	vor.u32 $0x3, v8;
	v9 =	vld.idx.msk [tilespmem:v8+s15+$0x0], $0xffff  }
0xc7: {  	v11 =	vld.idx.msk [tilespmem:v36+s15+$0x0], $0xffff  }
0xc8: {  	v39 =	vor.u32 $0x4, v8  }
0xc9: {  	v10 =	vld.idx.msk [tilespmem:v37+s15+$0x0], $0xffff  }
0xca: {  	v40 =	vor.u32 $0x5, v8  }
0xcb: {  	v12 =	vld.idx.msk [tilespmem:v38+s15+$0x0], $0xffff  }
0xcc: {  	v41 =	vor.u32 $0x6, v8;
	vm7 =	vgt.s32 v9, v11  }
0xcd: {  	v42 =	vld.idx.msk [tilespmem:v39+s15+$0x0], $0xffff;
	v9 =	vsel vm7, v9, v11  }
0xce: {  	v43 =	vor.u32 $0x7, v8;
	vm7 =	vgt.s32 v9, v10  }
0xcf: {  	v44 =	vld.idx.msk [tilespmem:v40+s15+$0x0], $0xffff;
	v9 =	vsel vm7, v9, v10  }
0xd0: {  	v45 =	vor.u32 $0x8, v8;
	vm7 =	vgt.s32 v9, v12  }
0xd1: {  	v46 =	vld.idx.msk [tilespmem:v41+s15+$0x0], $0xffff;
	v9 =	vsel vm7, v9, v12  }
0xd2: {  	v47 =	vor.u32 $0x9, v8;
	vm7 =	vgt.s32 v9, v42  }
0xd3: {  	v48 =	vld.idx.msk [tilespmem:v43+s15+$0x0], $0xffff;
	v9 =	vsel vm7, v9, v42  }
0xd4: {  	v49 =	vor.u32 $0xA, v8;
	vm7 =	vgt.s32 v9, v44  }
0xd5: {  	v50 =	vld.idx.msk [tilespmem:v45+s15+$0x0], $0xffff;
	v9 =	vsel vm7, v9, v44  }
0xd6: {  	v51 =	vor.u32 $0xB, v8;
	vm7 =	vgt.s32 v9, v46  }
0xd7: {  	v52 =	vld.idx.msk [tilespmem:v47+s15+$0x0], $0xffff;
	v9 =	vsel vm7, v9, v46  }
0xd8: {  	v53 =	vor.u32 $0xC, v8;
	vm7 =	vgt.s32 v9, v48  }
0xd9: {  	v54 =	vld.idx.msk [tilespmem:v49+s15+$0x0], $0xffff;
	v9 =	vsel vm7, v9, v48  }
0xda: {  	v55 =	vor.u32 $0xD, v8;
	vm7 =	vgt.s32 v9, v50  }
0xdb: {  	v56 =	vld.idx.msk [tilespmem:v51+s15+$0x0], $0xffff;
	v9 =	vsel vm7, v9, v50  }
0xdc: {  	v57 =	vor.u32 $0xE, v8;
	vm7 =	vgt.s32 v9, v52  }
0xdd: {  	v58 =	vld.idx.msk [tilespmem:v53+s15+$0x0], $0xffff;
	v9 =	vsel vm7, v9, v52  }
0xde: {  	v59 =	vor.u32 $0xF, v8;
	vm7 =	vgt.s32 v9, v54  }
0xdf: {  	v60 =	vld.idx.msk [tilespmem:v55+s15+$0x0], $0xffff;
	v9 =	vsel vm7, v9, v54  }
0xe0: {  	vm7 =	vgt.s32 v9, v56  }
0xe1: {  	v61 =	vld.idx.msk [tilespmem:v57+s15+$0x0], $0xffff;
	v9 =	vsel vm7, v9, v56  }
0xe2: {  	vm7 =	vgt.s32 v9, v58  }
0xe3: {  	v62 =	vld.idx.msk [tilespmem:v59+s15+$0x0], $0xffff;
	v9 =	vsel vm7, v9, v58  }
0xe4: {  	vm7 =	vgt.s32 v9, v60  }
0xe5: {  	v9 =	vsel vm7, v9, v60  }
0xe6: {  	v63 =	vor.u32 $0x100, v8;
	vm7 =	vgt.s32 v9, v61  }
0xe7: {  	v16 =	vor.u32 $0x101, v8;
	v9 =	vsel vm7, v9, v61  }
0xe8: {  	vm7 =	vgt.s32 v9, v62  }
0xe9: {  	v17 =	vor.u32 $0x102, v8;
	v9 =	vsel vm7, v9, v62  }
0xea: {  	[tilespmem:$0x3980] =	vst v9  }
0xeb: {  	v18 =	vor.u32 $0x103, v8;
	v9 =	vld.idx.msk [tilespmem:v63+s15+$0x0], $0xffff  }
0xec: {  	v10 =	vld.idx.msk [tilespmem:v16+s15+$0x0], $0xffff  }
0xed: {  	v19 =	vor.u32 $0x104, v8  }
0xee: {  	v12 =	vld.idx.msk [tilespmem:v17+s15+$0x0], $0xffff  }
0xef: {  	v20 =	vor.u32 $0x105, v8  }
0xf0: {  	v11 =	vld.idx.msk [tilespmem:v18+s15+$0x0], $0xffff  }
0xf1: {  	v21 =	vor.u32 $0x106, v8;
	vm7 =	vgt.s32 v9, v10  }
0xf2: {  	v22 =	vld.idx.msk [tilespmem:v19+s15+$0x0], $0xffff;
	v9 =	vsel vm7, v9, v10  }
0xf3: {  	v23 =	vor.u32 $0x107, v8;
	vm7 =	vgt.s32 v9, v12  }
0xf4: {  	v24 =	vld.idx.msk [tilespmem:v20+s15+$0x0], $0xffff;
	v9 =	vsel vm7, v9, v12  }
0xf5: {  	v25 =	vor.u32 $0x108, v8;
	vm7 =	vgt.s32 v9, v11  }
0xf6: {  	v26 =	vld.idx.msk [tilespmem:v21+s15+$0x0], $0xffff;
	v9 =	vsel vm7, v9, v11  }
0xf7: {  	v27 =	vor.u32 $0x109, v8;
	vm7 =	vgt.s32 v9, v22  }
0xf8: {  	v28 =	vld.idx.msk [tilespmem:v23+s15+$0x0], $0xffff;
	v9 =	vsel vm7, v9, v22  }
0xf9: {  	v29 =	vor.u32 $0x10A, v8;
	vm7 =	vgt.s32 v9, v24  }
0xfa: {  	v30 =	vld.idx.msk [tilespmem:v25+s15+$0x0], $0xffff;
	v9 =	vsel vm7, v9, v24  }
0xfb: {  	v31 =	vor.u32 $0x10B, v8;
	vm7 =	vgt.s32 v9, v26  }
0xfc: {  	v32 =	vld.idx.msk [tilespmem:v27+s15+$0x0], $0xffff;
	v9 =	vsel vm7, v9, v26  }
0xfd: {  	v33 =	vor.u32 $0x10C, v8;
	vm7 =	vgt.s32 v9, v28  }
0xfe: {  	v34 =	vld.idx.msk [tilespmem:v29+s15+$0x0], $0xffff;
	v9 =	vsel vm7, v9, v28  }
0xff: {  	v35 =	vor.u32 $0x10D, v8;
	vm7 =	vgt.s32 v9, v30  }
0x100: {  	v36 =	vld.idx.msk [tilespmem:v31+s15+$0x0], $0xffff;
	v9 =	vsel vm7, v9, v30  }
0x101: {  	v37 =	vor.u32 $0x10E, v8;
	vm7 =	vgt.s32 v9, v32  }
0x102: {  	v38 =	vld.idx.msk [tilespmem:v33+s15+$0x0], $0xffff;
	v9 =	vsel vm7, v9, v32  }
0x103: {  	v39 =	vor.u32 $0x10F, v8;
	vm7 =	vgt.s32 v9, v34  }
0x104: {  	v40 =	vld.idx.msk [tilespmem:v35+s15+$0x0], $0xffff;
	v9 =	vsel vm7, v9, v34  }
0x105: {  	vm7 =	vgt.s32 v9, v36  }
0x106: {  	v41 =	vld.idx.msk [tilespmem:v37+s15+$0x0], $0xffff;
	v9 =	vsel vm7, v9, v36  }
0x107: {  	vm7 =	vgt.s32 v9, v38  }
0x108: {  	v42 =	vld.idx.msk [tilespmem:v39+s15+$0x0], $0xffff;
	v9 =	vsel vm7, v9, v38  }
0x109: {  	vm7 =	vgt.s32 v9, v40  }
0x10a: {  	v9 =	vsel vm7, v9, v40  }
0x10b: {  	v43 =	vor.u32 $0x200, v8;
	vm7 =	vgt.s32 v9, v41  }
0x10c: {  	v44 =	vor.u32 $0x201, v8;
	v9 =	vsel vm7, v9, v41  }
0x10d: {  	vm7 =	vgt.s32 v9, v42  }
0x10e: {  	v45 =	vor.u32 $0x202, v8;
	v9 =	vsel vm7, v9, v42  }
0x10f: {  	[tilespmem:$0x3990] =	vst v9  }
0x110: {  	v46 =	vor.u32 $0x203, v8;
	v9 =	vld.idx.msk [tilespmem:v43+s15+$0x0], $0xffff  }
0x111: {  	v12 =	vld.idx.msk [tilespmem:v44+s15+$0x0], $0xffff  }
0x112: {  	v47 =	vor.u32 $0x204, v8  }
0x113: {  	v11 =	vld.idx.msk [tilespmem:v45+s15+$0x0], $0xffff  }
0x114: {  	v48 =	vor.u32 $0x205, v8  }
0x115: {  	v10 =	vld.idx.msk [tilespmem:v46+s15+$0x0], $0xffff  }
0x116: {  	v49 =	vor.u32 $0x206, v8;
	vm7 =	vgt.s32 v9, v12  }
0x117: {  	v50 =	vld.idx.msk [tilespmem:v47+s15+$0x0], $0xffff;
	v9 =	vsel vm7, v9, v12  }
0x118: {  	v51 =	vor.u32 $0x207, v8;
	vm7 =	vgt.s32 v9, v11  }
0x119: {  	v52 =	vld.idx.msk [tilespmem:v48+s15+$0x0], $0xffff;
	v9 =	vsel vm7, v9, v11  }
0x11a: {  	v53 =	vor.u32 $0x208, v8;
	vm7 =	vgt.s32 v9, v10  }
0x11b: {  	v54 =	vld.idx.msk [tilespmem:v49+s15+$0x0], $0xffff;
	v9 =	vsel vm7, v9, v10  }
0x11c: {  	v55 =	vor.u32 $0x209, v8;
	vm7 =	vgt.s32 v9, v50  }
0x11d: {  	v56 =	vld.idx.msk [tilespmem:v51+s15+$0x0], $0xffff;
	v9 =	vsel vm7, v9, v50  }
0x11e: {  	v57 =	vor.u32 $0x20A, v8;
	vm7 =	vgt.s32 v9, v52  }
0x11f: {  	v58 =	vld.idx.msk [tilespmem:v53+s15+$0x0], $0xffff;
	v9 =	vsel vm7, v9, v52  }
0x120: {  	v59 =	vor.u32 $0x20B, v8;
	vm7 =	vgt.s32 v9, v54  }
0x121: {  	v60 =	vld.idx.msk [tilespmem:v55+s15+$0x0], $0xffff;
	v9 =	vsel vm7, v9, v54  }
0x122: {  	v61 =	vor.u32 $0x20C, v8;
	vm7 =	vgt.s32 v9, v56  }
0x123: {  	v62 =	vld.idx.msk [tilespmem:v57+s15+$0x0], $0xffff;
	v9 =	vsel vm7, v9, v56  }
0x124: {  	v63 =	vor.u32 $0x20D, v8;
	vm7 =	vgt.s32 v9, v58  }
0x125: {  	v16 =	vld.idx.msk [tilespmem:v59+s15+$0x0], $0xffff;
	v9 =	vsel vm7, v9, v58  }
0x126: {  	v17 =	vor.u32 $0x20E, v8;
	vm7 =	vgt.s32 v9, v60  }
0x127: {  	v18 =	vld.idx.msk [tilespmem:v61+s15+$0x0], $0xffff;
	v9 =	vsel vm7, v9, v60  }
0x128: {  	v8 =	vor.u32 $0x20F, v8;
	vm7 =	vgt.s32 v9, v62  }
0x129: {  	v21 =	vsel vm0, $0x300, v5;
	v19 =	vld.idx.msk [tilespmem:v63+s15+$0x0], $0xffff;
	v9 =	vsel vm7, v9, v62  }
0x12a: {  	v29 =	vsel vm0, $0x303, v5;
	v33 =	vsel vm0, $0x307, v5;
	vm7 =	vgt.s32 v9, v16  }
0x12b: {  	v31 =	vsel vm0, $0x305, v5;
	v15 =	vsel vm1, $0x317, v33;
	v20 =	vld.idx.msk [tilespmem:v17+s15+$0x0], $0xffff;
	v9 =	vsel vm7, v9, v16  }
0x12c: {  	v13 =	vsel vm1, $0x310, v21;
	v15 =	vsel vm2, $0x327, v15;
	vm7 =	vgt.s32 v9, v18  }
0x12d: {  	v23 =	vsel vm2, $0x320, v13;
	v15 =	vsel vm3, $0x337, v15;
	v8 =	vld.idx.msk [tilespmem:v8+s15+$0x0], $0xffff;
	v9 =	vsel vm7, v9, v18  }
0x12e: {  	v22 =	vsel vm0, $0x301, v5;
	v10 =	vsel vm3, $0x330, v23;
	vm7 =	vgt.s32 v9, v19  }
0x12f: {  	v24 =	vsel vm1, $0x311, v22;
	v10 =	vsel vm4, $0x340, v10;
	v9 =	vsel vm7, v9, v19  }
0x130: {  	v13 =	vsel vm2, $0x321, v24;
	v10 =	vsel vm5, $0x350, v10;
	vm7 =	vgt.s32 v9, v20  }
0x131: {  	v25 =	vsel vm3, $0x331, v13;
	v13 =	vsel vm1, $0x315, v31;
	v9 =	vsel vm7, v9, v20  }
0x132: {  	v13 =	vsel vm2, $0x325, v13;
	v11 =	vsel vm1, $0x313, v29;
	vm7 =	vgt.s32 v9, v8  }
0x133: {  	v13 =	vsel vm3, $0x335, v13;
	v11 =	vsel vm2, $0x323, v11;
	v8 =	vsel vm7, v9, v8  }
0x134: {  	v28 =	vsel vm0, $0x302, v5;
	v13 =	vsel vm4, $0x345, v13;
	v11 =	vsel vm3, $0x333, v11;
	[tilespmem:$0x39A0] =	vst v8  }
0x135: {  	v30 =	vsel vm0, $0x304, v5;
	v11 =	vsel vm4, $0x343, v11;
	v8 =	vld.idx.msk [tilespmem:v10+s15+$0x0], $0xffff;
	v10 =	vsel vm1, $0x312, v28  }
0x136: {  	v12 =	vsel vm4, $0x341, v25;
	v11 =	vsel vm5, $0x353, v11;
	v10 =	vsel vm2, $0x322, v10  }
0x137: {  	v32 =	vsel vm0, $0x306, v5;
	v26 =	vsel vm5, $0x351, v12;
	v10 =	vsel vm3, $0x332, v10  }
0x138: {  	v14 =	vsel vm1, $0x316, v32;
	v12 =	vsel vm1, $0x314, v30;
	v10 =	vsel vm4, $0x342, v10  }
0x139: {  	v14 =	vsel vm2, $0x326, v14;
	v12 =	vsel vm2, $0x324, v12;
	v10 =	vsel vm5, $0x352, v10  }
0x13a: {  	v34 =	vsel vm0, $0x308, v5;
	v14 =	vsel vm3, $0x336, v14;
	v12 =	vsel vm3, $0x334, v12  }
0x13b: {  	v37 =	vsel vm1, $0x318, v34;
	v14 =	vsel vm4, $0x346, v14;
	v12 =	vsel vm4, $0x344, v12;
	v11 =	vld.idx.msk [tilespmem:v11+s15+$0x0], $0xffff  }
0x13c: {  	v36 =	vsel vm4, $0x347, v15;
	v15 =	vsel vm2, $0x328, v37;
	v12 =	vsel vm5, $0x354, v12;
	v27 =	vld.idx.msk [tilespmem:v26+s15+$0x0], $0xffff  }
0x13d: {  	v13 =	vsel vm5, $0x355, v13;
	v14 =	vsel vm5, $0x356, v14;
	v15 =	vsel vm3, $0x338, v15  }
0x13e: {  	v39 =	vsel vm4, $0x348, v15;
	v44 =	vsel vm0, $0x309, v5;
	v47 =	vsel vm0, $0x30A, v5;
	v10 =	vld.idx.msk [tilespmem:v10+s15+$0x0], $0xffff  }
0x13f: {  	v48 =	vsel vm0, $0x30B, v5;
	v49 =	vsel vm0, $0x30C, v5;
	v51 =	vsel vm0, $0x30E, v5  }
0x140: {  	v45 =	vsel vm1, $0x319, v44;
	v38 =	vnsel vm6, $0x80000000, v11;
	v11 =	vsel vm5, $0x358, v39  }
0x141: {  	v15 =	vsel vm1, $0x31E, v51;
	v35 =	vld.idx.msk [tilespmem:v12+s15+$0x0], $0xffff;
	v8 =	vnsel vm6, $0x80000000, v8;
	v9 =	vnsel vm6, $0x80000000, v27  }
0x142: {  	v15 =	vsel vm2, $0x32E, v15;
	v52 =	vsel vm0, $0x30F, v5;
	v13 =	vld.idx.msk [tilespmem:v13+s15+$0x0], $0xffff;
	vm7 =	vgt.s32 v8, v9  }
0x143: {  	v12 =	vsel vm5, $0x357, v36;
	v14 =	vld.idx.msk [tilespmem:v14+s15+$0x0], $0xffff;
	v8 =	vsel vm7, v8, v9;
	v10 =	vnsel vm6, $0x80000000, v10  }
0x144: {  	v15 =	vsel vm3, $0x33E, v15;
	v16 =	vsel vm1, $0x31F, v52;
	vm7 =	vgt.s32 v8, v10  }
0x145: {  	v50 =	vsel vm0, $0x30D, v5;
	v55 =	vsel vm2, $0x32F, v16;
	v11 =	vld.idx.msk [tilespmem:v11+s15+$0x0], $0xffff;
	v8 =	vsel vm7, v8, v10  }
0x146: {  	v54 =	vsel vm4, $0x34E, v15;
	v15 =	vsel vm3, $0x33F, v55;
	vm7 =	vgt.s32 v8, v38  }
0x147: {  	v41 =	vnsel vm6, $0x80000000, v13;
	v9 =	vnsel vm6, $0x80000000, v35;
	v8 =	vsel vm7, v8, v38  }
0x148: {  	v40 =	vld.idx.msk [tilespmem:v12+s15+$0x0], $0xffff;
	v42 =	vnsel vm6, $0x80000000, v14;
	v12 =	vsel vm1, $0x31B, v48;
	vm7 =	vgt.s32 v8, v9  }
0x149: {  	v12 =	vsel vm2, $0x32B, v12;
	v8 =	vsel vm7, v8, v9;
	v9 =	vsel vm2, $0x329, v45  }
0x14a: {  	v46 =	vnsel vm6, $0x80000000, v11;
	v11 =	vsel vm1, $0x31A, v47;
	v9 =	vsel vm3, $0x339, v9  }
0x14b: {  	v12 =	vsel vm3, $0x33B, v12;
	v11 =	vsel vm2, $0x32A, v11;
	v9 =	vsel vm4, $0x349, v9  }
0x14c: {  	v12 =	vsel vm4, $0x34B, v12;
	v11 =	vsel vm3, $0x33A, v11;
	v9 =	vsel vm5, $0x359, v9  }
0x14d: {  	v13 =	vsel vm1, $0x31C, v49;
	v12 =	vsel vm5, $0x35B, v12;
	v11 =	vsel vm4, $0x34A, v11  }
0x14e: {  	v14 =	vsel vm1, $0x31D, v50;
	v13 =	vsel vm2, $0x32C, v13;
	v11 =	vsel vm5, $0x35A, v11  }
0x14f: {  	v14 =	vsel vm2, $0x32D, v14;
	v13 =	vsel vm3, $0x33C, v13;
	vm7 =	vgt.s32 v8, v41  }
0x150: {  	v14 =	vsel vm3, $0x33D, v14;
	v13 =	vsel vm4, $0x34C, v13;
	v8 =	vsel vm7, v8, v41  }
0x151: {  	v14 =	vsel vm4, $0x34D, v14;
	v13 =	vsel vm5, $0x35C, v13;
	vm7 =	vgt.s32 v8, v42;
	v9 =	vld.idx.msk [tilespmem:v9+s15+$0x0], $0xffff  }
0x152: {  	v14 =	vsel vm5, $0x35D, v14;
	v43 =	vnsel vm6, $0x80000000, v40;
	v53 =	vld.idx.msk [tilespmem:v12+s15+$0x0], $0xffff;
	v8 =	vsel vm7, v8, v42  }
0x153: {  	v15 =	vsel vm4, $0x34F, v15;
	v12 =	vsel vm5, $0x35E, v54;
	v11 =	vld.idx.msk [tilespmem:v11+s15+$0x0], $0xffff;
	vm7 =	vgt.s32 v8, v43  }
0x154: {  	v57 =	vsel vm5, $0x35F, v15;
	v8 =	vsel vm7, v8, v43  }
0x155: {  	vm7 =	vgt.s32 v8, v46  }
0x156: {  	v13 =	vld.idx.msk [tilespmem:v13+s15+$0x0], $0xffff;
	v8 =	vsel vm7, v8, v46;
	v9 =	vnsel vm6, $0x80000000, v9  }
0x157: {  	v14 =	vld.idx.msk [tilespmem:v14+s15+$0x0], $0xffff;
	vm7 =	vgt.s32 v8, v9  }
0x158: {  	v59 =	vld.idx.msk [tilespmem:v12+s15+$0x0], $0xffff;
	v56 =	vnsel vm6, $0x80000000, v11;
	v8 =	vsel vm7, v8, v9  }
0x159: {  	v11 =	vld.idx.msk [tilespmem:v57+s15+$0x0], $0xffff;
	[tilespmem:$0x3A00] =	vst v6;
	vm7 =	vgt.s32 v8, v56  }
0x15a: {  	v58 =	vnsel vm6, $0x80000000, v53;
	[tilespmem:$0x3A80] =	vst v5;
	v8 =	vsel vm7, v8, v56  }
0x15b: {  	[tilespmem:$0x3B00] =	vst v5;
	vm7 =	vgt.s32 v8, v58  }
0x15c: {  	v60 =	vnsel vm6, $0x80000000, v13;
	[tilespmem:$0x3A10] =	vst v6;
	v8 =	vsel vm7, v8, v58  }
0x15d: {  	[tilespmem:$0x3A90] =	vst v5;
	vm7 =	vgt.s32 v8, v60  }
0x15e: {  	v61 =	vnsel vm6, $0x80000000, v14;
	[tilespmem:$0x3B10] =	vst v5;
	v8 =	vsel vm7, v8, v60  }
0x15f: {  	[tilespmem:$0x3A20] =	vst v6;
	vm7 =	vgt.s32 v8, v61  }
0x160: {  	v62 =	vnsel vm6, $0x80000000, v59;
	[tilespmem:$0x3AA0] =	vst v5;
	v8 =	vsel vm7, v8, v61  }
0x161: {  	[tilespmem:$0x3B20] =	vst v5;
	vm7 =	vgt.s32 v8, v62  }
0x162: {  	[tilespmem:$0x3A30] =	vst v6;
	v63 =	vnsel vm6, $0x80000000, v11;
	v8 =	vsel vm7, v8, v62  }
0x163: {  	[tilespmem:$0x3AB0] =	vst v5;
	vm7 =	vgt.s32 v8, v63  }
0x164: {  	[tilespmem:$0x3B30] =	vst v5;
	v8 =	vsel vm7, v8, v63  }
0x165: {  	s0 =	simm.s32 $0x0;
	[tilespmem:$0x39B0] =	vst v8  }
.LBB2_4:
0x166: {  	v8 =	vld [tilespmem:$0x3980]  }
0x167: {  	v9 =	vld [tilespmem:$0x3990];
	_ =	sdelay $0x1  }
0x168: {  	v10 =	vld [tilespmem:$0x39A0];
	_ =	sdelay $0x1  }
0x169: {  	v11 =	vld [tilespmem:$0x39B0]  }
0x16a: {  	vm7 =	vgt.s32 v8, v9  }
0x16b: {  	v12 =	vsel vm7, v8, v9  }
0x16c: {  	vm7 =	vgt.s32 v12, v10  }
0x16d: {  	v12 =	vsel vm7, v12, v10  }
0x16e: {  	vm7 =	vgt.s32 v12, v11  }
0x16f: {  	v12 =	vsel vm7, v12, v11  }
0x170: {  	v12 =	vxor.u32 $0x80000000, v12  }
0x171: {  	(xrf0) =	vmax.scan.msk.u32 $0xffff, v12;
	_ =	sdelay $0x5  }
0x172: {  	v12, _, _ =	vpop (xrf0)  }
0x173: {  	(v2sf) =	vpush v12, $0xF;
	_ =	sdelay $0xe  }
0x174: {  	s1 =	spop (v2sf)  }
0x175: {  	s1 =	sxor.u32 $0x80000000, s1  }
0x176: {  	vm7 =	veq.s32 v8, s1  }
0x177: {  	v8 =	vmctz.xlane vm7  }
0x178: {  	v45 =	vmpcnt.ones.xlane vm7;
	vm7 =	veq.s32 v9, s1  }
0x179: {  	v9 =	vmctz.xlane vm7;
	vm8 =	vlt.s32 v8, $0x270F  }
0x17a: {  	v8 =	vnsel vm8, $0x270F, v8;
	vm8 =	vgt.s32 v45, $0x0  }
0x17b: {  	v9 =	vadd.s32 $0x10, v9;
	v8 =	vnsel vm8, $0x270F, v8  }
0x17c: {  	v46 =	vmpcnt.ones.xlane vm7;
	vm8 =	veq.s32 v10, s1;
	vm7 =	vlt.s32 v8, v9  }
0x17d: {  	v10 =	vmpcnt.ones.xlane vm8;
	v13 =	vmctz.xlane vm8;
	vm8 =	veq.s32 v11, s1  }
0x17e: {  	v9 =	vsel vm7, v8, v9;
	vm7 =	vgt.s32 v46, $0x0;
	v11 =	vmpcnt.ones.xlane vm8  }
0x17f: {  	v47 =	vmctz.xlane vm8;
	vm8 =	vgt.s32 v10, $0x0;
	v48 =	vadd.s32 $0x20, v13  }
0x180: {  	v8 =	vsel vm7, v9, v8;
	v49 =	vnsel vm8, $0x270F, v48  }
0x181: {  	vm8 =	vgt.s32 v11, $0x0;
	v50 =	vadd.s32 $0x30, v47;
	vm7 =	vlt.s32 v8, v49  }
0x182: {  	v51 =	vnsel vm8, $0x270F, v50;
	v8 =	vsel vm7, v8, v49  }
0x183: {  	vm7 =	vlt.s32 v8, v51  }
0x184: {  	v8 =	vsel vm7, v8, v51  }
0x185: {  	v9 =	vshll.u32 v8, $0x4  }
0x186: {  	v52 =	vor.u32 v4, v9;
	_ =	sdelay $0x4  }
0x187: {  	v10 =	vld.idx.msk [tilespmem:v52+s15+$0x0], $0xffff;
	_ =	sdelay $0x4  }
0x188: {  	vm7 =	veq.s32 v10, s1  }
0x189: {  	v53 =	vmctz.xlane vm7  }
0x18a: {  	v54 =	vmul.u32 $0x360, v4  }
0x18b: {  	v9 =	vadd.s32 v53, v9  }
0x18c: {  	v12 =	vadd.s32 v54, v9;
	_ =	sdelay $0x4  }
0x18d: {  	v55 =	vld.idx.msk [tilespmem:v12+s2+$0x0], $0xffff;
	_ =	sdelay $0x4  }
0x18e: {  	v14 =	vshra.s32 v55, $0x1F  }
0x18f: {  	vm7 =	vge.s32 v12, v0;
	vm8 =	vlt.s32 v12, v1;
	v14 =	vshrl.u32 v14, $0x1  }
0x190: {  	vm7 =	vmand vm7, vm8;
	v13 =	vxor.u32 v55, v14  }
0x191: {  	v13 =	vnsel vm7, $0x80000000, v13  }
0x192: {  	vm7 =	veq.s32 v13, s1  }
0x193: {  	v56 =	vmctz.xlane vm7;
	_ =	sdelay $0x1  }
0x194: {  	v13 =	vxor.u32 $0x80000000, v13;
	vm7 =	veq.s32 v56, v4  }
0x195: {  	v13 =	vsel vm7, $0x0, v13  }
0x196: {  	(xrf0) =	vmax.scan.msk.u32 $0xffff, v13;
	_ =	sdelay $0x5  }
0x197: {  	v13, _, _ =	vpop (xrf0)  }
0x198: {  	(v2sf) =	vpush v13, $0xF;
	_ =	sdelay $0xe  }
0x199: {  	s3 =	spop (v2sf)  }
0x19a: {  	vm8 =	veq.s32 v53, v4;
	s3 =	sxor.u32 $0x80000000, s3  }
0x19b: {  	v10 =	vsel vm8, s3, v10  }
0x19c: {  	v10 =	vxor.u32 $0x80000000, v10  }
0x19d: {  	(xrf0) =	vmax.scan.msk.u32 $0xffff, v10;
	_ =	sdelay $0x5  }
0x19e: {  	v10, _, _ =	vpop (xrf0)  }
0x19f: {  	(v2sf) =	vpush v10, $0xF;
	_ =	sdelay $0x7  }
0x1a0: {  	v58 =	vmov s0;
	v57 =	vmul.u32 $0x360, v56;
	_ =	sdelay $0x1  }
0x1a1: {  	v10 =	vadd.s32 v57, v2  }
0x1a2: {  	v10 =	vadd.s32 v9, v10  }
0x1a3: {  	v59 =	vmov s1;
	v60 =	vmul.u32 $0x2D03, v10  }
0x1a4: {  	p0 =	sne.s32 s0, $0x31;
	[tilespmem:v58+s16+$0x0] =	vst.idx.msk $0x1, v59  }
.Ltmp1:
0x1a5: {  	[tilespmem:v58+s17+$0x0] =	vst.idx.msk $0x1, v10;
	v61 =	vshrl.u32 v60, $0x14;
	(pc) =	sbr.rel @p0 .LBB2_4-.Ltmp1, $4  }
0x1a6: {  	[tilespmem:v58+s18+$0x0] =	vst.idx.msk $0x1, v61;
	s31 =	spop (v2sf)  }
0x1a7: {  	v62 =	vmov s3;
	[tilespmem:v12+s2+$0x0] =	vst.idx.msk vm7, v7;
	s1 =	sxor.u32 $0x80000000, s31  }
0x1a8: {  	[tilespmem:v9+s15+$0x0] =	vst.idx.msk $0x1, v62;
	v63 =	vmov s1  }
0x1a9: {  	s0 =	sadd.s32 $0x1, s0;
	[tilespmem:v8+s19+$0x0] =	vst.idx.msk $0x1, v63  }
0x1aa: {  	_ =	swait.ge [sflag:s20], $0x8920  }
0x1ab: {  	[sflag:s20] =	ssyncset.done $0x0  }
0x1ac: {  	[sflag:s20] =	ssyncadd.s32 $0xFFFF76E0  }
0x1ad: {  	_ =	swait.ge [sflag:s21], $0x4B0  }
0x1ae: {  	[sflag:s21] =	ssyncset.done $0x0  }
0x1af: {  	[sflag:s21] =	ssyncadd.s32 $0xFFFFFB50  }
0x1b0: {  	v8 =	vld [tilespmem:$0x3B30]  }
0x1b1: {  	v9 =	vld [tilespmem:$0x3B20]  }
0x1b2: {  	v10 =	vld [tilespmem:$0x3B10]  }
0x1b3: {  	v11 =	vld [tilespmem:$0x3B00];
	_ =	sdelay $0x1  }
0x1b4: {  	v12 =	vmul.u32 $0x75, v8  }
0x1b5: {  	v13 =	vmul.u32 $0x75, v9  }
0x1b6: {  	s3 =	simm.s32 $0x0;
	v16 =	vmul.u32 $0x75, v10;
	v14 =	vadd.s32 v3, v12  }
0x1b7: {  	v12 =	vmul.u32 $0x75, v11;
	v15 =	vadd.s32 v3, v13;
	v13 =	vadd.s32 s3, v14  }
0x1b8: {  	v16 =	vadd.s32 v3, v16;
	v17 =	vadd.s32 s3, v15  }
0x1b9: {  	v20 =	vadd.s32 v3, v12;
	v12 =	vadd.s32 s3, v16  }
0x1ba: {  	v18 =	vadd.s32 s3, v20;
	_ =	sdelay $0x1  }
0x1bb: {  	s0 =	simm.s32 $0x1;
	v19 =	vld.idx.msk [tilespmem:v13+s12+$0x0], $0xffff  }
0x1bc: {  	v26 =	vld.idx.msk [tilespmem:v17+s12+$0x0], $0xffff;
	v13 =	vadd.s32 s0, v14  }
0x1bd: {  	v23 =	vadd.s32 s0, v15;
	v17 =	vld.idx.msk [tilespmem:v12+s12+$0x0], $0xffff  }
0x1be: {  	v24 =	vadd.s32 s0, v16;
	v25 =	vld.idx.msk [tilespmem:v18+s12+$0x0], $0xffff  }
0x1bf: {  	v32 =	vadd.s32 s0, v20  }
0x1c0: {  	v22 =	vimm.f32 $-3.399999950e+38;
	v30 =	vimm.s32 $0x0;
	s1 =	simm.s32 $0x2  }
0x1c1: {  	v21 =	vadd.s32 s1, v14;
	v27 =	vadd.s32 s1, v15;
	vm7 =	vgt.f32 v19, v22;
	v13 =	vld.idx.msk [tilespmem:v13+s12+$0x0], $0xffff  }
0x1c2: {  	v31 =	vadd.s32 s1, v16;
	v18 =	vld.idx.msk [tilespmem:v23+s12+$0x0], $0xffff;
	vm8 =	vgt.f32 v26, v22;
	v12 =	vsel vm7, s3, v30  }
0x1c3: {  	v23 =	vld.idx.msk [tilespmem:v24+s12+$0x0], $0xffff;
	v28 =	vsel vm8, s3, v30;
	vm8 =	vgt.f32 v17, v22;
	vm7 =	vgt.f32 v25, v22  }
0x1c4: {  	v34 =	vadd.s32 s1, v20;
	v24 =	vsel vm8, s3, v30;
	v29 =	vsel vm7, s3, v30;
	v30 =	vld.idx.msk [tilespmem:v32+s12+$0x0], $0xffff  }
0x1c5: {  	s22 =	simm.s32 $0x3;
	v33 =	vimm.f32 $-3.399999950e+38;
	v19 =	vmax.f32 v22, v19;
	v32 =	vimm.f32 $-3.399999950e+38  }
.LBB2_6:
0x1c6: {  	vm7 =	vgt.f32 v13, v19;
	v22 =	vmax.f32 v22, v26;
	v35 =	vmovc v13;
	v13 =	vld.idx.msk [tilespmem:v21+s12+$0x0], $0xffff;
	v21 =	vadd.s32 s22, v14;
	s3 =	smov.u32 s22;
	p0 =	sne.s32 s22, $0x74  }
.Ltmp2:
0x1c7: {  	v26 =	vmovc v18;
	vm8 =	vgt.f32 v18, v22;
	v12 =	vsel vm7, s0, v12;
	v18 =	vld.idx.msk [tilespmem:v27+s12+$0x0], $0xffff;
	v27 =	vadd.s32 s22, v15;
	(pc) =	sbr.rel @p0 .LBB2_6-.Ltmp2, $4  }
0x1c8: {  	v33 =	vmax.f32 v33, v25;
	v32 =	vmax.f32 v32, v17;
	v17 =	vmovc v23;
	v28 =	vsel vm8, s0, v28;
	v23 =	vld.idx.msk [tilespmem:v31+s12+$0x0], $0xffff  }
0x1c9: {  	v31 =	vadd.s32 s22, v16;
	vm7 =	vgt.f32 v30, v33;
	vm8 =	vgt.f32 v17, v32;
	v25 =	vmovc v30;
	v30 =	vld.idx.msk [tilespmem:v34+s12+$0x0], $0xffff  }
0x1ca: {  	s22 =	sadd.s32 $0x1, s22;
	v34 =	vadd.s32 s3, v20;
	v29 =	vsel vm7, s0, v29;
	v24 =	vsel vm8, s0, v24;
	s0 =	smov.u32 s1  }
0x1cb: {  	v19 =	vmax.f32 v19, v35;
	s1 =	smov.u32 s3  }
0x1cc: {  	_ =	sdelay $0x3  }
0x1cd: {  	v14 =	vld.idx.msk [tilespmem:v34+s12+$0x0], $0xffff  }
0x1ce: {  	v21 =	vld.idx.msk [tilespmem:v21+s12+$0x0], $0xffff  }
0x1cf: {  	v15 =	vmax.f32 v22, v26;
	vm8 =	vgt.f32 v13, v19  }
0x1d0: {  	v16 =	vld.idx.msk [tilespmem:v31+s12+$0x0], $0xffff;
	v35 =	vmax.f32 v33, v25;
	v41 =	vmax.f32 v19, v13;
	vm7 =	vgt.f32 v18, v15  }
0x1d1: {  	v20 =	vsel vm7, s0, v28;
	vm7 =	vgt.f32 v30, v35;
	v22 =	vmax.f32 v35, v30  }
0x1d2: {  	v36 =	vld.idx.msk [tilespmem:v27+s12+$0x0], $0xffff;
	v37 =	vsel vm7, s0, v29;
	vm7 =	vgt.f32 v14, v22;
	v14 =	vmax.f32 v22, v14  }
0x1d3: {  	v17 =	vmax.f32 v32, v17;
	v11 =	vshll.u32 v11, $0x2;
	v13 =	vmax.f32 v41, v21;
	[tilespmem:$0xCB00] =	vst v14  }
0x1d4: {  	v38 =	vsel vm7, s1, v37;
	vm7 =	vgt.f32 v23, v17;
	v17 =	vmax.f32 v17, v23;
	[tilespmem:$0xCB30] =	vst v13  }
0x1d5: {  	v39 =	vsel vm7, s0, v24;
	vm7 =	vgt.f32 v16, v17;
	v16 =	vmax.f32 v17, v16;
	[tilespmem:$0xCB80] =	vst v38  }
0x1d6: {  	v15 =	vmax.f32 v15, v18;
	v40 =	vor.u32 $0x2, v11;
	v14 =	vsel vm7, s1, v39;
	[tilespmem:$0xCB10] =	vst v16  }
0x1d7: {  	v43 =	vor.u32 $0x3, v11;
	vm7 =	vgt.f32 v36, v15;
	v15 =	vmax.f32 v15, v36;
	[tilespmem:$0xCB90] =	vst v14  }
0x1d8: {  	v12 =	vsel vm8, s0, v12;
	v42 =	vsel vm7, s1, v20;
	[tilespmem:$0xCB20] =	vst v15;
	vm7 =	vgt.f32 v21, v41  }
0x1d9: {  	v44 =	vor.u32 $0x1, v11;
	[tilespmem:$0xCBA0] =	vst v42;
	v12 =	vsel vm7, s1, v12  }
0x1da: {  	[tilespmem:$0xCBB0] =	vst v12  }
0x1db: {  	v12 =	vld.idx.msk [tilespmem:v40+s13+$0x0], $0xffff  }
0x1dc: {  	v45 =	vld.idx.msk [tilespmem:v43+s13+$0x0], $0xffff  }
0x1dd: {  	v11 =	vld.idx.msk [tilespmem:v11+s13+$0x0], $0xffff  }
0x1de: {  	v13 =	vld.idx.msk [tilespmem:v44+s13+$0x0], $0xffff;
	_ =	sdelay $0x1  }
0x1df: {  	v12 =	vmul.f32 $5.000000000e-01, v12  }
0x1e0: {  	v14 =	vmul.f32 $5.000000000e-01, v45  }
0x1e1: {  	v10 =	vshll.u32 v10, $0x2;
	v46 =	vsub.f32 v11, v12  }
0x1e2: {  	v48 =	vor.u32 $0x2, v10;
	v47 =	vsub.f32 v13, v14  }
0x1e3: {  	v49 =	vor.u32 $0x3, v10;
	v11 =	vadd.f32 v12, v11;
	[tilespmem:$0xCA00] =	vst v46  }
0x1e4: {  	v13 =	vadd.f32 v14, v13;
	[tilespmem:$0xCA40] =	vst v47  }
0x1e5: {  	v50 =	vor.u32 $0x1, v10;
	[tilespmem:$0xCA80] =	vst v11  }
0x1e6: {  	[tilespmem:$0xCAC0] =	vst v13  }
0x1e7: {  	v13 =	vld.idx.msk [tilespmem:v48+s13+$0x0], $0xffff  }
0x1e8: {  	v12 =	vld.idx.msk [tilespmem:v49+s13+$0x0], $0xffff  }
0x1e9: {  	v10 =	vld.idx.msk [tilespmem:v10+s13+$0x0], $0xffff  }
0x1ea: {  	v11 =	vld.idx.msk [tilespmem:v50+s13+$0x0], $0xffff;
	_ =	sdelay $0x1  }
0x1eb: {  	v13 =	vmul.f32 $5.000000000e-01, v13  }
0x1ec: {  	v12 =	vmul.f32 $5.000000000e-01, v12  }
0x1ed: {  	v9 =	vshll.u32 v9, $0x2;
	v51 =	vsub.f32 v10, v13  }
0x1ee: {  	v53 =	vor.u32 $0x2, v9;
	v52 =	vsub.f32 v11, v12  }
0x1ef: {  	v54 =	vor.u32 $0x3, v9;
	v10 =	vadd.f32 v13, v10;
	[tilespmem:$0xCA10] =	vst v51  }
0x1f0: {  	v11 =	vadd.f32 v12, v11;
	[tilespmem:$0xCA50] =	vst v52  }
0x1f1: {  	v55 =	vor.u32 $0x1, v9;
	[tilespmem:$0xCA90] =	vst v10  }
0x1f2: {  	[tilespmem:$0xCAD0] =	vst v11  }
0x1f3: {  	v11 =	vld.idx.msk [tilespmem:v53+s13+$0x0], $0xffff  }
0x1f4: {  	v56 =	vld.idx.msk [tilespmem:v54+s13+$0x0], $0xffff  }
0x1f5: {  	v9 =	vld.idx.msk [tilespmem:v9+s13+$0x0], $0xffff  }
0x1f6: {  	v10 =	vld.idx.msk [tilespmem:v55+s13+$0x0], $0xffff;
	_ =	sdelay $0x1  }
0x1f7: {  	v11 =	vmul.f32 $5.000000000e-01, v11  }
0x1f8: {  	v12 =	vmul.f32 $5.000000000e-01, v56  }
0x1f9: {  	v8 =	vshll.u32 v8, $0x2;
	v57 =	vsub.f32 v9, v11  }
0x1fa: {  	v59 =	vor.u32 $0x2, v8;
	v58 =	vsub.f32 v10, v12  }
0x1fb: {  	v60 =	vor.u32 $0x3, v8;
	v9 =	vadd.f32 v11, v9;
	[tilespmem:$0xCA20] =	vst v57  }
0x1fc: {  	v10 =	vadd.f32 v12, v10;
	[tilespmem:$0xCA60] =	vst v58  }
0x1fd: {  	v61 =	vor.u32 $0x1, v8;
	[tilespmem:$0xCAA0] =	vst v9  }
0x1fe: {  	[tilespmem:$0xCAE0] =	vst v10  }
0x1ff: {  	v10 =	vld.idx.msk [tilespmem:v59+s13+$0x0], $0xffff  }
0x200: {  	v11 =	vld.idx.msk [tilespmem:v60+s13+$0x0], $0xffff  }
0x201: {  	v8 =	vld.idx.msk [tilespmem:v8+s13+$0x0], $0xffff  }
0x202: {  	v9 =	vld.idx.msk [tilespmem:v61+s13+$0x0], $0xffff;
	_ =	sdelay $0x1  }
0x203: {  	v10 =	vmul.f32 $5.000000000e-01, v10  }
0x204: {  	v11 =	vmul.f32 $5.000000000e-01, v11  }
0x205: {  	v62 =	vsub.f32 v8, v10  }
0x206: {  	v63 =	vsub.f32 v9, v11  }
0x207: {  	v8 =	vadd.f32 v10, v8;
	[tilespmem:$0xCA30] =	vst v62  }
0x208: {  	v9 =	vadd.f32 v11, v9;
	[tilespmem:$0xCA70] =	vst v63  }
0x209: {  	[tilespmem:$0xCAB0] =	vst v8  }
0x20a: {  	[tilespmem:$0xCAF0] =	vst v9  }
0x20b: {  	[hbm4b:s6+s2] =	stream.linear.scatter [tilespmem:s16], [sflag:$0x3], $0x80, $0x38;
	[tilespmem:$0xCC00] =	vst v63  }
0x20c: {  	_ =	swait.ge [sflag:s14], $0x80  }
0x20d: {  	[sflag:s14] =	ssyncset.done $0x0  }
0x20e: {  	[sflag:s14] =	ssyncadd.s32 $0xFFFFFF80  }
0x20f: {  	[hbm4b:s7+s2] =	stream.linear.scatter [tilespmem:s17], [sflag:$0x3], $0x80, $0x38;
	[tilespmem:$0xCC00] =	vst v63  }
0x210: {  	_ =	swait.ge [sflag:s14], $0x80  }
0x211: {  	s26 =	simm.s32 $0x80;
	[sflag:s14] =	ssyncset.done $0x0  }
0x212: {  	s29 =	simm.s32 $0x400;
	s3 =	simm.s32 $0xCA00;
	[sflag:s14] =	ssyncadd.s32 $0xFFFFFF80  }
0x213: {  	[hbm4b:s8+s26] =	stream.strided.scatter [tilespmem:s3], [sflag:$0x3], $0x100, s29, s26, $0x38;
	[tilespmem:$0xCC00] =	vst v63  }
0x214: {  	_ =	swait.ge [sflag:s14], $0x100  }
0x215: {  	[sflag:s14] =	ssyncset.done $0x0  }
0x216: {  	s30 =	simm.s32 $0xCB00;
	[sflag:s14] =	ssyncadd.s32 $0xFFFFFF00  }
0x217: {  	[hbm4b:s9+s2] =	stream.linear.scatter [tilespmem:s30], [sflag:$0x3], $0x80, $0x38;
	[tilespmem:$0xCC00] =	vst v63  }
0x218: {  	s28 =	sadd.s32 $0x1, s28;
	_ =	swait.ge [sflag:s14], $0x80  }
0x219: {  	p0 =	sne.s32 s28, s11;
	[sflag:s14] =	ssyncset.done $0x0  }
.Ltmp3:
0x21a: {  	s31 =	simm.s32 $0xCB80;
	[sflag:s14] =	ssyncadd.s32 $0xFFFFFF80;
	(pc) =	sbr.rel @p0 .LBB2_1-.Ltmp3, $4  }
0x21b: {  	[hbm4b:s10+s2] =	stream.linear.scatter [tilespmem:s31], [sflag:$0x3], $0x80, $0x38;
	[tilespmem:$0xCC00] =	vst v63  }
0x21c: {  	_ =	swait.ge [sflag:s14], $0x80  }
0x21d: {  	[sflag:s14] =	ssyncset.done $0x0  }
0x21e: {  	[sflag:s14] =	ssyncadd.s32 $0xFFFFFF80  }
0x21f: {  	_ =	sfence.sel $0x180000  }
0x220: {  	[bflag:$0x0] =	sbarrier.arrive $0xFFFF  }
0x221: {  	_ =	strace $0x90000047  }
0x222: {  	s0 =	stileid.u32;
	[bflag:$0x2] =	sbarrier.arrive $0xFFFF  }
0x223: {  	p0 =	sne.s32 s0, $0x0;
	s0 =	rddreg [dreg:$0x2]  }
0x224: {  	s0 =	sadd.s32 @!p0 $0x100000, s0  }
0x225: {  	[sflag:s0] =	ssyncadd.tile.s32 @!p0 $0x1;
	_ =	shalt  }
.Lfunc_end2:
_tile_overlayer_lowered:
.L_overlay_start_2:
0x226: {  	(tag) =	ssettag $0x2  }
0x227: {  	s0 =	rddreg [dreg:$0x0];
	s2 =	stileid.u32  }
0x228: {  	s1 =	rddreg [dreg:$0x1];
	p0 =	sne.s32 s2, $0x0  }
0x229: {  	s3 =	rddreg [dreg:$0x2];
	[bflag:$0x3] =	sbarrier.arrive $0xFFFF;
	s2 =	simm.s32 @!p0 $0x1C03  }
0x22a: {  	[timem:s3], [sflag:s2] =	dma.local @!p0 [hbm:s0], s1  }
0x22b: {  	s0 =	simm.s32 @!p0 $0x3  }
0x22c: {  	_ =	swait.ge @!p0 [sflag:s0], s1  }
0x22d: {  	s1 =	ssub.s32 @!p0 $0x0, s1;
	[sflag:s0] =	ssyncset.done @!p0 $0x0  }
0x22e: {  	[sflag:s0] =	ssyncadd.s32 @!p0 s1  }
0x22f: {  	[bflag:$0x3] =	sbarrier.arrive $0xFFFF  }
0x230: {  	_ =	shalt  }

</sc_bundles>
